<compile_context>
chip_gen: v7x
topology: tpu7x:2x2x1
jax: 0.10.2.dev20260603
libtpu: 0.0.44.dev20260713+nightly
codegen_flags: <defaults>
</compile_context>

<pallas_src>
import functools

import jax
import jax.numpy as jnp
from jax import lax
from jax.experimental import pallas as pl
from jax.experimental.pallas import tpu as pltpu
from jax.experimental.pallas import tpu_sc as plsc

_NC = 2
_NS = 16
_NW = _NC * _NS
_LANES = 16
_IDX_CHUNK = 128
_G = 5


def _fuse_body(cols, n_tiles, x_ref, tab_ref, lse_ref, acc_ref):
    i = pl.program_id(0)
    ncc = (cols + 127) // 128
    x = x_ref[...]

    accs = [jnp.zeros((8, 128), jnp.float32) for _ in range(ncc)]
    for t in range(n_tiles):
        for c in range(ncc):
            w = min(128, cols - c * 128)
            slab = x[t * 8:(t + 1) * 8, c * 128:c * 128 + w]
            tab_ref[pl.ds((t * ncc + c) * 8, 8), 0:w] = slab
            e = jnp.exp(slab)
            if w < 128:
                e = jnp.pad(e, ((0, 0), (0, 128 - w)))
            accs[c] = accs[c] + e

    @pl.when(i == 0)
    def _init():
        for c in range(ncc):
            acc_ref[:, c * 128:(c + 1) * 128] = accs[c]

    @pl.when(i != 0)
    def _accum():
        for c in range(ncc):
            acc_ref[:, c * 128:(c + 1) * 128] += accs[c]

    @pl.when(i == _G - 1)
    def _fini():
        lse_ref[...] = jnp.full((1, 128), jnp.log(jnp.sum(acc_ref[...])),
                                jnp.float32)


def _gather_body(cols, b_per_w, n_hbm, m_hbm, tab_hbm, lse_hbm, out_hbm,
                 n_v, m_v, idx_v, val_v, lse_v, sem):
    n_chunks = b_per_w // _IDX_CHUNK
    ncc = (cols + 127) // 128
    wid = lax.axis_index("s") * _NC + lax.axis_index("c")
    base = wid * b_per_w
    cp_n = pltpu.async_copy(n_hbm.at[pl.ds(base, b_per_w)], n_v, sem)
    cp_m = pltpu.async_copy(m_hbm.at[pl.ds(base, b_per_w)], m_v, sem)
    cp_n.wait()
    cp_m.wait()
    descs = []
    for j in range(n_chunks):
        for k in range(_IDX_CHUNK // _LANES):
            src = pl.ds(j * _IDX_CHUNK + k * _LANES, _LANES)
            nn = n_v[src]
            mm = m_v[src]
            idx_v[j, pl.ds(k * _LANES, _LANES)] = (
                (nn >> 3) * (ncc * 1024) + (mm >> 7) * 1024
                + (nn & 7) * 128 + (mm & 127))
        descs.append(pltpu.async_copy(
            tab_hbm.at[idx_v.at[j]],
            val_v.at[pl.ds(j * _IDX_CHUNK, _IDX_CHUNK)], sem))
    pltpu.sync_copy(lse_hbm.at[0], lse_v)
    for d in descs:
        d.wait()
    lse16 = lse_v[pl.ds(0, _LANES)]
    for k in range(b_per_w // _LANES):
        sl = pl.ds(k * _LANES, _LANES)
        val_v[sl] = val_v[sl] - lse16
    pltpu.sync_copy(val_v, out_hbm.at[pl.ds(base, b_per_w)])


def kernel(n, m, logits):
    rows, cols = logits.shape
    batch = n.shape[0]
    assert batch % (_NW * _IDX_CHUNK) == 0 and rows % (8 * _G) == 0
    b_per_w = batch // _NW
    ncc = (cols + 127) // 128
    n_tiles = rows // (8 * _G)

    tab, lse = pl.pallas_call(
        functools.partial(_fuse_body, cols, n_tiles),
        grid=(_G,),
        in_specs=[
            pl.BlockSpec((rows // _G, cols), lambda i: (i, 0)),
        ],
        out_shape=[
            jax.ShapeDtypeStruct((rows * ncc, 128), jnp.float32),
            jax.ShapeDtypeStruct((1, 128), jnp.float32),
        ],
        out_specs=[
            pl.BlockSpec((rows * ncc // _G, 128), lambda i: (i, 0)),
            pl.BlockSpec((1, 128), lambda i: (0, 0)),
        ],
        scratch_shapes=[pltpu.VMEM((8, ncc * 128), jnp.float32)],
    )(logits)

    gather = pl.kernel(
        functools.partial(_gather_body, cols, b_per_w),
        out_type=jax.ShapeDtypeStruct((batch,), jnp.float32),
        mesh=plsc.VectorSubcoreMesh(core_axis_name="c", subcore_axis_name="s"),
        scratch_types=[
            pltpu.VMEM((b_per_w,), jnp.int32),
            pltpu.VMEM((b_per_w,), jnp.int32),
            pltpu.VMEM((b_per_w // _IDX_CHUNK, _IDX_CHUNK), jnp.int32),
            pltpu.VMEM((b_per_w,), jnp.float32),
            pltpu.VMEM((128,), jnp.float32),
            pltpu.SemaphoreType.DMA,
        ],
    )
    return gather(n.astype(jnp.int32), m.astype(jnp.int32),
                  tab.reshape(-1), lse)

# --- scband reference (transcript-rebuilt; emitter-appended) ---
"""Pipeline reference for scband-cardinality-12635793785318 (READ-ONLY COPY).

The authoritative reference and input builder live on the scoring server;
editing this copy changes nothing except your own understanding.
"""

import jax, jax.numpy as jnp
import numpy as np

MAX_ATOMS = 1000
MAX_BONDS = 1000
BATCH = 16384

def setup_inputs(seed: int = 0) -> dict:
    key = jax.random.key(seed)
    k1, k2, k3 = jax.random.split(key, 3)
    logits = jax.random.normal(k1, (MAX_ATOMS, MAX_BONDS), dtype=jnp.float32)
    n = jax.random.randint(k2, (BATCH,), 0, MAX_ATOMS, dtype=jnp.int64 if jax.config.jax_enable_x64 else jnp.int32)
    m = jax.random.randint(k3, (BATCH,), 0, MAX_BONDS, dtype=jnp.int64 if jax.config.jax_enable_x64 else jnp.int32)
    return {"n": n, "m": m, "logits": logits}

def reference(n, m, logits):
    # logs = self.logits.view(-1).log_softmax(-1).view(*self.logits.shape)
    logs = jax.nn.log_softmax(logits.reshape(-1), axis=-1).reshape(logits.shape)
    # return logs[n, m]
    return logs[n, m]

if __name__ == "__main__":
    import jax
    _d = setup_inputs()
    print(jax.jit(kernel)(*tuple(_d.values())))

</pallas_src>

<mosaic_0001>
#map = affine_map<(d0, d1) -> (0)>
#map1 = affine_map<(d0, d1) -> (0, 0)>
module attributes {stable_mosaic.version = 14 : i64} {
  func.func @_gather_body(%arg0: i32, %arg1: i32, %arg2: memref<16384xi32, #tpu.memory_space<hbm>>, %arg3: memref<16384xi32, #tpu.memory_space<hbm>>, %arg4: memref<1024000xf32, #tpu.memory_space<hbm>>, %arg5: memref<1x128xf32, #tpu.memory_space<hbm>>, %arg6: memref<16384xf32, #tpu.memory_space<hbm>>, %arg7: memref<512xi32, #tpu.memory_space<vmem>>, %arg8: memref<512xi32, #tpu.memory_space<vmem>>, %arg9: memref<4x128xi32, #tpu.memory_space<vmem>>, %arg10: memref<512xf32, #tpu.memory_space<vmem>>, %arg11: memref<128xf32, #tpu.memory_space<vmem>>, %arg12: memref<!tpu.dma_semaphore, #tpu.memory_space<semaphore_mem>>) attributes {dimension_semantics = [#tpu.dimension_semantics<core_parallel>, #tpu.dimension_semantics<subcore_parallel>], iteration_bounds = array<i64: 2, 16>, scalar_prefetch = 0 : i64, scratch_operands = 6 : i64, tpu.core_type = #tpu.core_type<sc_vector_subcore>, window_params = [{transform_indices = #map}, {transform_indices = #map}, {transform_indices = #map}, {transform_indices = #map1}, {transform_indices = #map}]} {
    %mul3A = arith.constant 2 : i32
    %mul3A_0 = arith.muli %arg1, %mul3A : i32
    %add3A = arith.addi %mul3A_0, %arg0 : i32
    %mul3A_1 = arith.constant 512 : i32
    %mul3A_2 = arith.muli %add3A, %mul3A_1 : i32
    %dma_start3A = tpu.memref_slice %arg2[%mul3A_2] : memref<16384xi32, #tpu.memory_space<hbm>> -> memref<512xi32, #tpu.memory_space<hbm>>
    %dma_start3A_3 = tpu.memref_slice %arg2[%mul3A_2] : memref<16384xi32, #tpu.memory_space<hbm>> -> memref<512xi32, #tpu.memory_space<hbm>>
    tpu.enqueue_dma source(%dma_start3A_3 : memref<512xi32, #tpu.memory_space<hbm>>) target(%arg7 : memref<512xi32, #tpu.memory_space<vmem>>) target_semaphore(%arg12 : memref<!tpu.dma_semaphore, #tpu.memory_space<semaphore_mem>>)
    %dma_start3A_4 = tpu.memref_slice %arg3[%mul3A_2] : memref<16384xi32, #tpu.memory_space<hbm>> -> memref<512xi32, #tpu.memory_space<hbm>>
    %dma_start3A_5 = tpu.memref_slice %arg3[%mul3A_2] : memref<16384xi32, #tpu.memory_space<hbm>> -> memref<512xi32, #tpu.memory_space<hbm>>
    tpu.enqueue_dma source(%dma_start3A_5 : memref<512xi32, #tpu.memory_space<hbm>>) target(%arg8 : memref<512xi32, #tpu.memory_space<vmem>>) target_semaphore(%arg12 : memref<!tpu.dma_semaphore, #tpu.memory_space<semaphore_mem>>)
    %dma_wait3A = tpu.memref_slice %arg2[%mul3A_2] : memref<16384xi32, #tpu.memory_space<hbm>> -> memref<512xi32, #tpu.memory_space<hbm>>
    %dma_wait3A_6 = tpu.memref_slice %arg2[%mul3A_2] : memref<16384xi32, #tpu.memory_space<hbm>> -> memref<512xi32, #tpu.memory_space<hbm>>
    tpu.wait_dma2 semaphore(%arg12 : memref<!tpu.dma_semaphore, #tpu.memory_space<semaphore_mem>>) src(%dma_wait3A_6 : memref<512xi32, #tpu.memory_space<hbm>>) dst(%arg7 : memref<512xi32, #tpu.memory_space<vmem>>)
    %dma_wait3A_7 = tpu.memref_slice %arg3[%mul3A_2] : memref<16384xi32, #tpu.memory_space<hbm>> -> memref<512xi32, #tpu.memory_space<hbm>>
    %dma_wait3A_8 = tpu.memref_slice %arg3[%mul3A_2] : memref<16384xi32, #tpu.memory_space<hbm>> -> memref<512xi32, #tpu.memory_space<hbm>>
    tpu.wait_dma2 semaphore(%arg12 : memref<!tpu.dma_semaphore, #tpu.memory_space<semaphore_mem>>) src(%dma_wait3A_8 : memref<512xi32, #tpu.memory_space<hbm>>) dst(%arg8 : memref<512xi32, #tpu.memory_space<vmem>>)
    %get3A = arith.constant 0 : index
    %get3A_9 = tpu.vector_load %arg7[%get3A] {strides = array<i32>} : memref<512xi32, #tpu.memory_space<vmem>>, vector<16xi32>,
    %get3A_10 = vector.shape_cast %get3A_9 : vector<16xi32> to vector<16xi32>
    %get3A_11 = arith.constant 0 : index
    %get3A_12 = tpu.vector_load %arg8[%get3A_11] {strides = array<i32>} : memref<512xi32, #tpu.memory_space<vmem>>, vector<16xi32>,
    %get3A_13 = vector.shape_cast %get3A_12 : vector<16xi32> to vector<16xi32>
    %shift_right_arithmetic3A = arith.constant 3 : i32
    %shift_right_arithmetic3A_14 = vector.broadcast %shift_right_arithmetic3A : i32 to vector<16xi32>
    %shift_right_arithmetic3A_15 = arith.shrsi %get3A_10, %shift_right_arithmetic3A_14 : vector<16xi32>
    %mul3A_16 = arith.constant 8192 : i32
    %mul3A_17 = vector.broadcast %mul3A_16 : i32 to vector<16xi32>
    %mul3A_18 = arith.muli %shift_right_arithmetic3A_15, %mul3A_17 : vector<16xi32>
    %shift_right_arithmetic3A_19 = arith.constant 7 : i32
    %shift_right_arithmetic3A_20 = vector.broadcast %shift_right_arithmetic3A_19 : i32 to vector<16xi32>
    %shift_right_arithmetic3A_21 = arith.shrsi %get3A_13, %shift_right_arithmetic3A_20 : vector<16xi32>
    %mul3A_22 = arith.constant 1024 : i32
    %mul3A_23 = vector.broadcast %mul3A_22 : i32 to vector<16xi32>
    %mul3A_24 = arith.muli %shift_right_arithmetic3A_21, %mul3A_23 : vector<16xi32>
    %add3A_25 = arith.addi %mul3A_18, %mul3A_24 : vector<16xi32>
    %and3A = arith.constant 7 : i32
    %and3A_26 = vector.broadcast %and3A : i32 to vector<16xi32>
    %and3A_27 = arith.andi %get3A_10, %and3A_26 : vector<16xi32>
    %mul3A_28 = arith.constant 128 : i32
    %mul3A_29 = vector.broadcast %mul3A_28 : i32 to vector<16xi32>
    %mul3A_30 = arith.muli %and3A_27, %mul3A_29 : vector<16xi32>
    %add3A_31 = arith.addi %add3A_25, %mul3A_30 : vector<16xi32>
    %and3A_32 = arith.constant 127 : i32
    %and3A_33 = vector.broadcast %and3A_32 : i32 to vector<16xi32>
    %and3A_34 = arith.andi %get3A_13, %and3A_33 : vector<16xi32>
    %add3A_35 = arith.addi %add3A_31, %and3A_34 : vector<16xi32>
    %swap3A = arith.constant 0 : i32
    %swap3A_36 = arith.index_cast %swap3A : i32 to index
    %swap3A_37 = arith.constant 0 : index
    %swap3A_38 = tpu.vector_load %arg9[%swap3A_36, %swap3A_37] {strides = array<i32>} : memref<4x128xi32, #tpu.memory_space<vmem>>, vector<1x16xi32>,
    %swap3A_39 = vector.shape_cast %swap3A_38 : vector<1x16xi32> to vector<16xi32>
    %swap3A_40 = vector.shape_cast %add3A_35 : vector<16xi32> to vector<1x16xi32>
    tpu.vector_store %arg9[%swap3A_36, %swap3A_37], %swap3A_40 {strides = array<i32>} : memref<4x128xi32, #tpu.memory_space<vmem>>, vector<1x16xi32>,
    %get3A_41 = arith.constant 16 : index
    %get3A_42 = tpu.vector_load %arg7[%get3A_41] {strides = array<i32>} : memref<512xi32, #tpu.memory_space<vmem>>, vector<16xi32>,
    %get3A_43 = vector.shape_cast %get3A_42 : vector<16xi32> to vector<16xi32>
    %get3A_44 = arith.constant 16 : index
    %get3A_45 = tpu.vector_load %arg8[%get3A_44] {strides = array<i32>} : memref<512xi32, #tpu.memory_space<vmem>>, vector<16xi32>,
    %get3A_46 = vector.shape_cast %get3A_45 : vector<16xi32> to vector<16xi32>
    %shift_right_arithmetic3A_47 = arith.constant 3 : i32
    %shift_right_arithmetic3A_48 = vector.broadcast %shift_right_arithmetic3A_47 : i32 to vector<16xi32>
    %shift_right_arithmetic3A_49 = arith.shrsi %get3A_43, %shift_right_arithmetic3A_48 : vector<16xi32>
    %mul3A_50 = arith.constant 8192 : i32
    %mul3A_51 = vector.broadcast %mul3A_50 : i32 to vector<16xi32>
    %mul3A_52 = arith.muli %shift_right_arithmetic3A_49, %mul3A_51 : vector<16xi32>
    %shift_right_arithmetic3A_53 = arith.constant 7 : i32
    %shift_right_arithmetic3A_54 = vector.broadcast %shift_right_arithmetic3A_53 : i32 to vector<16xi32>
    %shift_right_arithmetic3A_55 = arith.shrsi %get3A_46, %shift_right_arithmetic3A_54 : vector<16xi32>
    %mul3A_56 = arith.constant 1024 : i32
    %mul3A_57 = vector.broadcast %mul3A_56 : i32 to vector<16xi32>
    %mul3A_58 = arith.muli %shift_right_arithmetic3A_55, %mul3A_57 : vector<16xi32>
    %add3A_59 = arith.addi %mul3A_52, %mul3A_58 : vector<16xi32>
    %and3A_60 = arith.constant 7 : i32
    %and3A_61 = vector.broadcast %and3A_60 : i32 to vector<16xi32>
    %and3A_62 = arith.andi %get3A_43, %and3A_61 : vector<16xi32>
    %mul3A_63 = arith.constant 128 : i32
    %mul3A_64 = vector.broadcast %mul3A_63 : i32 to vector<16xi32>
    %mul3A_65 = arith.muli %and3A_62, %mul3A_64 : vector<16xi32>
    %add3A_66 = arith.addi %add3A_59, %mul3A_65 : vector<16xi32>
    %and3A_67 = arith.constant 127 : i32
    %and3A_68 = vector.broadcast %and3A_67 : i32 to vector<16xi32>
    %and3A_69 = arith.andi %get3A_46, %and3A_68 : vector<16xi32>
    %add3A_70 = arith.addi %add3A_66, %and3A_69 : vector<16xi32>
    %swap3A_71 = arith.constant 0 : i32
    %swap3A_72 = arith.index_cast %swap3A_71 : i32 to index
    %swap3A_73 = arith.constant 16 : index
    %swap3A_74 = tpu.vector_load %arg9[%swap3A_72, %swap3A_73] {strides = array<i32>} : memref<4x128xi32, #tpu.memory_space<vmem>>, vector<1x16xi32>,
    %swap3A_75 = vector.shape_cast %swap3A_74 : vector<1x16xi32> to vector<16xi32>
    %swap3A_76 = vector.shape_cast %add3A_70 : vector<16xi32> to vector<1x16xi32>
    tpu.vector_store %arg9[%swap3A_72, %swap3A_73], %swap3A_76 {strides = array<i32>} : memref<4x128xi32, #tpu.memory_space<vmem>>, vector<1x16xi32>,
    %get3A_77 = arith.constant 32 : index
    %get3A_78 = tpu.vector_load %arg7[%get3A_77] {strides = array<i32>} : memref<512xi32, #tpu.memory_space<vmem>>, vector<16xi32>,
    %get3A_79 = vector.shape_cast %get3A_78 : vector<16xi32> to vector<16xi32>
    %get3A_80 = arith.constant 32 : index
    %get3A_81 = tpu.vector_load %arg8[%get3A_80] {strides = array<i32>} : memref<512xi32, #tpu.memory_space<vmem>>, vector<16xi32>,
    %get3A_82 = vector.shape_cast %get3A_81 : vector<16xi32> to vector<16xi32>
    %shift_right_arithmetic3A_83 = arith.constant 3 : i32
    %shift_right_arithmetic3A_84 = vector.broadcast %shift_right_arithmetic3A_83 : i32 to vector<16xi32>
    %shift_right_arithmetic3A_85 = arith.shrsi %get3A_79, %shift_right_arithmetic3A_84 : vector<16xi32>
    %mul3A_86 = arith.constant 8192 : i32
    %mul3A_87 = vector.broadcast %mul3A_86 : i32 to vector<16xi32>
    %mul3A_88 = arith.muli %shift_right_arithmetic3A_85, %mul3A_87 : vector<16xi32>
    %shift_right_arithmetic3A_89 = arith.constant 7 : i32
    %shift_right_arithmetic3A_90 = vector.broadcast %shift_right_arithmetic3A_89 : i32 to vector<16xi32>
    %shift_right_arithmetic3A_91 = arith.shrsi %get3A_82, %shift_right_arithmetic3A_90 : vector<16xi32>
    %mul3A_92 = arith.constant 1024 : i32
    %mul3A_93 = vector.broadcast %mul3A_92 : i32 to vector<16xi32>
    %mul3A_94 = arith.muli %shift_right_arithmetic3A_91, %mul3A_93 : vector<16xi32>
    %add3A_95 = arith.addi %mul3A_88, %mul3A_94 : vector<16xi32>
    %and3A_96 = arith.constant 7 : i32
    %and3A_97 = vector.broadcast %and3A_96 : i32 to vector<16xi32>
    %and3A_98 = arith.andi %get3A_79, %and3A_97 : vector<16xi32>
    %mul3A_99 = arith.constant 128 : i32
    %mul3A_100 = vector.broadcast %mul3A_99 : i32 to vector<16xi32>
    %mul3A_101 = arith.muli %and3A_98, %mul3A_100 : vector<16xi32>
    %add3A_102 = arith.addi %add3A_95, %mul3A_101 : vector<16xi32>
    %and3A_103 = arith.constant 127 : i32
    %and3A_104 = vector.broadcast %and3A_103 : i32 to vector<16xi32>
    %and3A_105 = arith.andi %get3A_82, %and3A_104 : vector<16xi32>
    %add3A_106 = arith.addi %add3A_102, %and3A_105 : vector<16xi32>
    %swap3A_107 = arith.constant 0 : i32
    %swap3A_108 = arith.index_cast %swap3A_107 : i32 to index
    %swap3A_109 = arith.constant 32 : index
    %swap3A_110 = tpu.vector_load %arg9[%swap3A_108, %swap3A_109] {strides = array<i32>} : memref<4x128xi32, #tpu.memory_space<vmem>>, vector<1x16xi32>,
    %swap3A_111 = vector.shape_cast %swap3A_110 : vector<1x16xi32> to vector<16xi32>
    %swap3A_112 = vector.shape_cast %add3A_106 : vector<16xi32> to vector<1x16xi32>
    tpu.vector_store %arg9[%swap3A_108, %swap3A_109], %swap3A_112 {strides = array<i32>} : memref<4x128xi32, #tpu.memory_space<vmem>>, vector<1x16xi32>,
    %get3A_113 = arith.constant 48 : index
    %get3A_114 = tpu.vector_load %arg7[%get3A_113] {strides = array<i32>} : memref<512xi32, #tpu.memory_space<vmem>>, vector<16xi32>,
    %get3A_115 = vector.shape_cast %get3A_114 : vector<16xi32> to vector<16xi32>
    %get3A_116 = arith.constant 48 : index
    %get3A_117 = tpu.vector_load %arg8[%get3A_116] {strides = array<i32>} : memref<512xi32, #tpu.memory_space<vmem>>, vector<16xi32>,
    %get3A_118 = vector.shape_cast %get3A_117 : vector<16xi32> to vector<16xi32>
    %shift_right_arithmetic3A_119 = arith.constant 3 : i32
    %shift_right_arithmetic3A_120 = vector.broadcast %shift_right_arithmetic3A_119 : i32 to vector<16xi32>
    %shift_right_arithmetic3A_121 = arith.shrsi %get3A_115, %shift_right_arithmetic3A_120 : vector<16xi32>
    %mul3A_122 = arith.constant 8192 : i32
    %mul3A_123 = vector.broadcast %mul3A_122 : i32 to vector<16xi32>
    %mul3A_124 = arith.muli %shift_right_arithmetic3A_121, %mul3A_123 : vector<16xi32>
    %shift_right_arithmetic3A_125 = arith.constant 7 : i32
    %shift_right_arithmetic3A_126 = vector.broadcast %shift_right_arithmetic3A_125 : i32 to vector<16xi32>
    %shift_right_arithmetic3A_127 = arith.shrsi %get3A_118, %shift_right_arithmetic3A_126 : vector<16xi32>
    %mul3A_128 = arith.constant 1024 : i32
    %mul3A_129 = vector.broadcast %mul3A_128 : i32 to vector<16xi32>
    %mul3A_130 = arith.muli %shift_right_arithmetic3A_127, %mul3A_129 : vector<16xi32>
    %add3A_131 = arith.addi %mul3A_124, %mul3A_130 : vector<16xi32>
    %and3A_132 = arith.constant 7 : i32
    %and3A_133 = vector.broadcast %and3A_132 : i32 to vector<16xi32>
    %and3A_134 = arith.andi %get3A_115, %and3A_133 : vector<16xi32>
    %mul3A_135 = arith.constant 128 : i32
    %mul3A_136 = vector.broadcast %mul3A_135 : i32 to vector<16xi32>
    %mul3A_137 = arith.muli %and3A_134, %mul3A_136 : vector<16xi32>
    %add3A_138 = arith.addi %add3A_131, %mul3A_137 : vector<16xi32>
    %and3A_139 = arith.constant 127 : i32
    %and3A_140 = vector.broadcast %and3A_139 : i32 to vector<16xi32>
    %and3A_141 = arith.andi %get3A_118, %and3A_140 : vector<16xi32>
    %add3A_142 = arith.addi %add3A_138, %and3A_141 : vector<16xi32>
    %swap3A_143 = arith.constant 0 : i32
    %swap3A_144 = arith.index_cast %swap3A_143 : i32 to index
    %swap3A_145 = arith.constant 48 : index
    %swap3A_146 = tpu.vector_load %arg9[%swap3A_144, %swap3A_145] {strides = array<i32>} : memref<4x128xi32, #tpu.memory_space<vmem>>, vector<1x16xi32>,
    %swap3A_147 = vector.shape_cast %swap3A_146 : vector<1x16xi32> to vector<16xi32>
    %swap3A_148 = vector.shape_cast %add3A_142 : vector<16xi32> to vector<1x16xi32>
    tpu.vector_store %arg9[%swap3A_144, %swap3A_145], %swap3A_148 {strides = array<i32>} : memref<4x128xi32, #tpu.memory_space<vmem>>, vector<1x16xi32>,
    %get3A_149 = arith.constant 64 : index
    %get3A_150 = tpu.vector_load %arg7[%get3A_149] {strides = array<i32>} : memref<512xi32, #tpu.memory_space<vmem>>, vector<16xi32>,
    %get3A_151 = vector.shape_cast %get3A_150 : vector<16xi32> to vector<16xi32>
    %get3A_152 = arith.constant 64 : index
    %get3A_153 = tpu.vector_load %arg8[%get3A_152] {strides = array<i32>} : memref<512xi32, #tpu.memory_space<vmem>>, vector<16xi32>,
    %get3A_154 = vector.shape_cast %get3A_153 : vector<16xi32> to vector<16xi32>
    %shift_right_arithmetic3A_155 = arith.constant 3 : i32
    %shift_right_arithmetic3A_156 = vector.broadcast %shift_right_arithmetic3A_155 : i32 to vector<16xi32>
    %shift_right_arithmetic3A_157 = arith.shrsi %get3A_151, %shift_right_arithmetic3A_156 : vector<16xi32>
    %mul3A_158 = arith.constant 8192 : i32
    %mul3A_159 = vector.broadcast %mul3A_158 : i32 to vector<16xi32>
    %mul3A_160 = arith.muli %shift_right_arithmetic3A_157, %mul3A_159 : vector<16xi32>
    %shift_right_arithmetic3A_161 = arith.constant 7 : i32
    %shift_right_arithmetic3A_162 = vector.broadcast %shift_right_arithmetic3A_161 : i32 to vector<16xi32>
    %shift_right_arithmetic3A_163 = arith.shrsi %get3A_154, %shift_right_arithmetic3A_162 : vector<16xi32>
    %mul3A_164 = arith.constant 1024 : i32
    %mul3A_165 = vector.broadcast %mul3A_164 : i32 to vector<16xi32>
    %mul3A_166 = arith.muli %shift_right_arithmetic3A_163, %mul3A_165 : vector<16xi32>
    %add3A_167 = arith.addi %mul3A_160, %mul3A_166 : vector<16xi32>
    %and3A_168 = arith.constant 7 : i32
    %and3A_169 = vector.broadcast %and3A_168 : i32 to vector<16xi32>
    %and3A_170 = arith.andi %get3A_151, %and3A_169 : vector<16xi32>
    %mul3A_171 = arith.constant 128 : i32
    %mul3A_172 = vector.broadcast %mul3A_171 : i32 to vector<16xi32>
    %mul3A_173 = arith.muli %and3A_170, %mul3A_172 : vector<16xi32>
    %add3A_174 = arith.addi %add3A_167, %mul3A_173 : vector<16xi32>
    %and3A_175 = arith.constant 127 : i32
    %and3A_176 = vector.broadcast %and3A_175 : i32 to vector<16xi32>
    %and3A_177 = arith.andi %get3A_154, %and3A_176 : vector<16xi32>
    %add3A_178 = arith.addi %add3A_174, %and3A_177 : vector<16xi32>
    %swap3A_179 = arith.constant 0 : i32
    %swap3A_180 = arith.index_cast %swap3A_179 : i32 to index
    %swap3A_181 = arith.constant 64 : index
    %swap3A_182 = tpu.vector_load %arg9[%swap3A_180, %swap3A_181] {strides = array<i32>} : memref<4x128xi32, #tpu.memory_space<vmem>>, vector<1x16xi32>,
    %swap3A_183 = vector.shape_cast %swap3A_182 : vector<1x16xi32> to vector<16xi32>
    %swap3A_184 = vector.shape_cast %add3A_178 : vector<16xi32> to vector<1x16xi32>
    tpu.vector_store %arg9[%swap3A_180, %swap3A_181], %swap3A_184 {strides = array<i32>} : memref<4x128xi32, #tpu.memory_space<vmem>>, vector<1x16xi32>,
    %get3A_185 = arith.constant 80 : index
    %get3A_186 = tpu.vector_load %arg7[%get3A_185] {strides = array<i32>} : memref<512xi32, #tpu.memory_space<vmem>>, vector<16xi32>,
    %get3A_187 = vector.shape_cast %get3A_186 : vector<16xi32> to vector<16xi32>
    %get3A_188 = arith.constant 80 : index
    %get3A_189 = tpu.vector_load %arg8[%get3A_188] {strides = array<i32>} : memref<512xi32, #tpu.memory_space<vmem>>, vector<16xi32>,
    %get3A_190 = vector.shape_cast %get3A_189 : vector<16xi32> to vector<16xi32>
    %shift_right_arithmetic3A_191 = arith.constant 3 : i32
    %shift_right_arithmetic3A_192 = vector.broadcast %shift_right_arithmetic3A_191 : i32 to vector<16xi32>
    %shift_right_arithmetic3A_193 = arith.shrsi %get3A_187, %shift_right_arithmetic3A_192 : vector<16xi32>
    %mul3A_194 = arith.constant 8192 : i32
    %mul3A_195 = vector.broadcast %mul3A_194 : i32 to vector<16xi32>
    %mul3A_196 = arith.muli %shift_right_arithmetic3A_193, %mul3A_195 : vector<16xi32>
    %shift_right_arithmetic3A_197 = arith.constant 7 : i32
    %shift_right_arithmetic3A_198 = vector.broadcast %shift_right_arithmetic3A_197 : i32 to vector<16xi32>
    %shift_right_arithmetic3A_199 = arith.shrsi %get3A_190, %shift_right_arithmetic3A_198 : vector<16xi32>
    %mul3A_200 = arith.constant 1024 : i32
    %mul3A_201 = vector.broadcast %mul3A_200 : i32 to vector<16xi32>
    %mul3A_202 = arith.muli %shift_right_arithmetic3A_199, %mul3A_201 : vector<16xi32>
    %add3A_203 = arith.addi %mul3A_196, %mul3A_202 : vector<16xi32>
    %and3A_204 = arith.constant 7 : i32
    %and3A_205 = vector.broadcast %and3A_204 : i32 to vector<16xi32>
    %and3A_206 = arith.andi %get3A_187, %and3A_205 : vector<16xi32>
    %mul3A_207 = arith.constant 128 : i32
    %mul3A_208 = vector.broadcast %mul3A_207 : i32 to vector<16xi32>
    %mul3A_209 = arith.muli %and3A_206, %mul3A_208 : vector<16xi32>
    %add3A_210 = arith.addi %add3A_203, %mul3A_209 : vector<16xi32>
    %and3A_211 = arith.constant 127 : i32
    %and3A_212 = vector.broadcast %and3A_211 : i32 to vector<16xi32>
    %and3A_213 = arith.andi %get3A_190, %and3A_212 : vector<16xi32>
    %add3A_214 = arith.addi %add3A_210, %and3A_213 : vector<16xi32>
    %swap3A_215 = arith.constant 0 : i32
    %swap3A_216 = arith.index_cast %swap3A_215 : i32 to index
    %swap3A_217 = arith.constant 80 : index
    %swap3A_218 = tpu.vector_load %arg9[%swap3A_216, %swap3A_217] {strides = array<i32>} : memref<4x128xi32, #tpu.memory_space<vmem>>, vector<1x16xi32>,
    %swap3A_219 = vector.shape_cast %swap3A_218 : vector<1x16xi32> to vector<16xi32>
    %swap3A_220 = vector.shape_cast %add3A_214 : vector<16xi32> to vector<1x16xi32>
    tpu.vector_store %arg9[%swap3A_216, %swap3A_217], %swap3A_220 {strides = array<i32>} : memref<4x128xi32, #tpu.memory_space<vmem>>, vector<1x16xi32>,
    %get3A_221 = arith.constant 96 : index
    %get3A_222 = tpu.vector_load %arg7[%get3A_221] {strides = array<i32>} : memref<512xi32, #tpu.memory_space<vmem>>, vector<16xi32>,
    %get3A_223 = vector.shape_cast %get3A_222 : vector<16xi32> to vector<16xi32>
    %get3A_224 = arith.constant 96 : index
    %get3A_225 = tpu.vector_load %arg8[%get3A_224] {strides = array<i32>} : memref<512xi32, #tpu.memory_space<vmem>>, vector<16xi32>,
    %get3A_226 = vector.shape_cast %get3A_225 : vector<16xi32> to vector<16xi32>
    %shift_right_arithmetic3A_227 = arith.constant 3 : i32
    %shift_right_arithmetic3A_228 = vector.broadcast %shift_right_arithmetic3A_227 : i32 to vector<16xi32>
    %shift_right_arithmetic3A_229 = arith.shrsi %get3A_223, %shift_right_arithmetic3A_228 : vector<16xi32>
    %mul3A_230 = arith.constant 8192 : i32
    %mul3A_231 = vector.broadcast %mul3A_230 : i32 to vector<16xi32>
    %mul3A_232 = arith.muli %shift_right_arithmetic3A_229, %mul3A_231 : vector<16xi32>
    %shift_right_arithmetic3A_233 = arith.constant 7 : i32
    %shift_right_arithmetic3A_234 = vector.broadcast %shift_right_arithmetic3A_233 : i32 to vector<16xi32>
    %shift_right_arithmetic3A_235 = arith.shrsi %get3A_226, %shift_right_arithmetic3A_234 : vector<16xi32>
    %mul3A_236 = arith.constant 1024 : i32
    %mul3A_237 = vector.broadcast %mul3A_236 : i32 to vector<16xi32>
    %mul3A_238 = arith.muli %shift_right_arithmetic3A_235, %mul3A_237 : vector<16xi32>
    %add3A_239 = arith.addi %mul3A_232, %mul3A_238 : vector<16xi32>
    %and3A_240 = arith.constant 7 : i32
    %and3A_241 = vector.broadcast %and3A_240 : i32 to vector<16xi32>
    %and3A_242 = arith.andi %get3A_223, %and3A_241 : vector<16xi32>
    %mul3A_243 = arith.constant 128 : i32
    %mul3A_244 = vector.broadcast %mul3A_243 : i32 to vector<16xi32>
    %mul3A_245 = arith.muli %and3A_242, %mul3A_244 : vector<16xi32>
    %add3A_246 = arith.addi %add3A_239, %mul3A_245 : vector<16xi32>
    %and3A_247 = arith.constant 127 : i32
    %and3A_248 = vector.broadcast %and3A_247 : i32 to vector<16xi32>
    %and3A_249 = arith.andi %get3A_226, %and3A_248 : vector<16xi32>
    %add3A_250 = arith.addi %add3A_246, %and3A_249 : vector<16xi32>
    %swap3A_251 = arith.constant 0 : i32
    %swap3A_252 = arith.index_cast %swap3A_251 : i32 to index
    %swap3A_253 = arith.constant 96 : index
    %swap3A_254 = tpu.vector_load %arg9[%swap3A_252, %swap3A_253] {strides = array<i32>} : memref<4x128xi32, #tpu.memory_space<vmem>>, vector<1x16xi32>,
    %swap3A_255 = vector.shape_cast %swap3A_254 : vector<1x16xi32> to vector<16xi32>
    %swap3A_256 = vector.shape_cast %add3A_250 : vector<16xi32> to vector<1x16xi32>
    tpu.vector_store %arg9[%swap3A_252, %swap3A_253], %swap3A_256 {strides = array<i32>} : memref<4x128xi32, #tpu.memory_space<vmem>>, vector<1x16xi32>,
    %get3A_257 = arith.constant 112 : index
    %get3A_258 = tpu.vector_load %arg7[%get3A_257] {strides = array<i32>} : memref<512xi32, #tpu.memory_space<vmem>>, vector<16xi32>,
    %get3A_259 = vector.shape_cast %get3A_258 : vector<16xi32> to vector<16xi32>
    %get3A_260 = arith.constant 112 : index
    %get3A_261 = tpu.vector_load %arg8[%get3A_260] {strides = array<i32>} : memref<512xi32, #tpu.memory_space<vmem>>, vector<16xi32>,
    %get3A_262 = vector.shape_cast %get3A_261 : vector<16xi32> to vector<16xi32>
    %shift_right_arithmetic3A_263 = arith.constant 3 : i32
    %shift_right_arithmetic3A_264 = vector.broadcast %shift_right_arithmetic3A_263 : i32 to vector<16xi32>
    %shift_right_arithmetic3A_265 = arith.shrsi %get3A_259, %shift_right_arithmetic3A_264 : vector<16xi32>
    %mul3A_266 = arith.constant 8192 : i32
    %mul3A_267 = vector.broadcast %mul3A_266 : i32 to vector<16xi32>
    %mul3A_268 = arith.muli %shift_right_arithmetic3A_265, %mul3A_267 : vector<16xi32>
    %shift_right_arithmetic3A_269 = arith.constant 7 : i32
    %shift_right_arithmetic3A_270 = vector.broadcast %shift_right_arithmetic3A_269 : i32 to vector<16xi32>
    %shift_right_arithmetic3A_271 = arith.shrsi %get3A_262, %shift_right_arithmetic3A_270 : vector<16xi32>
    %mul3A_272 = arith.constant 1024 : i32
    %mul3A_273 = vector.broadcast %mul3A_272 : i32 to vector<16xi32>
    %mul3A_274 = arith.muli %shift_right_arithmetic3A_271, %mul3A_273 : vector<16xi32>
    %add3A_275 = arith.addi %mul3A_268, %mul3A_274 : vector<16xi32>
    %and3A_276 = arith.constant 7 : i32
    %and3A_277 = vector.broadcast %and3A_276 : i32 to vector<16xi32>
    %and3A_278 = arith.andi %get3A_259, %and3A_277 : vector<16xi32>
    %mul3A_279 = arith.constant 128 : i32
    %mul3A_280 = vector.broadcast %mul3A_279 : i32 to vector<16xi32>
    %mul3A_281 = arith.muli %and3A_278, %mul3A_280 : vector<16xi32>
    %add3A_282 = arith.addi %add3A_275, %mul3A_281 : vector<16xi32>
    %and3A_283 = arith.constant 127 : i32
    %and3A_284 = vector.broadcast %and3A_283 : i32 to vector<16xi32>
    %and3A_285 = arith.andi %get3A_262, %and3A_284 : vector<16xi32>
    %add3A_286 = arith.addi %add3A_282, %and3A_285 : vector<16xi32>
    %swap3A_287 = arith.constant 0 : i32
    %swap3A_288 = arith.index_cast %swap3A_287 : i32 to index
    %swap3A_289 = arith.constant 112 : index
    %swap3A_290 = tpu.vector_load %arg9[%swap3A_288, %swap3A_289] {strides = array<i32>} : memref<4x128xi32, #tpu.memory_space<vmem>>, vector<1x16xi32>,
    %swap3A_291 = vector.shape_cast %swap3A_290 : vector<1x16xi32> to vector<16xi32>
    %swap3A_292 = vector.shape_cast %add3A_286 : vector<16xi32> to vector<1x16xi32>
    tpu.vector_store %arg9[%swap3A_288, %swap3A_289], %swap3A_292 {strides = array<i32>} : memref<4x128xi32, #tpu.memory_space<vmem>>, vector<1x16xi32>,
    %dma_start3A_293 = arith.constant 0 : i32
    %dma_start3A_294 = arith.constant 0 : i32
    %dma_start3A_295 = tpu.memref_slice %arg10[%dma_start3A_294] : memref<512xf32, #tpu.memory_space<vmem>> -> memref<128xf32, #tpu.memory_space<vmem>>
    %dma_start3A_296 = arith.constant 0 : i32
    %dma_start3A_297 = tpu.memref_slice %arg9[%dma_start3A_293, %dma_start3A_296] : memref<4x128xi32, #tpu.memory_space<vmem>> -> memref<1x128xi32, #tpu.memory_space<vmem>>
    %dma_start3A_298 = tpu.memref_squeeze %dma_start3A_297 : memref<1x128xi32, #tpu.memory_space<vmem>> -> memref<128xi32, #tpu.memory_space<vmem>>
    %dma_start3A_299 = arith.constant 0 : i32
    %dma_start3A_300 = tpu.memref_slice %arg4[%dma_start3A_299] : memref<1024000xf32, #tpu.memory_space<hbm>> -> memref<1024000xf32, #tpu.memory_space<hbm>>
    tpu.enqueue_indirect_dma source(%dma_start3A_300 : memref<1024000xf32, #tpu.memory_space<hbm>>) target(%dma_start3A_295 : memref<128xf32, #tpu.memory_space<vmem>>) offsets(%dma_start3A_298 : memref<128xi32, #tpu.memory_space<vmem>>) semaphore(%arg12 : memref<!tpu.dma_semaphore, #tpu.memory_space<semaphore_mem>>)
    %get3A_301 = arith.constant 128 : index
    %get3A_302 = tpu.vector_load %arg7[%get3A_301] {strides = array<i32>} : memref<512xi32, #tpu.memory_space<vmem>>, vector<16xi32>,
    %get3A_303 = vector.shape_cast %get3A_302 : vector<16xi32> to vector<16xi32>
    %get3A_304 = arith.constant 128 : index
    %get3A_305 = tpu.vector_load %arg8[%get3A_304] {strides = array<i32>} : memref<512xi32, #tpu.memory_space<vmem>>, vector<16xi32>,
    %get3A_306 = vector.shape_cast %get3A_305 : vector<16xi32> to vector<16xi32>
    %shift_right_arithmetic3A_307 = arith.constant 3 : i32
    %shift_right_arithmetic3A_308 = vector.broadcast %shift_right_arithmetic3A_307 : i32 to vector<16xi32>
    %shift_right_arithmetic3A_309 = arith.shrsi %get3A_303, %shift_right_arithmetic3A_308 : vector<16xi32>
    %mul3A_310 = arith.constant 8192 : i32
    %mul3A_311 = vector.broadcast %mul3A_310 : i32 to vector<16xi32>
    %mul3A_312 = arith.muli %shift_right_arithmetic3A_309, %mul3A_311 : vector<16xi32>
    %shift_right_arithmetic3A_313 = arith.constant 7 : i32
    %shift_right_arithmetic3A_314 = vector.broadcast %shift_right_arithmetic3A_313 : i32 to vector<16xi32>
    %shift_right_arithmetic3A_315 = arith.shrsi %get3A_306, %shift_right_arithmetic3A_314 : vector<16xi32>
    %mul3A_316 = arith.constant 1024 : i32
    %mul3A_317 = vector.broadcast %mul3A_316 : i32 to vector<16xi32>
    %mul3A_318 = arith.muli %shift_right_arithmetic3A_315, %mul3A_317 : vector<16xi32>
    %add3A_319 = arith.addi %mul3A_312, %mul3A_318 : vector<16xi32>
    %and3A_320 = arith.constant 7 : i32
    %and3A_321 = vector.broadcast %and3A_320 : i32 to vector<16xi32>
    %and3A_322 = arith.andi %get3A_303, %and3A_321 : vector<16xi32>
    %mul3A_323 = arith.constant 128 : i32
    %mul3A_324 = vector.broadcast %mul3A_323 : i32 to vector<16xi32>
    %mul3A_325 = arith.muli %and3A_322, %mul3A_324 : vector<16xi32>
    %add3A_326 = arith.addi %add3A_319, %mul3A_325 : vector<16xi32>
    %and3A_327 = arith.constant 127 : i32
    %and3A_328 = vector.broadcast %and3A_327 : i32 to vector<16xi32>
    %and3A_329 = arith.andi %get3A_306, %and3A_328 : vector<16xi32>
    %add3A_330 = arith.addi %add3A_326, %and3A_329 : vector<16xi32>
    %swap3A_331 = arith.constant 1 : i32
    %swap3A_332 = arith.index_cast %swap3A_331 : i32 to index
    %swap3A_333 = arith.constant 0 : index
    %swap3A_334 = tpu.vector_load %arg9[%swap3A_332, %swap3A_333] {strides = array<i32>} : memref<4x128xi32, #tpu.memory_space<vmem>>, vector<1x16xi32>,
    %swap3A_335 = vector.shape_cast %swap3A_334 : vector<1x16xi32> to vector<16xi32>
    %swap3A_336 = vector.shape_cast %add3A_330 : vector<16xi32> to vector<1x16xi32>
    tpu.vector_store %arg9[%swap3A_332, %swap3A_333], %swap3A_336 {strides = array<i32>} : memref<4x128xi32, #tpu.memory_space<vmem>>, vector<1x16xi32>,
    %get3A_337 = arith.constant 144 : index
    %get3A_338 = tpu.vector_load %arg7[%get3A_337] {strides = array<i32>} : memref<512xi32, #tpu.memory_space<vmem>>, vector<16xi32>,
    %get3A_339 = vector.shape_cast %get3A_338 : vector<16xi32> to vector<16xi32>
    %get3A_340 = arith.constant 144 : index
    %get3A_341 = tpu.vector_load %arg8[%get3A_340] {strides = array<i32>} : memref<512xi32, #tpu.memory_space<vmem>>, vector<16xi32>,
    %get3A_342 = vector.shape_cast %get3A_341 : vector<16xi32> to vector<16xi32>
    %shift_right_arithmetic3A_343 = arith.constant 3 : i32
    %shift_right_arithmetic3A_344 = vector.broadcast %shift_right_arithmetic3A_343 : i32 to vector<16xi32>
    %shift_right_arithmetic3A_345 = arith.shrsi %get3A_339, %shift_right_arithmetic3A_344 : vector<16xi32>
    %mul3A_346 = arith.constant 8192 : i32
    %mul3A_347 = vector.broadcast %mul3A_346 : i32 to vector<16xi32>
    %mul3A_348 = arith.muli %shift_right_arithmetic3A_345, %mul3A_347 : vector<16xi32>
    %shift_right_arithmetic3A_349 = arith.constant 7 : i32
    %shift_right_arithmetic3A_350 = vector.broadcast %shift_right_arithmetic3A_349 : i32 to vector<16xi32>
    %shift_right_arithmetic3A_351 = arith.shrsi %get3A_342, %shift_right_arithmetic3A_350 : vector<16xi32>
    %mul3A_352 = arith.constant 1024 : i32
    %mul3A_353 = vector.broadcast %mul3A_352 : i32 to vector<16xi32>
    %mul3A_354 = arith.muli %shift_right_arithmetic3A_351, %mul3A_353 : vector<16xi32>
    %add3A_355 = arith.addi %mul3A_348, %mul3A_354 : vector<16xi32>
    %and3A_356 = arith.constant 7 : i32
    %and3A_357 = vector.broadcast %and3A_356 : i32 to vector<16xi32>
    %and3A_358 = arith.andi %get3A_339, %and3A_357 : vector<16xi32>
    %mul3A_359 = arith.constant 128 : i32
    %mul3A_360 = vector.broadcast %mul3A_359 : i32 to vector<16xi32>
    %mul3A_361 = arith.muli %and3A_358, %mul3A_360 : vector<16xi32>
    %add3A_362 = arith.addi %add3A_355, %mul3A_361 : vector<16xi32>
    %and3A_363 = arith.constant 127 : i32
    %and3A_364 = vector.broadcast %and3A_363 : i32 to vector<16xi32>
    %and3A_365 = arith.andi %get3A_342, %and3A_364 : vector<16xi32>
    %add3A_366 = arith.addi %add3A_362, %and3A_365 : vector<16xi32>
    %swap3A_367 = arith.constant 1 : i32
    %swap3A_368 = arith.index_cast %swap3A_367 : i32 to index
    %swap3A_369 = arith.constant 16 : index
    %swap3A_370 = tpu.vector_load %arg9[%swap3A_368, %swap3A_369] {strides = array<i32>} : memref<4x128xi32, #tpu.memory_space<vmem>>, vector<1x16xi32>,
    %swap3A_371 = vector.shape_cast %swap3A_370 : vector<1x16xi32> to vector<16xi32>
    %swap3A_372 = vector.shape_cast %add3A_366 : vector<16xi32> to vector<1x16xi32>
    tpu.vector_store %arg9[%swap3A_368, %swap3A_369], %swap3A_372 {strides = array<i32>} : memref<4x128xi32, #tpu.memory_space<vmem>>, vector<1x16xi32>,
    %get3A_373 = arith.constant 160 : index
    %get3A_374 = tpu.vector_load %arg7[%get3A_373] {strides = array<i32>} : memref<512xi32, #tpu.memory_space<vmem>>, vector<16xi32>,
    %get3A_375 = vector.shape_cast %get3A_374 : vector<16xi32> to vector<16xi32>
    %get3A_376 = arith.constant 160 : index
    %get3A_377 = tpu.vector_load %arg8[%get3A_376] {strides = array<i32>} : memref<512xi32, #tpu.memory_space<vmem>>, vector<16xi32>,
    %get3A_378 = vector.shape_cast %get3A_377 : vector<16xi32> to vector<16xi32>
    %shift_right_arithmetic3A_379 = arith.constant 3 : i32
    %shift_right_arithmetic3A_380 = vector.broadcast %shift_right_arithmetic3A_379 : i32 to vector<16xi32>
    %shift_right_arithmetic3A_381 = arith.shrsi %get3A_375, %shift_right_arithmetic3A_380 : vector<16xi32>
    %mul3A_382 = arith.constant 8192 : i32
    %mul3A_383 = vector.broadcast %mul3A_382 : i32 to vector<16xi32>
    %mul3A_384 = arith.muli %shift_right_arithmetic3A_381, %mul3A_383 : vector<16xi32>
    %shift_right_arithmetic3A_385 = arith.constant 7 : i32
    %shift_right_arithmetic3A_386 = vector.broadcast %shift_right_arithmetic3A_385 : i32 to vector<16xi32>
    %shift_right_arithmetic3A_387 = arith.shrsi %get3A_378, %shift_right_arithmetic3A_386 : vector<16xi32>
    %mul3A_388 = arith.constant 1024 : i32
    %mul3A_389 = vector.broadcast %mul3A_388 : i32 to vector<16xi32>
    %mul3A_390 = arith.muli %shift_right_arithmetic3A_387, %mul3A_389 : vector<16xi32>
    %add3A_391 = arith.addi %mul3A_384, %mul3A_390 : vector<16xi32>
    %and3A_392 = arith.constant 7 : i32
    %and3A_393 = vector.broadcast %and3A_392 : i32 to vector<16xi32>
    %and3A_394 = arith.andi %get3A_375, %and3A_393 : vector<16xi32>
    %mul3A_395 = arith.constant 128 : i32
    %mul3A_396 = vector.broadcast %mul3A_395 : i32 to vector<16xi32>
    %mul3A_397 = arith.muli %and3A_394, %mul3A_396 : vector<16xi32>
    %add3A_398 = arith.addi %add3A_391, %mul3A_397 : vector<16xi32>
    %and3A_399 = arith.constant 127 : i32
    %and3A_400 = vector.broadcast %and3A_399 : i32 to vector<16xi32>
    %and3A_401 = arith.andi %get3A_378, %and3A_400 : vector<16xi32>
    %add3A_402 = arith.addi %add3A_398, %and3A_401 : vector<16xi32>
    %swap3A_403 = arith.constant 1 : i32
    %swap3A_404 = arith.index_cast %swap3A_403 : i32 to index
    %swap3A_405 = arith.constant 32 : index
    %swap3A_406 = tpu.vector_load %arg9[%swap3A_404, %swap3A_405] {strides = array<i32>} : memref<4x128xi32, #tpu.memory_space<vmem>>, vector<1x16xi32>,
    %swap3A_407 = vector.shape_cast %swap3A_406 : vector<1x16xi32> to vector<16xi32>
    %swap3A_408 = vector.shape_cast %add3A_402 : vector<16xi32> to vector<1x16xi32>
    tpu.vector_store %arg9[%swap3A_404, %swap3A_405], %swap3A_408 {strides = array<i32>} : memref<4x128xi32, #tpu.memory_space<vmem>>, vector<1x16xi32>,
    %get3A_409 = arith.constant 176 : index
    %get3A_410 = tpu.vector_load %arg7[%get3A_409] {strides = array<i32>} : memref<512xi32, #tpu.memory_space<vmem>>, vector<16xi32>,
    %get3A_411 = vector.shape_cast %get3A_410 : vector<16xi32> to vector<16xi32>
    %get3A_412 = arith.constant 176 : index
    %get3A_413 = tpu.vector_load %arg8[%get3A_412] {strides = array<i32>} : memref<512xi32, #tpu.memory_space<vmem>>, vector<16xi32>,
    %get3A_414 = vector.shape_cast %get3A_413 : vector<16xi32> to vector<16xi32>
    %shift_right_arithmetic3A_415 = arith.constant 3 : i32
    %shift_right_arithmetic3A_416 = vector.broadcast %shift_right_arithmetic3A_415 : i32 to vector<16xi32>
    %shift_right_arithmetic3A_417 = arith.shrsi %get3A_411, %shift_right_arithmetic3A_416 : vector<16xi32>
    %mul3A_418 = arith.constant 8192 : i32
    %mul3A_419 = vector.broadcast %mul3A_418 : i32 to vector<16xi32>
    %mul3A_420 = arith.muli %shift_right_arithmetic3A_417, %mul3A_419 : vector<16xi32>
    %shift_right_arithmetic3A_421 = arith.constant 7 : i32
    %shift_right_arithmetic3A_422 = vector.broadcast %shift_right_arithmetic3A_421 : i32 to vector<16xi32>
    %shift_right_arithmetic3A_423 = arith.shrsi %get3A_414, %shift_right_arithmetic3A_422 : vector<16xi32>
    %mul3A_424 = arith.constant 1024 : i32
    %mul3A_425 = vector.broadcast %mul3A_424 : i32 to vector<16xi32>
    %mul3A_426 = arith.muli %shift_right_arithmetic3A_423, %mul3A_425 : vector<16xi32>
    %add3A_427 = arith.addi %mul3A_420, %mul3A_426 : vector<16xi32>
    %and3A_428 = arith.constant 7 : i32
    %and3A_429 = vector.broadcast %and3A_428 : i32 to vector<16xi32>
    %and3A_430 = arith.andi %get3A_411, %and3A_429 : vector<16xi32>
    %mul3A_431 = arith.constant 128 : i32
    %mul3A_432 = vector.broadcast %mul3A_431 : i32 to vector<16xi32>
    %mul3A_433 = arith.muli %and3A_430, %mul3A_432 : vector<16xi32>
    %add3A_434 = arith.addi %add3A_427, %mul3A_433 : vector<16xi32>
    %and3A_435 = arith.constant 127 : i32
    %and3A_436 = vector.broadcast %and3A_435 : i32 to vector<16xi32>
    %and3A_437 = arith.andi %get3A_414, %and3A_436 : vector<16xi32>
    %add3A_438 = arith.addi %add3A_434, %and3A_437 : vector<16xi32>
    %swap3A_439 = arith.constant 1 : i32
    %swap3A_440 = arith.index_cast %swap3A_439 : i32 to index
    %swap3A_441 = arith.constant 48 : index
    %swap3A_442 = tpu.vector_load %arg9[%swap3A_440, %swap3A_441] {strides = array<i32>} : memref<4x128xi32, #tpu.memory_space<vmem>>, vector<1x16xi32>,
    %swap3A_443 = vector.shape_cast %swap3A_442 : vector<1x16xi32> to vector<16xi32>
    %swap3A_444 = vector.shape_cast %add3A_438 : vector<16xi32> to vector<1x16xi32>
    tpu.vector_store %arg9[%swap3A_440, %swap3A_441], %swap3A_444 {strides = array<i32>} : memref<4x128xi32, #tpu.memory_space<vmem>>, vector<1x16xi32>,
    %get3A_445 = arith.constant 192 : index
    %get3A_446 = tpu.vector_load %arg7[%get3A_445] {strides = array<i32>} : memref<512xi32, #tpu.memory_space<vmem>>, vector<16xi32>,
    %get3A_447 = vector.shape_cast %get3A_446 : vector<16xi32> to vector<16xi32>
    %get3A_448 = arith.constant 192 : index
    %get3A_449 = tpu.vector_load %arg8[%get3A_448] {strides = array<i32>} : memref<512xi32, #tpu.memory_space<vmem>>, vector<16xi32>,
    %get3A_450 = vector.shape_cast %get3A_449 : vector<16xi32> to vector<16xi32>
    %shift_right_arithmetic3A_451 = arith.constant 3 : i32
    %shift_right_arithmetic3A_452 = vector.broadcast %shift_right_arithmetic3A_451 : i32 to vector<16xi32>
    %shift_right_arithmetic3A_453 = arith.shrsi %get3A_447, %shift_right_arithmetic3A_452 : vector<16xi32>
    %mul3A_454 = arith.constant 8192 : i32
    %mul3A_455 = vector.broadcast %mul3A_454 : i32 to vector<16xi32>
    %mul3A_456 = arith.muli %shift_right_arithmetic3A_453, %mul3A_455 : vector<16xi32>
    %shift_right_arithmetic3A_457 = arith.constant 7 : i32
    %shift_right_arithmetic3A_458 = vector.broadcast %shift_right_arithmetic3A_457 : i32 to vector<16xi32>
    %shift_right_arithmetic3A_459 = arith.shrsi %get3A_450, %shift_right_arithmetic3A_458 : vector<16xi32>
    %mul3A_460 = arith.constant 1024 : i32
    %mul3A_461 = vector.broadcast %mul3A_460 : i32 to vector<16xi32>
    %mul3A_462 = arith.muli %shift_right_arithmetic3A_459, %mul3A_461 : vector<16xi32>
    %add3A_463 = arith.addi %mul3A_456, %mul3A_462 : vector<16xi32>
    %and3A_464 = arith.constant 7 : i32
    %and3A_465 = vector.broadcast %and3A_464 : i32 to vector<16xi32>
    %and3A_466 = arith.andi %get3A_447, %and3A_465 : vector<16xi32>
    %mul3A_467 = arith.constant 128 : i32
    %mul3A_468 = vector.broadcast %mul3A_467 : i32 to vector<16xi32>
    %mul3A_469 = arith.muli %and3A_466, %mul3A_468 : vector<16xi32>
    %add3A_470 = arith.addi %add3A_463, %mul3A_469 : vector<16xi32>
    %and3A_471 = arith.constant 127 : i32
    %and3A_472 = vector.broadcast %and3A_471 : i32 to vector<16xi32>
    %and3A_473 = arith.andi %get3A_450, %and3A_472 : vector<16xi32>
    %add3A_474 = arith.addi %add3A_470, %and3A_473 : vector<16xi32>
    %swap3A_475 = arith.constant 1 : i32
    %swap3A_476 = arith.index_cast %swap3A_475 : i32 to index
    %swap3A_477 = arith.constant 64 : index
    %swap3A_478 = tpu.vector_load %arg9[%swap3A_476, %swap3A_477] {strides = array<i32>} : memref<4x128xi32, #tpu.memory_space<vmem>>, vector<1x16xi32>,
    %swap3A_479 = vector.shape_cast %swap3A_478 : vector<1x16xi32> to vector<16xi32>
    %swap3A_480 = vector.shape_cast %add3A_474 : vector<16xi32> to vector<1x16xi32>
    tpu.vector_store %arg9[%swap3A_476, %swap3A_477], %swap3A_480 {strides = array<i32>} : memref<4x128xi32, #tpu.memory_space<vmem>>, vector<1x16xi32>,
    %get3A_481 = arith.constant 208 : index
    %get3A_482 = tpu.vector_load %arg7[%get3A_481] {strides = array<i32>} : memref<512xi32, #tpu.memory_space<vmem>>, vector<16xi32>,
    %get3A_483 = vector.shape_cast %get3A_482 : vector<16xi32> to vector<16xi32>
    %get3A_484 = arith.constant 208 : index
    %get3A_485 = tpu.vector_load %arg8[%get3A_484] {strides = array<i32>} : memref<512xi32, #tpu.memory_space<vmem>>, vector<16xi32>,
    %get3A_486 = vector.shape_cast %get3A_485 : vector<16xi32> to vector<16xi32>
    %shift_right_arithmetic3A_487 = arith.constant 3 : i32
    %shift_right_arithmetic3A_488 = vector.broadcast %shift_right_arithmetic3A_487 : i32 to vector<16xi32>
    %shift_right_arithmetic3A_489 = arith.shrsi %get3A_483, %shift_right_arithmetic3A_488 : vector<16xi32>
    %mul3A_490 = arith.constant 8192 : i32
    %mul3A_491 = vector.broadcast %mul3A_490 : i32 to vector<16xi32>
    %mul3A_492 = arith.muli %shift_right_arithmetic3A_489, %mul3A_491 : vector<16xi32>
    %shift_right_arithmetic3A_493 = arith.constant 7 : i32
    %shift_right_arithmetic3A_494 = vector.broadcast %shift_right_arithmetic3A_493 : i32 to vector<16xi32>
    %shift_right_arithmetic3A_495 = arith.shrsi %get3A_486, %shift_right_arithmetic3A_494 : vector<16xi32>
    %mul3A_496 = arith.constant 1024 : i32
    %mul3A_497 = vector.broadcast %mul3A_496 : i32 to vector<16xi32>
    %mul3A_498 = arith.muli %shift_right_arithmetic3A_495, %mul3A_497 : vector<16xi32>
    %add3A_499 = arith.addi %mul3A_492, %mul3A_498 : vector<16xi32>
    %and3A_500 = arith.constant 7 : i32
    %and3A_501 = vector.broadcast %and3A_500 : i32 to vector<16xi32>
    %and3A_502 = arith.andi %get3A_483, %and3A_501 : vector<16xi32>
    %mul3A_503 = arith.constant 128 : i32
    %mul3A_504 = vector.broadcast %mul3A_503 : i32 to vector<16xi32>
    %mul3A_505 = arith.muli %and3A_502, %mul3A_504 : vector<16xi32>
    %add3A_506 = arith.addi %add3A_499, %mul3A_505 : vector<16xi32>
    %and3A_507 = arith.constant 127 : i32
    %and3A_508 = vector.broadcast %and3A_507 : i32 to vector<16xi32>
    %and3A_509 = arith.andi %get3A_486, %and3A_508 : vector<16xi32>
    %add3A_510 = arith.addi %add3A_506, %and3A_509 : vector<16xi32>
    %swap3A_511 = arith.constant 1 : i32
    %swap3A_512 = arith.index_cast %swap3A_511 : i32 to index
    %swap3A_513 = arith.constant 80 : index
    %swap3A_514 = tpu.vector_load %arg9[%swap3A_512, %swap3A_513] {strides = array<i32>} : memref<4x128xi32, #tpu.memory_space<vmem>>, vector<1x16xi32>,
    %swap3A_515 = vector.shape_cast %swap3A_514 : vector<1x16xi32> to vector<16xi32>
    %swap3A_516 = vector.shape_cast %add3A_510 : vector<16xi32> to vector<1x16xi32>
    tpu.vector_store %arg9[%swap3A_512, %swap3A_513], %swap3A_516 {strides = array<i32>} : memref<4x128xi32, #tpu.memory_space<vmem>>, vector<1x16xi32>,
    %get3A_517 = arith.constant 224 : index
    %get3A_518 = tpu.vector_load %arg7[%get3A_517] {strides = array<i32>} : memref<512xi32, #tpu.memory_space<vmem>>, vector<16xi32>,
    %get3A_519 = vector.shape_cast %get3A_518 : vector<16xi32> to vector<16xi32>
    %get3A_520 = arith.constant 224 : index
    %get3A_521 = tpu.vector_load %arg8[%get3A_520] {strides = array<i32>} : memref<512xi32, #tpu.memory_space<vmem>>, vector<16xi32>,
    %get3A_522 = vector.shape_cast %get3A_521 : vector<16xi32> to vector<16xi32>
    %shift_right_arithmetic3A_523 = arith.constant 3 : i32
    %shift_right_arithmetic3A_524 = vector.broadcast %shift_right_arithmetic3A_523 : i32 to vector<16xi32>
    %shift_right_arithmetic3A_525 = arith.shrsi %get3A_519, %shift_right_arithmetic3A_524 : vector<16xi32>
    %mul3A_526 = arith.constant 8192 : i32
    %mul3A_527 = vector.broadcast %mul3A_526 : i32 to vector<16xi32>
    %mul3A_528 = arith.muli %shift_right_arithmetic3A_525, %mul3A_527 : vector<16xi32>
    %shift_right_arithmetic3A_529 = arith.constant 7 : i32
    %shift_right_arithmetic3A_530 = vector.broadcast %shift_right_arithmetic3A_529 : i32 to vector<16xi32>
    %shift_right_arithmetic3A_531 = arith.shrsi %get3A_522, %shift_right_arithmetic3A_530 : vector<16xi32>
    %mul3A_532 = arith.constant 1024 : i32
    %mul3A_533 = vector.broadcast %mul3A_532 : i32 to vector<16xi32>
    %mul3A_534 = arith.muli %shift_right_arithmetic3A_531, %mul3A_533 : vector<16xi32>
    %add3A_535 = arith.addi %mul3A_528, %mul3A_534 : vector<16xi32>
    %and3A_536 = arith.constant 7 : i32
    %and3A_537 = vector.broadcast %and3A_536 : i32 to vector<16xi32>
    %and3A_538 = arith.andi %get3A_519, %and3A_537 : vector<16xi32>
    %mul3A_539 = arith.constant 128 : i32
    %mul3A_540 = vector.broadcast %mul3A_539 : i32 to vector<16xi32>
    %mul3A_541 = arith.muli %and3A_538, %mul3A_540 : vector<16xi32>
    %add3A_542 = arith.addi %add3A_535, %mul3A_541 : vector<16xi32>
    %and3A_543 = arith.constant 127 : i32
    %and3A_544 = vector.broadcast %and3A_543 : i32 to vector<16xi32>
    %and3A_545 = arith.andi %get3A_522, %and3A_544 : vector<16xi32>
    %add3A_546 = arith.addi %add3A_542, %and3A_545 : vector<16xi32>
    %swap3A_547 = arith.constant 1 : i32
    %swap3A_548 = arith.index_cast %swap3A_547 : i32 to index
    %swap3A_549 = arith.constant 96 : index
    %swap3A_550 = tpu.vector_load %arg9[%swap3A_548, %swap3A_549] {strides = array<i32>} : memref<4x128xi32, #tpu.memory_space<vmem>>, vector<1x16xi32>,
    %swap3A_551 = vector.shape_cast %swap3A_550 : vector<1x16xi32> to vector<16xi32>
    %swap3A_552 = vector.shape_cast %add3A_546 : vector<16xi32> to vector<1x16xi32>
    tpu.vector_store %arg9[%swap3A_548, %swap3A_549], %swap3A_552 {strides = array<i32>} : memref<4x128xi32, #tpu.memory_space<vmem>>, vector<1x16xi32>,
    %get3A_553 = arith.constant 240 : index
    %get3A_554 = tpu.vector_load %arg7[%get3A_553] {strides = array<i32>} : memref<512xi32, #tpu.memory_space<vmem>>, vector<16xi32>,
    %get3A_555 = vector.shape_cast %get3A_554 : vector<16xi32> to vector<16xi32>
    %get3A_556 = arith.constant 240 : index
    %get3A_557 = tpu.vector_load %arg8[%get3A_556] {strides = array<i32>} : memref<512xi32, #tpu.memory_space<vmem>>, vector<16xi32>,
    %get3A_558 = vector.shape_cast %get3A_557 : vector<16xi32> to vector<16xi32>
    %shift_right_arithmetic3A_559 = arith.constant 3 : i32
    %shift_right_arithmetic3A_560 = vector.broadcast %shift_right_arithmetic3A_559 : i32 to vector<16xi32>
    %shift_right_arithmetic3A_561 = arith.shrsi %get3A_555, %shift_right_arithmetic3A_560 : vector<16xi32>
    %mul3A_562 = arith.constant 8192 : i32
    %mul3A_563 = vector.broadcast %mul3A_562 : i32 to vector<16xi32>
    %mul3A_564 = arith.muli %shift_right_arithmetic3A_561, %mul3A_563 : vector<16xi32>
    %shift_right_arithmetic3A_565 = arith.constant 7 : i32
    %shift_right_arithmetic3A_566 = vector.broadcast %shift_right_arithmetic3A_565 : i32 to vector<16xi32>
    %shift_right_arithmetic3A_567 = arith.shrsi %get3A_558, %shift_right_arithmetic3A_566 : vector<16xi32>
    %mul3A_568 = arith.constant 1024 : i32
    %mul3A_569 = vector.broadcast %mul3A_568 : i32 to vector<16xi32>
    %mul3A_570 = arith.muli %shift_right_arithmetic3A_567, %mul3A_569 : vector<16xi32>
    %add3A_571 = arith.addi %mul3A_564, %mul3A_570 : vector<16xi32>
    %and3A_572 = arith.constant 7 : i32
    %and3A_573 = vector.broadcast %and3A_572 : i32 to vector<16xi32>
    %and3A_574 = arith.andi %get3A_555, %and3A_573 : vector<16xi32>
    %mul3A_575 = arith.constant 128 : i32
    %mul3A_576 = vector.broadcast %mul3A_575 : i32 to vector<16xi32>
    %mul3A_577 = arith.muli %and3A_574, %mul3A_576 : vector<16xi32>
    %add3A_578 = arith.addi %add3A_571, %mul3A_577 : vector<16xi32>
    %and3A_579 = arith.constant 127 : i32
    %and3A_580 = vector.broadcast %and3A_579 : i32 to vector<16xi32>
    %and3A_581 = arith.andi %get3A_558, %and3A_580 : vector<16xi32>
    %add3A_582 = arith.addi %add3A_578, %and3A_581 : vector<16xi32>
    %swap3A_583 = arith.constant 1 : i32
    %swap3A_584 = arith.index_cast %swap3A_583 : i32 to index
    %swap3A_585 = arith.constant 112 : index
    %swap3A_586 = tpu.vector_load %arg9[%swap3A_584, %swap3A_585] {strides = array<i32>} : memref<4x128xi32, #tpu.memory_space<vmem>>, vector<1x16xi32>,
    %swap3A_587 = vector.shape_cast %swap3A_586 : vector<1x16xi32> to vector<16xi32>
    %swap3A_588 = vector.shape_cast %add3A_582 : vector<16xi32> to vector<1x16xi32>
    tpu.vector_store %arg9[%swap3A_584, %swap3A_585], %swap3A_588 {strides = array<i32>} : memref<4x128xi32, #tpu.memory_space<vmem>>, vector<1x16xi32>,
    %dma_start3A_589 = arith.constant 1 : i32
    %dma_start3A_590 = arith.constant 128 : i32
    %dma_start3A_591 = tpu.memref_slice %arg10[%dma_start3A_590] : memref<512xf32, #tpu.memory_space<vmem>> -> memref<128xf32, #tpu.memory_space<vmem>>
    %dma_start3A_592 = arith.constant 0 : i32
    %dma_start3A_593 = tpu.memref_slice %arg9[%dma_start3A_589, %dma_start3A_592] : memref<4x128xi32, #tpu.memory_space<vmem>> -> memref<1x128xi32, #tpu.memory_space<vmem>>
    %dma_start3A_594 = tpu.memref_squeeze %dma_start3A_593 : memref<1x128xi32, #tpu.memory_space<vmem>> -> memref<128xi32, #tpu.memory_space<vmem>>
    %dma_start3A_595 = arith.constant 0 : i32
    %dma_start3A_596 = tpu.memref_slice %arg4[%dma_start3A_595] : memref<1024000xf32, #tpu.memory_space<hbm>> -> memref<1024000xf32, #tpu.memory_space<hbm>>
    tpu.enqueue_indirect_dma source(%dma_start3A_596 : memref<1024000xf32, #tpu.memory_space<hbm>>) target(%dma_start3A_591 : memref<128xf32, #tpu.memory_space<vmem>>) offsets(%dma_start3A_594 : memref<128xi32, #tpu.memory_space<vmem>>) semaphore(%arg12 : memref<!tpu.dma_semaphore, #tpu.memory_space<semaphore_mem>>)
    %get3A_597 = arith.constant 256 : index
    %get3A_598 = tpu.vector_load %arg7[%get3A_597] {strides = array<i32>} : memref<512xi32, #tpu.memory_space<vmem>>, vector<16xi32>,
    %get3A_599 = vector.shape_cast %get3A_598 : vector<16xi32> to vector<16xi32>
    %get3A_600 = arith.constant 256 : index
    %get3A_601 = tpu.vector_load %arg8[%get3A_600] {strides = array<i32>} : memref<512xi32, #tpu.memory_space<vmem>>, vector<16xi32>,
    %get3A_602 = vector.shape_cast %get3A_601 : vector<16xi32> to vector<16xi32>
    %shift_right_arithmetic3A_603 = arith.constant 3 : i32
    %shift_right_arithmetic3A_604 = vector.broadcast %shift_right_arithmetic3A_603 : i32 to vector<16xi32>
    %shift_right_arithmetic3A_605 = arith.shrsi %get3A_599, %shift_right_arithmetic3A_604 : vector<16xi32>
    %mul3A_606 = arith.constant 8192 : i32
    %mul3A_607 = vector.broadcast %mul3A_606 : i32 to vector<16xi32>
    %mul3A_608 = arith.muli %shift_right_arithmetic3A_605, %mul3A_607 : vector<16xi32>
    %shift_right_arithmetic3A_609 = arith.constant 7 : i32
    %shift_right_arithmetic3A_610 = vector.broadcast %shift_right_arithmetic3A_609 : i32 to vector<16xi32>
    %shift_right_arithmetic3A_611 = arith.shrsi %get3A_602, %shift_right_arithmetic3A_610 : vector<16xi32>
    %mul3A_612 = arith.constant 1024 : i32
    %mul3A_613 = vector.broadcast %mul3A_612 : i32 to vector<16xi32>
    %mul3A_614 = arith.muli %shift_right_arithmetic3A_611, %mul3A_613 : vector<16xi32>
    %add3A_615 = arith.addi %mul3A_608, %mul3A_614 : vector<16xi32>
    %and3A_616 = arith.constant 7 : i32
    %and3A_617 = vector.broadcast %and3A_616 : i32 to vector<16xi32>
    %and3A_618 = arith.andi %get3A_599, %and3A_617 : vector<16xi32>
    %mul3A_619 = arith.constant 128 : i32
    %mul3A_620 = vector.broadcast %mul3A_619 : i32 to vector<16xi32>
    %mul3A_621 = arith.muli %and3A_618, %mul3A_620 : vector<16xi32>
    %add3A_622 = arith.addi %add3A_615, %mul3A_621 : vector<16xi32>
    %and3A_623 = arith.constant 127 : i32
    %and3A_624 = vector.broadcast %and3A_623 : i32 to vector<16xi32>
    %and3A_625 = arith.andi %get3A_602, %and3A_624 : vector<16xi32>
    %add3A_626 = arith.addi %add3A_622, %and3A_625 : vector<16xi32>
    %swap3A_627 = arith.constant 2 : i32
    %swap3A_628 = arith.index_cast %swap3A_627 : i32 to index
    %swap3A_629 = arith.constant 0 : index
    %swap3A_630 = tpu.vector_load %arg9[%swap3A_628, %swap3A_629] {strides = array<i32>} : memref<4x128xi32, #tpu.memory_space<vmem>>, vector<1x16xi32>,
    %swap3A_631 = vector.shape_cast %swap3A_630 : vector<1x16xi32> to vector<16xi32>
    %swap3A_632 = vector.shape_cast %add3A_626 : vector<16xi32> to vector<1x16xi32>
    tpu.vector_store %arg9[%swap3A_628, %swap3A_629], %swap3A_632 {strides = array<i32>} : memref<4x128xi32, #tpu.memory_space<vmem>>, vector<1x16xi32>,
    %get3A_633 = arith.constant 272 : index
    %get3A_634 = tpu.vector_load %arg7[%get3A_633] {strides = array<i32>} : memref<512xi32, #tpu.memory_space<vmem>>, vector<16xi32>,
    %get3A_635 = vector.shape_cast %get3A_634 : vector<16xi32> to vector<16xi32>
    %get3A_636 = arith.constant 272 : index
    %get3A_637 = tpu.vector_load %arg8[%get3A_636] {strides = array<i32>} : memref<512xi32, #tpu.memory_space<vmem>>, vector<16xi32>,
    %get3A_638 = vector.shape_cast %get3A_637 : vector<16xi32> to vector<16xi32>
    %shift_right_arithmetic3A_639 = arith.constant 3 : i32
    %shift_right_arithmetic3A_640 = vector.broadcast %shift_right_arithmetic3A_639 : i32 to vector<16xi32>
    %shift_right_arithmetic3A_641 = arith.shrsi %get3A_635, %shift_right_arithmetic3A_640 : vector<16xi32>
    %mul3A_642 = arith.constant 8192 : i32
    %mul3A_643 = vector.broadcast %mul3A_642 : i32 to vector<16xi32>
    %mul3A_644 = arith.muli %shift_right_arithmetic3A_641, %mul3A_643 : vector<16xi32>
    %shift_right_arithmetic3A_645 = arith.constant 7 : i32
    %shift_right_arithmetic3A_646 = vector.broadcast %shift_right_arithmetic3A_645 : i32 to vector<16xi32>
    %shift_right_arithmetic3A_647 = arith.shrsi %get3A_638, %shift_right_arithmetic3A_646 : vector<16xi32>
    %mul3A_648 = arith.constant 1024 : i32
    %mul3A_649 = vector.broadcast %mul3A_648 : i32 to vector<16xi32>
    %mul3A_650 = arith.muli %shift_right_arithmetic3A_647, %mul3A_649 : vector<16xi32>
    %add3A_651 = arith.addi %mul3A_644, %mul3A_650 : vector<16xi32>
    %and3A_652 = arith.constant 7 : i32
    %and3A_653 = vector.broadcast %and3A_652 : i32 to vector<16xi32>
    %and3A_654 = arith.andi %get3A_635, %and3A_653 : vector<16xi32>
    %mul3A_655 = arith.constant 128 : i32
    %mul3A_656 = vector.broadcast %mul3A_655 : i32 to vector<16xi32>
    %mul3A_657 = arith.muli %and3A_654, %mul3A_656 : vector<16xi32>
    %add3A_658 = arith.addi %add3A_651, %mul3A_657 : vector<16xi32>
    %and3A_659 = arith.constant 127 : i32
    %and3A_660 = vector.broadcast %and3A_659 : i32 to vector<16xi32>
    %and3A_661 = arith.andi %get3A_638, %and3A_660 : vector<16xi32>
    %add3A_662 = arith.addi %add3A_658, %and3A_661 : vector<16xi32>
    %swap3A_663 = arith.constant 2 : i32
    %swap3A_664 = arith.index_cast %swap3A_663 : i32 to index
    %swap3A_665 = arith.constant 16 : index
    %swap3A_666 = tpu.vector_load %arg9[%swap3A_664, %swap3A_665] {strides = array<i32>} : memref<4x128xi32, #tpu.memory_space<vmem>>, vector<1x16xi32>,
    %swap3A_667 = vector.shape_cast %swap3A_666 : vector<1x16xi32> to vector<16xi32>
    %swap3A_668 = vector.shape_cast %add3A_662 : vector<16xi32> to vector<1x16xi32>
    tpu.vector_store %arg9[%swap3A_664, %swap3A_665], %swap3A_668 {strides = array<i32>} : memref<4x128xi32, #tpu.memory_space<vmem>>, vector<1x16xi32>,
    %get3A_669 = arith.constant 288 : index
    %get3A_670 = tpu.vector_load %arg7[%get3A_669] {strides = array<i32>} : memref<512xi32, #tpu.memory_space<vmem>>, vector<16xi32>,
    %get3A_671 = vector.shape_cast %get3A_670 : vector<16xi32> to vector<16xi32>
    %get3A_672 = arith.constant 288 : index
    %get3A_673 = tpu.vector_load %arg8[%get3A_672] {strides = array<i32>} : memref<512xi32, #tpu.memory_space<vmem>>, vector<16xi32>,
    %get3A_674 = vector.shape_cast %get3A_673 : vector<16xi32> to vector<16xi32>
    %shift_right_arithmetic3A_675 = arith.constant 3 : i32
    %shift_right_arithmetic3A_676 = vector.broadcast %shift_right_arithmetic3A_675 : i32 to vector<16xi32>
    %shift_right_arithmetic3A_677 = arith.shrsi %get3A_671, %shift_right_arithmetic3A_676 : vector<16xi32>
    %mul3A_678 = arith.constant 8192 : i32
    %mul3A_679 = vector.broadcast %mul3A_678 : i32 to vector<16xi32>
    %mul3A_680 = arith.muli %shift_right_arithmetic3A_677, %mul3A_679 : vector<16xi32>
    %shift_right_arithmetic3A_681 = arith.constant 7 : i32
    %shift_right_arithmetic3A_682 = vector.broadcast %shift_right_arithmetic3A_681 : i32 to vector<16xi32>
    %shift_right_arithmetic3A_683 = arith.shrsi %get3A_674, %shift_right_arithmetic3A_682 : vector<16xi32>
    %mul3A_684 = arith.constant 1024 : i32
    %mul3A_685 = vector.broadcast %mul3A_684 : i32 to vector<16xi32>
    %mul3A_686 = arith.muli %shift_right_arithmetic3A_683, %mul3A_685 : vector<16xi32>
    %add3A_687 = arith.addi %mul3A_680, %mul3A_686 : vector<16xi32>
    %and3A_688 = arith.constant 7 : i32
    %and3A_689 = vector.broadcast %and3A_688 : i32 to vector<16xi32>
    %and3A_690 = arith.andi %get3A_671, %and3A_689 : vector<16xi32>
    %mul3A_691 = arith.constant 128 : i32
    %mul3A_692 = vector.broadcast %mul3A_691 : i32 to vector<16xi32>
    %mul3A_693 = arith.muli %and3A_690, %mul3A_692 : vector<16xi32>
    %add3A_694 = arith.addi %add3A_687, %mul3A_693 : vector<16xi32>
    %and3A_695 = arith.constant 127 : i32
    %and3A_696 = vector.broadcast %and3A_695 : i32 to vector<16xi32>
    %and3A_697 = arith.andi %get3A_674, %and3A_696 : vector<16xi32>
    %add3A_698 = arith.addi %add3A_694, %and3A_697 : vector<16xi32>
    %swap3A_699 = arith.constant 2 : i32
    %swap3A_700 = arith.index_cast %swap3A_699 : i32 to index
    %swap3A_701 = arith.constant 32 : index
    %swap3A_702 = tpu.vector_load %arg9[%swap3A_700, %swap3A_701] {strides = array<i32>} : memref<4x128xi32, #tpu.memory_space<vmem>>, vector<1x16xi32>,
    %swap3A_703 = vector.shape_cast %swap3A_702 : vector<1x16xi32> to vector<16xi32>
    %swap3A_704 = vector.shape_cast %add3A_698 : vector<16xi32> to vector<1x16xi32>
    tpu.vector_store %arg9[%swap3A_700, %swap3A_701], %swap3A_704 {strides = array<i32>} : memref<4x128xi32, #tpu.memory_space<vmem>>, vector<1x16xi32>,
    %get3A_705 = arith.constant 304 : index
    %get3A_706 = tpu.vector_load %arg7[%get3A_705] {strides = array<i32>} : memref<512xi32, #tpu.memory_space<vmem>>, vector<16xi32>,
    %get3A_707 = vector.shape_cast %get3A_706 : vector<16xi32> to vector<16xi32>
    %get3A_708 = arith.constant 304 : index
    %get3A_709 = tpu.vector_load %arg8[%get3A_708] {strides = array<i32>} : memref<512xi32, #tpu.memory_space<vmem>>, vector<16xi32>,
    %get3A_710 = vector.shape_cast %get3A_709 : vector<16xi32> to vector<16xi32>
    %shift_right_arithmetic3A_711 = arith.constant 3 : i32
    %shift_right_arithmetic3A_712 = vector.broadcast %shift_right_arithmetic3A_711 : i32 to vector<16xi32>
    %shift_right_arithmetic3A_713 = arith.shrsi %get3A_707, %shift_right_arithmetic3A_712 : vector<16xi32>
    %mul3A_714 = arith.constant 8192 : i32
    %mul3A_715 = vector.broadcast %mul3A_714 : i32 to vector<16xi32>
    %mul3A_716 = arith.muli %shift_right_arithmetic3A_713, %mul3A_715 : vector<16xi32>
    %shift_right_arithmetic3A_717 = arith.constant 7 : i32
    %shift_right_arithmetic3A_718 = vector.broadcast %shift_right_arithmetic3A_717 : i32 to vector<16xi32>
    %shift_right_arithmetic3A_719 = arith.shrsi %get3A_710, %shift_right_arithmetic3A_718 : vector<16xi32>
    %mul3A_720 = arith.constant 1024 : i32
    %mul3A_721 = vector.broadcast %mul3A_720 : i32 to vector<16xi32>
    %mul3A_722 = arith.muli %shift_right_arithmetic3A_719, %mul3A_721 : vector<16xi32>
    %add3A_723 = arith.addi %mul3A_716, %mul3A_722 : vector<16xi32>
    %and3A_724 = arith.constant 7 : i32
    %and3A_725 = vector.broadcast %and3A_724 : i32 to vector<16xi32>
    %and3A_726 = arith.andi %get3A_707, %and3A_725 : vector<16xi32>
    %mul3A_727 = arith.constant 128 : i32
    %mul3A_728 = vector.broadcast %mul3A_727 : i32 to vector<16xi32>
    %mul3A_729 = arith.muli %and3A_726, %mul3A_728 : vector<16xi32>
    %add3A_730 = arith.addi %add3A_723, %mul3A_729 : vector<16xi32>
    %and3A_731 = arith.constant 127 : i32
    %and3A_732 = vector.broadcast %and3A_731 : i32 to vector<16xi32>
    %and3A_733 = arith.andi %get3A_710, %and3A_732 : vector<16xi32>
    %add3A_734 = arith.addi %add3A_730, %and3A_733 : vector<16xi32>
    %swap3A_735 = arith.constant 2 : i32
    %swap3A_736 = arith.index_cast %swap3A_735 : i32 to index
    %swap3A_737 = arith.constant 48 : index
    %swap3A_738 = tpu.vector_load %arg9[%swap3A_736, %swap3A_737] {strides = array<i32>} : memref<4x128xi32, #tpu.memory_space<vmem>>, vector<1x16xi32>,
    %swap3A_739 = vector.shape_cast %swap3A_738 : vector<1x16xi32> to vector<16xi32>
    %swap3A_740 = vector.shape_cast %add3A_734 : vector<16xi32> to vector<1x16xi32>
    tpu.vector_store %arg9[%swap3A_736, %swap3A_737], %swap3A_740 {strides = array<i32>} : memref<4x128xi32, #tpu.memory_space<vmem>>, vector<1x16xi32>,
    %get3A_741 = arith.constant 320 : index
    %get3A_742 = tpu.vector_load %arg7[%get3A_741] {strides = array<i32>} : memref<512xi32, #tpu.memory_space<vmem>>, vector<16xi32>,
    %get3A_743 = vector.shape_cast %get3A_742 : vector<16xi32> to vector<16xi32>
    %get3A_744 = arith.constant 320 : index
    %get3A_745 = tpu.vector_load %arg8[%get3A_744] {strides = array<i32>} : memref<512xi32, #tpu.memory_space<vmem>>, vector<16xi32>,
    %get3A_746 = vector.shape_cast %get3A_745 : vector<16xi32> to vector<16xi32>
    %shift_right_arithmetic3A_747 = arith.constant 3 : i32
    %shift_right_arithmetic3A_748 = vector.broadcast %shift_right_arithmetic3A_747 : i32 to vector<16xi32>
    %shift_right_arithmetic3A_749 = arith.shrsi %get3A_743, %shift_right_arithmetic3A_748 : vector<16xi32>
    %mul3A_750 = arith.constant 8192 : i32
    %mul3A_751 = vector.broadcast %mul3A_750 : i32 to vector<16xi32>
    %mul3A_752 = arith.muli %shift_right_arithmetic3A_749, %mul3A_751 : vector<16xi32>
    %shift_right_arithmetic3A_753 = arith.constant 7 : i32
    %shift_right_arithmetic3A_754 = vector.broadcast %shift_right_arithmetic3A_753 : i32 to vector<16xi32>
    %shift_right_arithmetic3A_755 = arith.shrsi %get3A_746, %shift_right_arithmetic3A_754 : vector<16xi32>
    %mul3A_756 = arith.constant 1024 : i32
    %mul3A_757 = vector.broadcast %mul3A_756 : i32 to vector<16xi32>
    %mul3A_758 = arith.muli %shift_right_arithmetic3A_755, %mul3A_757 : vector<16xi32>
    %add3A_759 = arith.addi %mul3A_752, %mul3A_758 : vector<16xi32>
    %and3A_760 = arith.constant 7 : i32
    %and3A_761 = vector.broadcast %and3A_760 : i32 to vector<16xi32>
    %and3A_762 = arith.andi %get3A_743, %and3A_761 : vector<16xi32>
    %mul3A_763 = arith.constant 128 : i32
    %mul3A_764 = vector.broadcast %mul3A_763 : i32 to vector<16xi32>
    %mul3A_765 = arith.muli %and3A_762, %mul3A_764 : vector<16xi32>
    %add3A_766 = arith.addi %add3A_759, %mul3A_765 : vector<16xi32>
    %and3A_767 = arith.constant 127 : i32
    %and3A_768 = vector.broadcast %and3A_767 : i32 to vector<16xi32>
    %and3A_769 = arith.andi %get3A_746, %and3A_768 : vector<16xi32>
    %add3A_770 = arith.addi %add3A_766, %and3A_769 : vector<16xi32>
    %swap3A_771 = arith.constant 2 : i32
    %swap3A_772 = arith.index_cast %swap3A_771 : i32 to index
    %swap3A_773 = arith.constant 64 : index
    %swap3A_774 = tpu.vector_load %arg9[%swap3A_772, %swap3A_773] {strides = array<i32>} : memref<4x128xi32, #tpu.memory_space<vmem>>, vector<1x16xi32>,
    %swap3A_775 = vector.shape_cast %swap3A_774 : vector<1x16xi32> to vector<16xi32>
    %swap3A_776 = vector.shape_cast %add3A_770 : vector<16xi32> to vector<1x16xi32>
    tpu.vector_store %arg9[%swap3A_772, %swap3A_773], %swap3A_776 {strides = array<i32>} : memref<4x128xi32, #tpu.memory_space<vmem>>, vector<1x16xi32>,
    %get3A_777 = arith.constant 336 : index
    %get3A_778 = tpu.vector_load %arg7[%get3A_777] {strides = array<i32>} : memref<512xi32, #tpu.memory_space<vmem>>, vector<16xi32>,
    %get3A_779 = vector.shape_cast %get3A_778 : vector<16xi32> to vector<16xi32>
    %get3A_780 = arith.constant 336 : index
    %get3A_781 = tpu.vector_load %arg8[%get3A_780] {strides = array<i32>} : memref<512xi32, #tpu.memory_space<vmem>>, vector<16xi32>,
    %get3A_782 = vector.shape_cast %get3A_781 : vector<16xi32> to vector<16xi32>
    %shift_right_arithmetic3A_783 = arith.constant 3 : i32
    %shift_right_arithmetic3A_784 = vector.broadcast %shift_right_arithmetic3A_783 : i32 to vector<16xi32>
    %shift_right_arithmetic3A_785 = arith.shrsi %get3A_779, %shift_right_arithmetic3A_784 : vector<16xi32>
    %mul3A_786 = arith.constant 8192 : i32
    %mul3A_787 = vector.broadcast %mul3A_786 : i32 to vector<16xi32>
    %mul3A_788 = arith.muli %shift_right_arithmetic3A_785, %mul3A_787 : vector<16xi32>
    %shift_right_arithmetic3A_789 = arith.constant 7 : i32
    %shift_right_arithmetic3A_790 = vector.broadcast %shift_right_arithmetic3A_789 : i32 to vector<16xi32>
    %shift_right_arithmetic3A_791 = arith.shrsi %get3A_782, %shift_right_arithmetic3A_790 : vector<16xi32>
    %mul3A_792 = arith.constant 1024 : i32
    %mul3A_793 = vector.broadcast %mul3A_792 : i32 to vector<16xi32>
    %mul3A_794 = arith.muli %shift_right_arithmetic3A_791, %mul3A_793 : vector<16xi32>
    %add3A_795 = arith.addi %mul3A_788, %mul3A_794 : vector<16xi32>
    %and3A_796 = arith.constant 7 : i32
    %and3A_797 = vector.broadcast %and3A_796 : i32 to vector<16xi32>
    %and3A_798 = arith.andi %get3A_779, %and3A_797 : vector<16xi32>
    %mul3A_799 = arith.constant 128 : i32
    %mul3A_800 = vector.broadcast %mul3A_799 : i32 to vector<16xi32>
    %mul3A_801 = arith.muli %and3A_798, %mul3A_800 : vector<16xi32>
    %add3A_802 = arith.addi %add3A_795, %mul3A_801 : vector<16xi32>
    %and3A_803 = arith.constant 127 : i32
    %and3A_804 = vector.broadcast %and3A_803 : i32 to vector<16xi32>
    %and3A_805 = arith.andi %get3A_782, %and3A_804 : vector<16xi32>
    %add3A_806 = arith.addi %add3A_802, %and3A_805 : vector<16xi32>
    %swap3A_807 = arith.constant 2 : i32
    %swap3A_808 = arith.index_cast %swap3A_807 : i32 to index
    %swap3A_809 = arith.constant 80 : index
    %swap3A_810 = tpu.vector_load %arg9[%swap3A_808, %swap3A_809] {strides = array<i32>} : memref<4x128xi32, #tpu.memory_space<vmem>>, vector<1x16xi32>,
    %swap3A_811 = vector.shape_cast %swap3A_810 : vector<1x16xi32> to vector<16xi32>
    %swap3A_812 = vector.shape_cast %add3A_806 : vector<16xi32> to vector<1x16xi32>
    tpu.vector_store %arg9[%swap3A_808, %swap3A_809], %swap3A_812 {strides = array<i32>} : memref<4x128xi32, #tpu.memory_space<vmem>>, vector<1x16xi32>,
    %get3A_813 = arith.constant 352 : index
    %get3A_814 = tpu.vector_load %arg7[%get3A_813] {strides = array<i32>} : memref<512xi32, #tpu.memory_space<vmem>>, vector<16xi32>,
    %get3A_815 = vector.shape_cast %get3A_814 : vector<16xi32> to vector<16xi32>
    %get3A_816 = arith.constant 352 : index
    %get3A_817 = tpu.vector_load %arg8[%get3A_816] {strides = array<i32>} : memref<512xi32, #tpu.memory_space<vmem>>, vector<16xi32>,
    %get3A_818 = vector.shape_cast %get3A_817 : vector<16xi32> to vector<16xi32>
    %shift_right_arithmetic3A_819 = arith.constant 3 : i32
    %shift_right_arithmetic3A_820 = vector.broadcast %shift_right_arithmetic3A_819 : i32 to vector<16xi32>
    %shift_right_arithmetic3A_821 = arith.shrsi %get3A_815, %shift_right_arithmetic3A_820 : vector<16xi32>
    %mul3A_822 = arith.constant 8192 : i32
    %mul3A_823 = vector.broadcast %mul3A_822 : i32 to vector<16xi32>
    %mul3A_824 = arith.muli %shift_right_arithmetic3A_821, %mul3A_823 : vector<16xi32>
    %shift_right_arithmetic3A_825 = arith.constant 7 : i32
    %shift_right_arithmetic3A_826 = vector.broadcast %shift_right_arithmetic3A_825 : i32 to vector<16xi32>
    %shift_right_arithmetic3A_827 = arith.shrsi %get3A_818, %shift_right_arithmetic3A_826 : vector<16xi32>
    %mul3A_828 = arith.constant 1024 : i32
    %mul3A_829 = vector.broadcast %mul3A_828 : i32 to vector<16xi32>
    %mul3A_830 = arith.muli %shift_right_arithmetic3A_827, %mul3A_829 : vector<16xi32>
    %add3A_831 = arith.addi %mul3A_824, %mul3A_830 : vector<16xi32>
    %and3A_832 = arith.constant 7 : i32
    %and3A_833 = vector.broadcast %and3A_832 : i32 to vector<16xi32>
    %and3A_834 = arith.andi %get3A_815, %and3A_833 : vector<16xi32>
    %mul3A_835 = arith.constant 128 : i32
    %mul3A_836 = vector.broadcast %mul3A_835 : i32 to vector<16xi32>
    %mul3A_837 = arith.muli %and3A_834, %mul3A_836 : vector<16xi32>
    %add3A_838 = arith.addi %add3A_831, %mul3A_837 : vector<16xi32>
    %and3A_839 = arith.constant 127 : i32
    %and3A_840 = vector.broadcast %and3A_839 : i32 to vector<16xi32>
    %and3A_841 = arith.andi %get3A_818, %and3A_840 : vector<16xi32>
    %add3A_842 = arith.addi %add3A_838, %and3A_841 : vector<16xi32>
    %swap3A_843 = arith.constant 2 : i32
    %swap3A_844 = arith.index_cast %swap3A_843 : i32 to index
    %swap3A_845 = arith.constant 96 : index
    %swap3A_846 = tpu.vector_load %arg9[%swap3A_844, %swap3A_845] {strides = array<i32>} : memref<4x128xi32, #tpu.memory_space<vmem>>, vector<1x16xi32>,
    %swap3A_847 = vector.shape_cast %swap3A_846 : vector<1x16xi32> to vector<16xi32>
    %swap3A_848 = vector.shape_cast %add3A_842 : vector<16xi32> to vector<1x16xi32>
    tpu.vector_store %arg9[%swap3A_844, %swap3A_845], %swap3A_848 {strides = array<i32>} : memref<4x128xi32, #tpu.memory_space<vmem>>, vector<1x16xi32>,
    %get3A_849 = arith.constant 368 : index
    %get3A_850 = tpu.vector_load %arg7[%get3A_849] {strides = array<i32>} : memref<512xi32, #tpu.memory_space<vmem>>, vector<16xi32>,
    %get3A_851 = vector.shape_cast %get3A_850 : vector<16xi32> to vector<16xi32>
    %get3A_852 = arith.constant 368 : index
    %get3A_853 = tpu.vector_load %arg8[%get3A_852] {strides = array<i32>} : memref<512xi32, #tpu.memory_space<vmem>>, vector<16xi32>,
    %get3A_854 = vector.shape_cast %get3A_853 : vector<16xi32> to vector<16xi32>
    %shift_right_arithmetic3A_855 = arith.constant 3 : i32
    %shift_right_arithmetic3A_856 = vector.broadcast %shift_right_arithmetic3A_855 : i32 to vector<16xi32>
    %shift_right_arithmetic3A_857 = arith.shrsi %get3A_851, %shift_right_arithmetic3A_856 : vector<16xi32>
    %mul3A_858 = arith.constant 8192 : i32
    %mul3A_859 = vector.broadcast %mul3A_858 : i32 to vector<16xi32>
    %mul3A_860 = arith.muli %shift_right_arithmetic3A_857, %mul3A_859 : vector<16xi32>
    %shift_right_arithmetic3A_861 = arith.constant 7 : i32
    %shift_right_arithmetic3A_862 = vector.broadcast %shift_right_arithmetic3A_861 : i32 to vector<16xi32>
    %shift_right_arithmetic3A_863 = arith.shrsi %get3A_854, %shift_right_arithmetic3A_862 : vector<16xi32>
    %mul3A_864 = arith.constant 1024 : i32
    %mul3A_865 = vector.broadcast %mul3A_864 : i32 to vector<16xi32>
    %mul3A_866 = arith.muli %shift_right_arithmetic3A_863, %mul3A_865 : vector<16xi32>
    %add3A_867 = arith.addi %mul3A_860, %mul3A_866 : vector<16xi32>
    %and3A_868 = arith.constant 7 : i32
    %and3A_869 = vector.broadcast %and3A_868 : i32 to vector<16xi32>
    %and3A_870 = arith.andi %get3A_851, %and3A_869 : vector<16xi32>
    %mul3A_871 = arith.constant 128 : i32
    %mul3A_872 = vector.broadcast %mul3A_871 : i32 to vector<16xi32>
    %mul3A_873 = arith.muli %and3A_870, %mul3A_872 : vector<16xi32>
    %add3A_874 = arith.addi %add3A_867, %mul3A_873 : vector<16xi32>
    %and3A_875 = arith.constant 127 : i32
    %and3A_876 = vector.broadcast %and3A_875 : i32 to vector<16xi32>
    %and3A_877 = arith.andi %get3A_854, %and3A_876 : vector<16xi32>
    %add3A_878 = arith.addi %add3A_874, %and3A_877 : vector<16xi32>
    %swap3A_879 = arith.constant 2 : i32
    %swap3A_880 = arith.index_cast %swap3A_879 : i32 to index
    %swap3A_881 = arith.constant 112 : index
    %swap3A_882 = tpu.vector_load %arg9[%swap3A_880, %swap3A_881] {strides = array<i32>} : memref<4x128xi32, #tpu.memory_space<vmem>>, vector<1x16xi32>,
    %swap3A_883 = vector.shape_cast %swap3A_882 : vector<1x16xi32> to vector<16xi32>
    %swap3A_884 = vector.shape_cast %add3A_878 : vector<16xi32> to vector<1x16xi32>
    tpu.vector_store %arg9[%swap3A_880, %swap3A_881], %swap3A_884 {strides = array<i32>} : memref<4x128xi32, #tpu.memory_space<vmem>>, vector<1x16xi32>,
    %dma_start3A_885 = arith.constant 2 : i32
    %dma_start3A_886 = arith.constant 256 : i32
    %dma_start3A_887 = tpu.memref_slice %arg10[%dma_start3A_886] : memref<512xf32, #tpu.memory_space<vmem>> -> memref<128xf32, #tpu.memory_space<vmem>>
    %dma_start3A_888 = arith.constant 0 : i32
    %dma_start3A_889 = tpu.memref_slice %arg9[%dma_start3A_885, %dma_start3A_888] : memref<4x128xi32, #tpu.memory_space<vmem>> -> memref<1x128xi32, #tpu.memory_space<vmem>>
    %dma_start3A_890 = tpu.memref_squeeze %dma_start3A_889 : memref<1x128xi32, #tpu.memory_space<vmem>> -> memref<128xi32, #tpu.memory_space<vmem>>
    %dma_start3A_891 = arith.constant 0 : i32
    %dma_start3A_892 = tpu.memref_slice %arg4[%dma_start3A_891] : memref<1024000xf32, #tpu.memory_space<hbm>> -> memref<1024000xf32, #tpu.memory_space<hbm>>
    tpu.enqueue_indirect_dma source(%dma_start3A_892 : memref<1024000xf32, #tpu.memory_space<hbm>>) target(%dma_start3A_887 : memref<128xf32, #tpu.memory_space<vmem>>) offsets(%dma_start3A_890 : memref<128xi32, #tpu.memory_space<vmem>>) semaphore(%arg12 : memref<!tpu.dma_semaphore, #tpu.memory_space<semaphore_mem>>)
    %get3A_893 = arith.constant 384 : index
    %get3A_894 = tpu.vector_load %arg7[%get3A_893] {strides = array<i32>} : memref<512xi32, #tpu.memory_space<vmem>>, vector<16xi32>,
    %get3A_895 = vector.shape_cast %get3A_894 : vector<16xi32> to vector<16xi32>
    %get3A_896 = arith.constant 384 : index
    %get3A_897 = tpu.vector_load %arg8[%get3A_896] {strides = array<i32>} : memref<512xi32, #tpu.memory_space<vmem>>, vector<16xi32>,
    %get3A_898 = vector.shape_cast %get3A_897 : vector<16xi32> to vector<16xi32>
    %shift_right_arithmetic3A_899 = arith.constant 3 : i32
    %shift_right_arithmetic3A_900 = vector.broadcast %shift_right_arithmetic3A_899 : i32 to vector<16xi32>
    %shift_right_arithmetic3A_901 = arith.shrsi %get3A_895, %shift_right_arithmetic3A_900 : vector<16xi32>
    %mul3A_902 = arith.constant 8192 : i32
    %mul3A_903 = vector.broadcast %mul3A_902 : i32 to vector<16xi32>
    %mul3A_904 = arith.muli %shift_right_arithmetic3A_901, %mul3A_903 : vector<16xi32>
    %shift_right_arithmetic3A_905 = arith.constant 7 : i32
    %shift_right_arithmetic3A_906 = vector.broadcast %shift_right_arithmetic3A_905 : i32 to vector<16xi32>
    %shift_right_arithmetic3A_907 = arith.shrsi %get3A_898, %shift_right_arithmetic3A_906 : vector<16xi32>
    %mul3A_908 = arith.constant 1024 : i32
    %mul3A_909 = vector.broadcast %mul3A_908 : i32 to vector<16xi32>
    %mul3A_910 = arith.muli %shift_right_arithmetic3A_907, %mul3A_909 : vector<16xi32>
    %add3A_911 = arith.addi %mul3A_904, %mul3A_910 : vector<16xi32>
    %and3A_912 = arith.constant 7 : i32
    %and3A_913 = vector.broadcast %and3A_912 : i32 to vector<16xi32>
    %and3A_914 = arith.andi %get3A_895, %and3A_913 : vector<16xi32>
    %mul3A_915 = arith.constant 128 : i32
    %mul3A_916 = vector.broadcast %mul3A_915 : i32 to vector<16xi32>
    %mul3A_917 = arith.muli %and3A_914, %mul3A_916 : vector<16xi32>
    %add3A_918 = arith.addi %add3A_911, %mul3A_917 : vector<16xi32>
    %and3A_919 = arith.constant 127 : i32
    %and3A_920 = vector.broadcast %and3A_919 : i32 to vector<16xi32>
    %and3A_921 = arith.andi %get3A_898, %and3A_920 : vector<16xi32>
    %add3A_922 = arith.addi %add3A_918, %and3A_921 : vector<16xi32>
    %swap3A_923 = arith.constant 3 : i32
    %swap3A_924 = arith.index_cast %swap3A_923 : i32 to index
    %swap3A_925 = arith.constant 0 : index
    %swap3A_926 = tpu.vector_load %arg9[%swap3A_924, %swap3A_925] {strides = array<i32>} : memref<4x128xi32, #tpu.memory_space<vmem>>, vector<1x16xi32>,
    %swap3A_927 = vector.shape_cast %swap3A_926 : vector<1x16xi32> to vector<16xi32>
    %swap3A_928 = vector.shape_cast %add3A_922 : vector<16xi32> to vector<1x16xi32>
    tpu.vector_store %arg9[%swap3A_924, %swap3A_925], %swap3A_928 {strides = array<i32>} : memref<4x128xi32, #tpu.memory_space<vmem>>, vector<1x16xi32>,
    %get3A_929 = arith.constant 400 : index
    %get3A_930 = tpu.vector_load %arg7[%get3A_929] {strides = array<i32>} : memref<512xi32, #tpu.memory_space<vmem>>, vector<16xi32>,
    %get3A_931 = vector.shape_cast %get3A_930 : vector<16xi32> to vector<16xi32>
    %get3A_932 = arith.constant 400 : index
    %get3A_933 = tpu.vector_load %arg8[%get3A_932] {strides = array<i32>} : memref<512xi32, #tpu.memory_space<vmem>>, vector<16xi32>,
    %get3A_934 = vector.shape_cast %get3A_933 : vector<16xi32> to vector<16xi32>
    %shift_right_arithmetic3A_935 = arith.constant 3 : i32
    %shift_right_arithmetic3A_936 = vector.broadcast %shift_right_arithmetic3A_935 : i32 to vector<16xi32>
    %shift_right_arithmetic3A_937 = arith.shrsi %get3A_931, %shift_right_arithmetic3A_936 : vector<16xi32>
    %mul3A_938 = arith.constant 8192 : i32
    %mul3A_939 = vector.broadcast %mul3A_938 : i32 to vector<16xi32>
    %mul3A_940 = arith.muli %shift_right_arithmetic3A_937, %mul3A_939 : vector<16xi32>
    %shift_right_arithmetic3A_941 = arith.constant 7 : i32
    %shift_right_arithmetic3A_942 = vector.broadcast %shift_right_arithmetic3A_941 : i32 to vector<16xi32>
    %shift_right_arithmetic3A_943 = arith.shrsi %get3A_934, %shift_right_arithmetic3A_942 : vector<16xi32>
    %mul3A_944 = arith.constant 1024 : i32
    %mul3A_945 = vector.broadcast %mul3A_944 : i32 to vector<16xi32>
    %mul3A_946 = arith.muli %shift_right_arithmetic3A_943, %mul3A_945 : vector<16xi32>
    %add3A_947 = arith.addi %mul3A_940, %mul3A_946 : vector<16xi32>
    %and3A_948 = arith.constant 7 : i32
    %and3A_949 = vector.broadcast %and3A_948 : i32 to vector<16xi32>
    %and3A_950 = arith.andi %get3A_931, %and3A_949 : vector<16xi32>
    %mul3A_951 = arith.constant 128 : i32
    %mul3A_952 = vector.broadcast %mul3A_951 : i32 to vector<16xi32>
    %mul3A_953 = arith.muli %and3A_950, %mul3A_952 : vector<16xi32>
    %add3A_954 = arith.addi %add3A_947, %mul3A_953 : vector<16xi32>
    %and3A_955 = arith.constant 127 : i32
    %and3A_956 = vector.broadcast %and3A_955 : i32 to vector<16xi32>
    %and3A_957 = arith.andi %get3A_934, %and3A_956 : vector<16xi32>
    %add3A_958 = arith.addi %add3A_954, %and3A_957 : vector<16xi32>
    %swap3A_959 = arith.constant 3 : i32
    %swap3A_960 = arith.index_cast %swap3A_959 : i32 to index
    %swap3A_961 = arith.constant 16 : index
    %swap3A_962 = tpu.vector_load %arg9[%swap3A_960, %swap3A_961] {strides = array<i32>} : memref<4x128xi32, #tpu.memory_space<vmem>>, vector<1x16xi32>,
    %swap3A_963 = vector.shape_cast %swap3A_962 : vector<1x16xi32> to vector<16xi32>
    %swap3A_964 = vector.shape_cast %add3A_958 : vector<16xi32> to vector<1x16xi32>
    tpu.vector_store %arg9[%swap3A_960, %swap3A_961], %swap3A_964 {strides = array<i32>} : memref<4x128xi32, #tpu.memory_space<vmem>>, vector<1x16xi32>,
    %get3A_965 = arith.constant 416 : index
    %get3A_966 = tpu.vector_load %arg7[%get3A_965] {strides = array<i32>} : memref<512xi32, #tpu.memory_space<vmem>>, vector<16xi32>,
    %get3A_967 = vector.shape_cast %get3A_966 : vector<16xi32> to vector<16xi32>
    %get3A_968 = arith.constant 416 : index
    %get3A_969 = tpu.vector_load %arg8[%get3A_968] {strides = array<i32>} : memref<512xi32, #tpu.memory_space<vmem>>, vector<16xi32>,
    %get3A_970 = vector.shape_cast %get3A_969 : vector<16xi32> to vector<16xi32>
    %shift_right_arithmetic3A_971 = arith.constant 3 : i32
    %shift_right_arithmetic3A_972 = vector.broadcast %shift_right_arithmetic3A_971 : i32 to vector<16xi32>
    %shift_right_arithmetic3A_973 = arith.shrsi %get3A_967, %shift_right_arithmetic3A_972 : vector<16xi32>
    %mul3A_974 = arith.constant 8192 : i32
    %mul3A_975 = vector.broadcast %mul3A_974 : i32 to vector<16xi32>
    %mul3A_976 = arith.muli %shift_right_arithmetic3A_973, %mul3A_975 : vector<16xi32>
    %shift_right_arithmetic3A_977 = arith.constant 7 : i32
    %shift_right_arithmetic3A_978 = vector.broadcast %shift_right_arithmetic3A_977 : i32 to vector<16xi32>
    %shift_right_arithmetic3A_979 = arith.shrsi %get3A_970, %shift_right_arithmetic3A_978 : vector<16xi32>
    %mul3A_980 = arith.constant 1024 : i32
    %mul3A_981 = vector.broadcast %mul3A_980 : i32 to vector<16xi32>
    %mul3A_982 = arith.muli %shift_right_arithmetic3A_979, %mul3A_981 : vector<16xi32>
    %add3A_983 = arith.addi %mul3A_976, %mul3A_982 : vector<16xi32>
    %and3A_984 = arith.constant 7 : i32
    %and3A_985 = vector.broadcast %and3A_984 : i32 to vector<16xi32>
    %and3A_986 = arith.andi %get3A_967, %and3A_985 : vector<16xi32>
    %mul3A_987 = arith.constant 128 : i32
    %mul3A_988 = vector.broadcast %mul3A_987 : i32 to vector<16xi32>
    %mul3A_989 = arith.muli %and3A_986, %mul3A_988 : vector<16xi32>
    %add3A_990 = arith.addi %add3A_983, %mul3A_989 : vector<16xi32>
    %and3A_991 = arith.constant 127 : i32
    %and3A_992 = vector.broadcast %and3A_991 : i32 to vector<16xi32>
    %and3A_993 = arith.andi %get3A_970, %and3A_992 : vector<16xi32>
    %add3A_994 = arith.addi %add3A_990, %and3A_993 : vector<16xi32>
    %swap3A_995 = arith.constant 3 : i32
    %swap3A_996 = arith.index_cast %swap3A_995 : i32 to index
    %swap3A_997 = arith.constant 32 : index
    %swap3A_998 = tpu.vector_load %arg9[%swap3A_996, %swap3A_997] {strides = array<i32>} : memref<4x128xi32, #tpu.memory_space<vmem>>, vector<1x16xi32>,
    %swap3A_999 = vector.shape_cast %swap3A_998 : vector<1x16xi32> to vector<16xi32>
    %swap3A_1000 = vector.shape_cast %add3A_994 : vector<16xi32> to vector<1x16xi32>
    tpu.vector_store %arg9[%swap3A_996, %swap3A_997], %swap3A_1000 {strides = array<i32>} : memref<4x128xi32, #tpu.memory_space<vmem>>, vector<1x16xi32>,
    %get3A_1001 = arith.constant 432 : index
    %get3A_1002 = tpu.vector_load %arg7[%get3A_1001] {strides = array<i32>} : memref<512xi32, #tpu.memory_space<vmem>>, vector<16xi32>,
    %get3A_1003 = vector.shape_cast %get3A_1002 : vector<16xi32> to vector<16xi32>
    %get3A_1004 = arith.constant 432 : index
    %get3A_1005 = tpu.vector_load %arg8[%get3A_1004] {strides = array<i32>} : memref<512xi32, #tpu.memory_space<vmem>>, vector<16xi32>,
    %get3A_1006 = vector.shape_cast %get3A_1005 : vector<16xi32> to vector<16xi32>
    %shift_right_arithmetic3A_1007 = arith.constant 3 : i32
    %shift_right_arithmetic3A_1008 = vector.broadcast %shift_right_arithmetic3A_1007 : i32 to vector<16xi32>
    %shift_right_arithmetic3A_1009 = arith.shrsi %get3A_1003, %shift_right_arithmetic3A_1008 : vector<16xi32>
    %mul3A_1010 = arith.constant 8192 : i32
    %mul3A_1011 = vector.broadcast %mul3A_1010 : i32 to vector<16xi32>
    %mul3A_1012 = arith.muli %shift_right_arithmetic3A_1009, %mul3A_1011 : vector<16xi32>
    %shift_right_arithmetic3A_1013 = arith.constant 7 : i32
    %shift_right_arithmetic3A_1014 = vector.broadcast %shift_right_arithmetic3A_1013 : i32 to vector<16xi32>
    %shift_right_arithmetic3A_1015 = arith.shrsi %get3A_1006, %shift_right_arithmetic3A_1014 : vector<16xi32>
    %mul3A_1016 = arith.constant 1024 : i32
    %mul3A_1017 = vector.broadcast %mul3A_1016 : i32 to vector<16xi32>
    %mul3A_1018 = arith.muli %shift_right_arithmetic3A_1015, %mul3A_1017 : vector<16xi32>
    %add3A_1019 = arith.addi %mul3A_1012, %mul3A_1018 : vector<16xi32>
    %and3A_1020 = arith.constant 7 : i32
    %and3A_1021 = vector.broadcast %and3A_1020 : i32 to vector<16xi32>
    %and3A_1022 = arith.andi %get3A_1003, %and3A_1021 : vector<16xi32>
    %mul3A_1023 = arith.constant 128 : i32
    %mul3A_1024 = vector.broadcast %mul3A_1023 : i32 to vector<16xi32>
    %mul3A_1025 = arith.muli %and3A_1022, %mul3A_1024 : vector<16xi32>
    %add3A_1026 = arith.addi %add3A_1019, %mul3A_1025 : vector<16xi32>
    %and3A_1027 = arith.constant 127 : i32
    %and3A_1028 = vector.broadcast %and3A_1027 : i32 to vector<16xi32>
    %and3A_1029 = arith.andi %get3A_1006, %and3A_1028 : vector<16xi32>
    %add3A_1030 = arith.addi %add3A_1026, %and3A_1029 : vector<16xi32>
    %swap3A_1031 = arith.constant 3 : i32
    %swap3A_1032 = arith.index_cast %swap3A_1031 : i32 to index
    %swap3A_1033 = arith.constant 48 : index
    %swap3A_1034 = tpu.vector_load %arg9[%swap3A_1032, %swap3A_1033] {strides = array<i32>} : memref<4x128xi32, #tpu.memory_space<vmem>>, vector<1x16xi32>,
    %swap3A_1035 = vector.shape_cast %swap3A_1034 : vector<1x16xi32> to vector<16xi32>
    %swap3A_1036 = vector.shape_cast %add3A_1030 : vector<16xi32> to vector<1x16xi32>
    tpu.vector_store %arg9[%swap3A_1032, %swap3A_1033], %swap3A_1036 {strides = array<i32>} : memref<4x128xi32, #tpu.memory_space<vmem>>, vector<1x16xi32>,
    %get3A_1037 = arith.constant 448 : index
    %get3A_1038 = tpu.vector_load %arg7[%get3A_1037] {strides = array<i32>} : memref<512xi32, #tpu.memory_space<vmem>>, vector<16xi32>,
    %get3A_1039 = vector.shape_cast %get3A_1038 : vector<16xi32> to vector<16xi32>
    %get3A_1040 = arith.constant 448 : index
    %get3A_1041 = tpu.vector_load %arg8[%get3A_1040] {strides = array<i32>} : memref<512xi32, #tpu.memory_space<vmem>>, vector<16xi32>,
    %get3A_1042 = vector.shape_cast %get3A_1041 : vector<16xi32> to vector<16xi32>
    %shift_right_arithmetic3A_1043 = arith.constant 3 : i32
    %shift_right_arithmetic3A_1044 = vector.broadcast %shift_right_arithmetic3A_1043 : i32 to vector<16xi32>
    %shift_right_arithmetic3A_1045 = arith.shrsi %get3A_1039, %shift_right_arithmetic3A_1044 : vector<16xi32>
    %mul3A_1046 = arith.constant 8192 : i32
    %mul3A_1047 = vector.broadcast %mul3A_1046 : i32 to vector<16xi32>
    %mul3A_1048 = arith.muli %shift_right_arithmetic3A_1045, %mul3A_1047 : vector<16xi32>
    %shift_right_arithmetic3A_1049 = arith.constant 7 : i32
    %shift_right_arithmetic3A_1050 = vector.broadcast %shift_right_arithmetic3A_1049 : i32 to vector<16xi32>
    %shift_right_arithmetic3A_1051 = arith.shrsi %get3A_1042, %shift_right_arithmetic3A_1050 : vector<16xi32>
    %mul3A_1052 = arith.constant 1024 : i32
    %mul3A_1053 = vector.broadcast %mul3A_1052 : i32 to vector<16xi32>
    %mul3A_1054 = arith.muli %shift_right_arithmetic3A_1051, %mul3A_1053 : vector<16xi32>
    %add3A_1055 = arith.addi %mul3A_1048, %mul3A_1054 : vector<16xi32>
    %and3A_1056 = arith.constant 7 : i32
    %and3A_1057 = vector.broadcast %and3A_1056 : i32 to vector<16xi32>
    %and3A_1058 = arith.andi %get3A_1039, %and3A_1057 : vector<16xi32>
    %mul3A_1059 = arith.constant 128 : i32
    %mul3A_1060 = vector.broadcast %mul3A_1059 : i32 to vector<16xi32>
    %mul3A_1061 = arith.muli %and3A_1058, %mul3A_1060 : vector<16xi32>
    %add3A_1062 = arith.addi %add3A_1055, %mul3A_1061 : vector<16xi32>
    %and3A_1063 = arith.constant 127 : i32
    %and3A_1064 = vector.broadcast %and3A_1063 : i32 to vector<16xi32>
    %and3A_1065 = arith.andi %get3A_1042, %and3A_1064 : vector<16xi32>
    %add3A_1066 = arith.addi %add3A_1062, %and3A_1065 : vector<16xi32>
    %swap3A_1067 = arith.constant 3 : i32
    %swap3A_1068 = arith.index_cast %swap3A_1067 : i32 to index
    %swap3A_1069 = arith.constant 64 : index
    %swap3A_1070 = tpu.vector_load %arg9[%swap3A_1068, %swap3A_1069] {strides = array<i32>} : memref<4x128xi32, #tpu.memory_space<vmem>>, vector<1x16xi32>,
    %swap3A_1071 = vector.shape_cast %swap3A_1070 : vector<1x16xi32> to vector<16xi32>
    %swap3A_1072 = vector.shape_cast %add3A_1066 : vector<16xi32> to vector<1x16xi32>
    tpu.vector_store %arg9[%swap3A_1068, %swap3A_1069], %swap3A_1072 {strides = array<i32>} : memref<4x128xi32, #tpu.memory_space<vmem>>, vector<1x16xi32>,
    %get3A_1073 = arith.constant 464 : index
    %get3A_1074 = tpu.vector_load %arg7[%get3A_1073] {strides = array<i32>} : memref<512xi32, #tpu.memory_space<vmem>>, vector<16xi32>,
    %get3A_1075 = vector.shape_cast %get3A_1074 : vector<16xi32> to vector<16xi32>
    %get3A_1076 = arith.constant 464 : index
    %get3A_1077 = tpu.vector_load %arg8[%get3A_1076] {strides = array<i32>} : memref<512xi32, #tpu.memory_space<vmem>>, vector<16xi32>,
    %get3A_1078 = vector.shape_cast %get3A_1077 : vector<16xi32> to vector<16xi32>
    %shift_right_arithmetic3A_1079 = arith.constant 3 : i32
    %shift_right_arithmetic3A_1080 = vector.broadcast %shift_right_arithmetic3A_1079 : i32 to vector<16xi32>
    %shift_right_arithmetic3A_1081 = arith.shrsi %get3A_1075, %shift_right_arithmetic3A_1080 : vector<16xi32>
    %mul3A_1082 = arith.constant 8192 : i32
    %mul3A_1083 = vector.broadcast %mul3A_1082 : i32 to vector<16xi32>
    %mul3A_1084 = arith.muli %shift_right_arithmetic3A_1081, %mul3A_1083 : vector<16xi32>
    %shift_right_arithmetic3A_1085 = arith.constant 7 : i32
    %shift_right_arithmetic3A_1086 = vector.broadcast %shift_right_arithmetic3A_1085 : i32 to vector<16xi32>
    %shift_right_arithmetic3A_1087 = arith.shrsi %get3A_1078, %shift_right_arithmetic3A_1086 : vector<16xi32>
    %mul3A_1088 = arith.constant 1024 : i32
    %mul3A_1089 = vector.broadcast %mul3A_1088 : i32 to vector<16xi32>
    %mul3A_1090 = arith.muli %shift_right_arithmetic3A_1087, %mul3A_1089 : vector<16xi32>
    %add3A_1091 = arith.addi %mul3A_1084, %mul3A_1090 : vector<16xi32>
    %and3A_1092 = arith.constant 7 : i32
    %and3A_1093 = vector.broadcast %and3A_1092 : i32 to vector<16xi32>
    %and3A_1094 = arith.andi %get3A_1075, %and3A_1093 : vector<16xi32>
    %mul3A_1095 = arith.constant 128 : i32
    %mul3A_1096 = vector.broadcast %mul3A_1095 : i32 to vector<16xi32>
    %mul3A_1097 = arith.muli %and3A_1094, %mul3A_1096 : vector<16xi32>
    %add3A_1098 = arith.addi %add3A_1091, %mul3A_1097 : vector<16xi32>
    %and3A_1099 = arith.constant 127 : i32
    %and3A_1100 = vector.broadcast %and3A_1099 : i32 to vector<16xi32>
    %and3A_1101 = arith.andi %get3A_1078, %and3A_1100 : vector<16xi32>
    %add3A_1102 = arith.addi %add3A_1098, %and3A_1101 : vector<16xi32>
    %swap3A_1103 = arith.constant 3 : i32
    %swap3A_1104 = arith.index_cast %swap3A_1103 : i32 to index
    %swap3A_1105 = arith.constant 80 : index
    %swap3A_1106 = tpu.vector_load %arg9[%swap3A_1104, %swap3A_1105] {strides = array<i32>} : memref<4x128xi32, #tpu.memory_space<vmem>>, vector<1x16xi32>,
    %swap3A_1107 = vector.shape_cast %swap3A_1106 : vector<1x16xi32> to vector<16xi32>
    %swap3A_1108 = vector.shape_cast %add3A_1102 : vector<16xi32> to vector<1x16xi32>
    tpu.vector_store %arg9[%swap3A_1104, %swap3A_1105], %swap3A_1108 {strides = array<i32>} : memref<4x128xi32, #tpu.memory_space<vmem>>, vector<1x16xi32>,
    %get3A_1109 = arith.constant 480 : index
    %get3A_1110 = tpu.vector_load %arg7[%get3A_1109] {strides = array<i32>} : memref<512xi32, #tpu.memory_space<vmem>>, vector<16xi32>,
    %get3A_1111 = vector.shape_cast %get3A_1110 : vector<16xi32> to vector<16xi32>
    %get3A_1112 = arith.constant 480 : index
    %get3A_1113 = tpu.vector_load %arg8[%get3A_1112] {strides = array<i32>} : memref<512xi32, #tpu.memory_space<vmem>>, vector<16xi32>,
    %get3A_1114 = vector.shape_cast %get3A_1113 : vector<16xi32> to vector<16xi32>
    %shift_right_arithmetic3A_1115 = arith.constant 3 : i32
    %shift_right_arithmetic3A_1116 = vector.broadcast %shift_right_arithmetic3A_1115 : i32 to vector<16xi32>
    %shift_right_arithmetic3A_1117 = arith.shrsi %get3A_1111, %shift_right_arithmetic3A_1116 : vector<16xi32>
    %mul3A_1118 = arith.constant 8192 : i32
    %mul3A_1119 = vector.broadcast %mul3A_1118 : i32 to vector<16xi32>
    %mul3A_1120 = arith.muli %shift_right_arithmetic3A_1117, %mul3A_1119 : vector<16xi32>
    %shift_right_arithmetic3A_1121 = arith.constant 7 : i32
    %shift_right_arithmetic3A_1122 = vector.broadcast %shift_right_arithmetic3A_1121 : i32 to vector<16xi32>
    %shift_right_arithmetic3A_1123 = arith.shrsi %get3A_1114, %shift_right_arithmetic3A_1122 : vector<16xi32>
    %mul3A_1124 = arith.constant 1024 : i32
    %mul3A_1125 = vector.broadcast %mul3A_1124 : i32 to vector<16xi32>
    %mul3A_1126 = arith.muli %shift_right_arithmetic3A_1123, %mul3A_1125 : vector<16xi32>
    %add3A_1127 = arith.addi %mul3A_1120, %mul3A_1126 : vector<16xi32>
    %and3A_1128 = arith.constant 7 : i32
    %and3A_1129 = vector.broadcast %and3A_1128 : i32 to vector<16xi32>
    %and3A_1130 = arith.andi %get3A_1111, %and3A_1129 : vector<16xi32>
    %mul3A_1131 = arith.constant 128 : i32
    %mul3A_1132 = vector.broadcast %mul3A_1131 : i32 to vector<16xi32>
    %mul3A_1133 = arith.muli %and3A_1130, %mul3A_1132 : vector<16xi32>
    %add3A_1134 = arith.addi %add3A_1127, %mul3A_1133 : vector<16xi32>
    %and3A_1135 = arith.constant 127 : i32
    %and3A_1136 = vector.broadcast %and3A_1135 : i32 to vector<16xi32>
    %and3A_1137 = arith.andi %get3A_1114, %and3A_1136 : vector<16xi32>
    %add3A_1138 = arith.addi %add3A_1134, %and3A_1137 : vector<16xi32>
    %swap3A_1139 = arith.constant 3 : i32
    %swap3A_1140 = arith.index_cast %swap3A_1139 : i32 to index
    %swap3A_1141 = arith.constant 96 : index
    %swap3A_1142 = tpu.vector_load %arg9[%swap3A_1140, %swap3A_1141] {strides = array<i32>} : memref<4x128xi32, #tpu.memory_space<vmem>>, vector<1x16xi32>,
    %swap3A_1143 = vector.shape_cast %swap3A_1142 : vector<1x16xi32> to vector<16xi32>
    %swap3A_1144 = vector.shape_cast %add3A_1138 : vector<16xi32> to vector<1x16xi32>
    tpu.vector_store %arg9[%swap3A_1140, %swap3A_1141], %swap3A_1144 {strides = array<i32>} : memref<4x128xi32, #tpu.memory_space<vmem>>, vector<1x16xi32>,
    %get3A_1145 = arith.constant 496 : index
    %get3A_1146 = tpu.vector_load %arg7[%get3A_1145] {strides = array<i32>} : memref<512xi32, #tpu.memory_space<vmem>>, vector<16xi32>,
    %get3A_1147 = vector.shape_cast %get3A_1146 : vector<16xi32> to vector<16xi32>
    %get3A_1148 = arith.constant 496 : index
    %get3A_1149 = tpu.vector_load %arg8[%get3A_1148] {strides = array<i32>} : memref<512xi32, #tpu.memory_space<vmem>>, vector<16xi32>,
    %get3A_1150 = vector.shape_cast %get3A_1149 : vector<16xi32> to vector<16xi32>
    %shift_right_arithmetic3A_1151 = arith.constant 3 : i32
    %shift_right_arithmetic3A_1152 = vector.broadcast %shift_right_arithmetic3A_1151 : i32 to vector<16xi32>
    %shift_right_arithmetic3A_1153 = arith.shrsi %get3A_1147, %shift_right_arithmetic3A_1152 : vector<16xi32>
    %mul3A_1154 = arith.constant 8192 : i32
    %mul3A_1155 = vector.broadcast %mul3A_1154 : i32 to vector<16xi32>
    %mul3A_1156 = arith.muli %shift_right_arithmetic3A_1153, %mul3A_1155 : vector<16xi32>
    %shift_right_arithmetic3A_1157 = arith.constant 7 : i32
    %shift_right_arithmetic3A_1158 = vector.broadcast %shift_right_arithmetic3A_1157 : i32 to vector<16xi32>
    %shift_right_arithmetic3A_1159 = arith.shrsi %get3A_1150, %shift_right_arithmetic3A_1158 : vector<16xi32>
    %mul3A_1160 = arith.constant 1024 : i32
    %mul3A_1161 = vector.broadcast %mul3A_1160 : i32 to vector<16xi32>
    %mul3A_1162 = arith.muli %shift_right_arithmetic3A_1159, %mul3A_1161 : vector<16xi32>
    %add3A_1163 = arith.addi %mul3A_1156, %mul3A_1162 : vector<16xi32>
    %and3A_1164 = arith.constant 7 : i32
    %and3A_1165 = vector.broadcast %and3A_1164 : i32 to vector<16xi32>
    %and3A_1166 = arith.andi %get3A_1147, %and3A_1165 : vector<16xi32>
    %mul3A_1167 = arith.constant 128 : i32
    %mul3A_1168 = vector.broadcast %mul3A_1167 : i32 to vector<16xi32>
    %mul3A_1169 = arith.muli %and3A_1166, %mul3A_1168 : vector<16xi32>
    %add3A_1170 = arith.addi %add3A_1163, %mul3A_1169 : vector<16xi32>
    %and3A_1171 = arith.constant 127 : i32
    %and3A_1172 = vector.broadcast %and3A_1171 : i32 to vector<16xi32>
    %and3A_1173 = arith.andi %get3A_1150, %and3A_1172 : vector<16xi32>
    %add3A_1174 = arith.addi %add3A_1170, %and3A_1173 : vector<16xi32>
    %swap3A_1175 = arith.constant 3 : i32
    %swap3A_1176 = arith.index_cast %swap3A_1175 : i32 to index
    %swap3A_1177 = arith.constant 112 : index
    %swap3A_1178 = tpu.vector_load %arg9[%swap3A_1176, %swap3A_1177] {strides = array<i32>} : memref<4x128xi32, #tpu.memory_space<vmem>>, vector<1x16xi32>,
    %swap3A_1179 = vector.shape_cast %swap3A_1178 : vector<1x16xi32> to vector<16xi32>
    %swap3A_1180 = vector.shape_cast %add3A_1174 : vector<16xi32> to vector<1x16xi32>
    tpu.vector_store %arg9[%swap3A_1176, %swap3A_1177], %swap3A_1180 {strides = array<i32>} : memref<4x128xi32, #tpu.memory_space<vmem>>, vector<1x16xi32>,
    %dma_start3A_1181 = arith.constant 3 : i32
    %dma_start3A_1182 = arith.constant 384 : i32
    %dma_start3A_1183 = tpu.memref_slice %arg10[%dma_start3A_1182] : memref<512xf32, #tpu.memory_space<vmem>> -> memref<128xf32, #tpu.memory_space<vmem>>
    %dma_start3A_1184 = arith.constant 0 : i32
    %dma_start3A_1185 = tpu.memref_slice %arg9[%dma_start3A_1181, %dma_start3A_1184] : memref<4x128xi32, #tpu.memory_space<vmem>> -> memref<1x128xi32, #tpu.memory_space<vmem>>
    %dma_start3A_1186 = tpu.memref_squeeze %dma_start3A_1185 : memref<1x128xi32, #tpu.memory_space<vmem>> -> memref<128xi32, #tpu.memory_space<vmem>>
    %dma_start3A_1187 = arith.constant 0 : i32
    %dma_start3A_1188 = tpu.memref_slice %arg4[%dma_start3A_1187] : memref<1024000xf32, #tpu.memory_space<hbm>> -> memref<1024000xf32, #tpu.memory_space<hbm>>
    tpu.enqueue_indirect_dma source(%dma_start3A_1188 : memref<1024000xf32, #tpu.memory_space<hbm>>) target(%dma_start3A_1183 : memref<128xf32, #tpu.memory_space<vmem>>) offsets(%dma_start3A_1186 : memref<128xi32, #tpu.memory_space<vmem>>) semaphore(%arg12 : memref<!tpu.dma_semaphore, #tpu.memory_space<semaphore_mem>>)
    %run_scoped3A = arith.constant 0 : i32
    "tpu.region"() ({
      %run_scoped3A_1479 = tpu.sem_alloc : memref<!tpu.dma_semaphore, #tpu.memory_space<semaphore_mem>>
      %dma_start3A_1480 = arith.constant 0 : i32
      %dma_start3A_1481 = tpu.memref_slice %arg5[%run_scoped3A, %dma_start3A_1480] : memref<1x128xf32, #tpu.memory_space<hbm>> -> memref<1x128xf32, #tpu.memory_space<hbm>>
      %dma_start3A_1482 = tpu.memref_squeeze %dma_start3A_1481 : memref<1x128xf32, #tpu.memory_space<hbm>> -> memref<128xf32, #tpu.memory_space<hbm>>
      %dma_start3A_1483 = arith.constant 0 : i32
      %dma_start3A_1484 = tpu.memref_slice %arg5[%run_scoped3A, %dma_start3A_1483] : memref<1x128xf32, #tpu.memory_space<hbm>> -> memref<1x128xf32, #tpu.memory_space<hbm>>
      %dma_start3A_1485 = tpu.memref_squeeze %dma_start3A_1484 : memref<1x128xf32, #tpu.memory_space<hbm>> -> memref<128xf32, #tpu.memory_space<hbm>>
      tpu.enqueue_dma source(%dma_start3A_1485 : memref<128xf32, #tpu.memory_space<hbm>>) target(%arg11 : memref<128xf32, #tpu.memory_space<vmem>>) target_semaphore(%run_scoped3A_1479 : memref<!tpu.dma_semaphore, #tpu.memory_space<semaphore_mem>>)
      %dma_wait3A_1486 = arith.constant 0 : i32
      %dma_wait3A_1487 = tpu.memref_slice %arg5[%run_scoped3A, %dma_wait3A_1486] : memref<1x128xf32, #tpu.memory_space<hbm>> -> memref<1x128xf32, #tpu.memory_space<hbm>>
      %dma_wait3A_1488 = tpu.memref_squeeze %dma_wait3A_1487 : memref<1x128xf32, #tpu.memory_space<hbm>> -> memref<128xf32, #tpu.memory_space<hbm>>
      %dma_wait3A_1489 = arith.constant 0 : i32
      %dma_wait3A_1490 = tpu.memref_slice %arg5[%run_scoped3A, %dma_wait3A_1489] : memref<1x128xf32, #tpu.memory_space<hbm>> -> memref<1x128xf32, #tpu.memory_space<hbm>>
      %dma_wait3A_1491 = tpu.memref_squeeze %dma_wait3A_1490 : memref<1x128xf32, #tpu.memory_space<hbm>> -> memref<128xf32, #tpu.memory_space<hbm>>
      tpu.wait_dma2 semaphore(%run_scoped3A_1479 : memref<!tpu.dma_semaphore, #tpu.memory_space<semaphore_mem>>) src(%dma_wait3A_1491 : memref<128xf32, #tpu.memory_space<hbm>>) dst(%arg11 : memref<128xf32, #tpu.memory_space<vmem>>)
      tpu.yield
    }) : () -> ()
    %dma_wait3A_1189 = arith.constant 0 : i32
    %dma_wait3A_1190 = arith.constant 0 : i32
    %dma_wait3A_1191 = tpu.memref_slice %arg10[%dma_wait3A_1190] : memref<512xf32, #tpu.memory_space<vmem>> -> memref<128xf32, #tpu.memory_space<vmem>>
    %dma_wait3A_1192 = arith.constant 0 : i32
    %dma_wait3A_1193 = tpu.memref_slice %arg9[%dma_wait3A_1189, %dma_wait3A_1192] : memref<4x128xi32, #tpu.memory_space<vmem>> -> memref<1x128xi32, #tpu.memory_space<vmem>>
    %dma_wait3A_1194 = tpu.memref_squeeze %dma_wait3A_1193 : memref<1x128xi32, #tpu.memory_space<vmem>> -> memref<128xi32, #tpu.memory_space<vmem>>
    %dma_wait3A_1195 = arith.constant 0 : i32
    %dma_wait3A_1196 = tpu.memref_slice %arg4[%dma_wait3A_1195] : memref<1024000xf32, #tpu.memory_space<hbm>> -> memref<1024000xf32, #tpu.memory_space<hbm>>
    tpu.wait_indirect_dma semaphore(%arg12 : memref<!tpu.dma_semaphore, #tpu.memory_space<semaphore_mem>>) src(%dma_wait3A_1196 : memref<1024000xf32, #tpu.memory_space<hbm>>) dst(%dma_wait3A_1191 : memref<128xf32, #tpu.memory_space<vmem>>)
    %dma_wait3A_1197 = arith.constant 1 : i32
    %dma_wait3A_1198 = arith.constant 128 : i32
    %dma_wait3A_1199 = tpu.memref_slice %arg10[%dma_wait3A_1198] : memref<512xf32, #tpu.memory_space<vmem>> -> memref<128xf32, #tpu.memory_space<vmem>>
    %dma_wait3A_1200 = arith.constant 0 : i32
    %dma_wait3A_1201 = tpu.memref_slice %arg9[%dma_wait3A_1197, %dma_wait3A_1200] : memref<4x128xi32, #tpu.memory_space<vmem>> -> memref<1x128xi32, #tpu.memory_space<vmem>>
    %dma_wait3A_1202 = tpu.memref_squeeze %dma_wait3A_1201 : memref<1x128xi32, #tpu.memory_space<vmem>> -> memref<128xi32, #tpu.memory_space<vmem>>
    %dma_wait3A_1203 = arith.constant 0 : i32
    %dma_wait3A_1204 = tpu.memref_slice %arg4[%dma_wait3A_1203] : memref<1024000xf32, #tpu.memory_space<hbm>> -> memref<1024000xf32, #tpu.memory_space<hbm>>
    tpu.wait_indirect_dma semaphore(%arg12 : memref<!tpu.dma_semaphore, #tpu.memory_space<semaphore_mem>>) src(%dma_wait3A_1204 : memref<1024000xf32, #tpu.memory_space<hbm>>) dst(%dma_wait3A_1199 : memref<128xf32, #tpu.memory_space<vmem>>)
    %dma_wait3A_1205 = arith.constant 2 : i32
    %dma_wait3A_1206 = arith.constant 256 : i32
    %dma_wait3A_1207 = tpu.memref_slice %arg10[%dma_wait3A_1206] : memref<512xf32, #tpu.memory_space<vmem>> -> memref<128xf32, #tpu.memory_space<vmem>>
    %dma_wait3A_1208 = arith.constant 0 : i32
    %dma_wait3A_1209 = tpu.memref_slice %arg9[%dma_wait3A_1205, %dma_wait3A_1208] : memref<4x128xi32, #tpu.memory_space<vmem>> -> memref<1x128xi32, #tpu.memory_space<vmem>>
    %dma_wait3A_1210 = tpu.memref_squeeze %dma_wait3A_1209 : memref<1x128xi32, #tpu.memory_space<vmem>> -> memref<128xi32, #tpu.memory_space<vmem>>
    %dma_wait3A_1211 = arith.constant 0 : i32
    %dma_wait3A_1212 = tpu.memref_slice %arg4[%dma_wait3A_1211] : memref<1024000xf32, #tpu.memory_space<hbm>> -> memref<1024000xf32, #tpu.memory_space<hbm>>
    tpu.wait_indirect_dma semaphore(%arg12 : memref<!tpu.dma_semaphore, #tpu.memory_space<semaphore_mem>>) src(%dma_wait3A_1212 : memref<1024000xf32, #tpu.memory_space<hbm>>) dst(%dma_wait3A_1207 : memref<128xf32, #tpu.memory_space<vmem>>)
    %dma_wait3A_1213 = arith.constant 3 : i32
    %dma_wait3A_1214 = arith.constant 384 : i32
    %dma_wait3A_1215 = tpu.memref_slice %arg10[%dma_wait3A_1214] : memref<512xf32, #tpu.memory_space<vmem>> -> memref<128xf32, #tpu.memory_space<vmem>>
    %dma_wait3A_1216 = arith.constant 0 : i32
    %dma_wait3A_1217 = tpu.memref_slice %arg9[%dma_wait3A_1213, %dma_wait3A_1216] : memref<4x128xi32, #tpu.memory_space<vmem>> -> memref<1x128xi32, #tpu.memory_space<vmem>>
    %dma_wait3A_1218 = tpu.memref_squeeze %dma_wait3A_1217 : memref<1x128xi32, #tpu.memory_space<vmem>> -> memref<128xi32, #tpu.memory_space<vmem>>
    %dma_wait3A_1219 = arith.constant 0 : i32
    %dma_wait3A_1220 = tpu.memref_slice %arg4[%dma_wait3A_1219] : memref<1024000xf32, #tpu.memory_space<hbm>> -> memref<1024000xf32, #tpu.memory_space<hbm>>
    tpu.wait_indirect_dma semaphore(%arg12 : memref<!tpu.dma_semaphore, #tpu.memory_space<semaphore_mem>>) src(%dma_wait3A_1220 : memref<1024000xf32, #tpu.memory_space<hbm>>) dst(%dma_wait3A_1215 : memref<128xf32, #tpu.memory_space<vmem>>)
    %get3A_1221 = arith.constant 0 : index
    %get3A_1222 = tpu.vector_load %arg11[%get3A_1221] {strides = array<i32>} : memref<128xf32, #tpu.memory_space<vmem>>, vector<16xf32>,
    %get3A_1223 = vector.shape_cast %get3A_1222 : vector<16xf32> to vector<16xf32>
    %get3A_1224 = arith.constant 0 : index
    %get3A_1225 = tpu.vector_load %arg10[%get3A_1224] {strides = array<i32>} : memref<512xf32, #tpu.memory_space<vmem>>, vector<16xf32>,
    %get3A_1226 = vector.shape_cast %get3A_1225 : vector<16xf32> to vector<16xf32>
    %sub3A = arith.subf %get3A_1226, %get3A_1223 : vector<16xf32>
    %swap3A_1227 = arith.constant 0 : index
    %swap3A_1228 = tpu.vector_load %arg10[%swap3A_1227] {strides = array<i32>} : memref<512xf32, #tpu.memory_space<vmem>>, vector<16xf32>,
    %swap3A_1229 = vector.shape_cast %swap3A_1228 : vector<16xf32> to vector<16xf32>
    %swap3A_1230 = vector.shape_cast %sub3A : vector<16xf32> to vector<16xf32>
    tpu.vector_store %arg10[%swap3A_1227], %swap3A_1230 {strides = array<i32>} : memref<512xf32, #tpu.memory_space<vmem>>, vector<16xf32>,
    %get3A_1231 = arith.constant 16 : index
    %get3A_1232 = tpu.vector_load %arg10[%get3A_1231] {strides = array<i32>} : memref<512xf32, #tpu.memory_space<vmem>>, vector<16xf32>,
    %get3A_1233 = vector.shape_cast %get3A_1232 : vector<16xf32> to vector<16xf32>
    %sub3A_1234 = arith.subf %get3A_1233, %get3A_1223 : vector<16xf32>
    %swap3A_1235 = arith.constant 16 : index
    %swap3A_1236 = tpu.vector_load %arg10[%swap3A_1235] {strides = array<i32>} : memref<512xf32, #tpu.memory_space<vmem>>, vector<16xf32>,
    %swap3A_1237 = vector.shape_cast %swap3A_1236 : vector<16xf32> to vector<16xf32>
    %swap3A_1238 = vector.shape_cast %sub3A_1234 : vector<16xf32> to vector<16xf32>
    tpu.vector_store %arg10[%swap3A_1235], %swap3A_1238 {strides = array<i32>} : memref<512xf32, #tpu.memory_space<vmem>>, vector<16xf32>,
    %get3A_1239 = arith.constant 32 : index
    %get3A_1240 = tpu.vector_load %arg10[%get3A_1239] {strides = array<i32>} : memref<512xf32, #tpu.memory_space<vmem>>, vector<16xf32>,
    %get3A_1241 = vector.shape_cast %get3A_1240 : vector<16xf32> to vector<16xf32>
    %sub3A_1242 = arith.subf %get3A_1241, %get3A_1223 : vector<16xf32>
    %swap3A_1243 = arith.constant 32 : index
    %swap3A_1244 = tpu.vector_load %arg10[%swap3A_1243] {strides = array<i32>} : memref<512xf32, #tpu.memory_space<vmem>>, vector<16xf32>,
    %swap3A_1245 = vector.shape_cast %swap3A_1244 : vector<16xf32> to vector<16xf32>
    %swap3A_1246 = vector.shape_cast %sub3A_1242 : vector<16xf32> to vector<16xf32>
    tpu.vector_store %arg10[%swap3A_1243], %swap3A_1246 {strides = array<i32>} : memref<512xf32, #tpu.memory_space<vmem>>, vector<16xf32>,
    %get3A_1247 = arith.constant 48 : index
    %get3A_1248 = tpu.vector_load %arg10[%get3A_1247] {strides = array<i32>} : memref<512xf32, #tpu.memory_space<vmem>>, vector<16xf32>,
    %get3A_1249 = vector.shape_cast %get3A_1248 : vector<16xf32> to vector<16xf32>
    %sub3A_1250 = arith.subf %get3A_1249, %get3A_1223 : vector<16xf32>
    %swap3A_1251 = arith.constant 48 : index
    %swap3A_1252 = tpu.vector_load %arg10[%swap3A_1251] {strides = array<i32>} : memref<512xf32, #tpu.memory_space<vmem>>, vector<16xf32>,
    %swap3A_1253 = vector.shape_cast %swap3A_1252 : vector<16xf32> to vector<16xf32>
    %swap3A_1254 = vector.shape_cast %sub3A_1250 : vector<16xf32> to vector<16xf32>
    tpu.vector_store %arg10[%swap3A_1251], %swap3A_1254 {strides = array<i32>} : memref<512xf32, #tpu.memory_space<vmem>>, vector<16xf32>,
    %get3A_1255 = arith.constant 64 : index
    %get3A_1256 = tpu.vector_load %arg10[%get3A_1255] {strides = array<i32>} : memref<512xf32, #tpu.memory_space<vmem>>, vector<16xf32>,
    %get3A_1257 = vector.shape_cast %get3A_1256 : vector<16xf32> to vector<16xf32>
    %sub3A_1258 = arith.subf %get3A_1257, %get3A_1223 : vector<16xf32>
    %swap3A_1259 = arith.constant 64 : index
    %swap3A_1260 = tpu.vector_load %arg10[%swap3A_1259] {strides = array<i32>} : memref<512xf32, #tpu.memory_space<vmem>>, vector<16xf32>,
    %swap3A_1261 = vector.shape_cast %swap3A_1260 : vector<16xf32> to vector<16xf32>
    %swap3A_1262 = vector.shape_cast %sub3A_1258 : vector<16xf32> to vector<16xf32>
    tpu.vector_store %arg10[%swap3A_1259], %swap3A_1262 {strides = array<i32>} : memref<512xf32, #tpu.memory_space<vmem>>, vector<16xf32>,
    %get3A_1263 = arith.constant 80 : index
    %get3A_1264 = tpu.vector_load %arg10[%get3A_1263] {strides = array<i32>} : memref<512xf32, #tpu.memory_space<vmem>>, vector<16xf32>,
    %get3A_1265 = vector.shape_cast %get3A_1264 : vector<16xf32> to vector<16xf32>
    %sub3A_1266 = arith.subf %get3A_1265, %get3A_1223 : vector<16xf32>
    %swap3A_1267 = arith.constant 80 : index
    %swap3A_1268 = tpu.vector_load %arg10[%swap3A_1267] {strides = array<i32>} : memref<512xf32, #tpu.memory_space<vmem>>, vector<16xf32>,
    %swap3A_1269 = vector.shape_cast %swap3A_1268 : vector<16xf32> to vector<16xf32>
    %swap3A_1270 = vector.shape_cast %sub3A_1266 : vector<16xf32> to vector<16xf32>
    tpu.vector_store %arg10[%swap3A_1267], %swap3A_1270 {strides = array<i32>} : memref<512xf32, #tpu.memory_space<vmem>>, vector<16xf32>,
    %get3A_1271 = arith.constant 96 : index
    %get3A_1272 = tpu.vector_load %arg10[%get3A_1271] {strides = array<i32>} : memref<512xf32, #tpu.memory_space<vmem>>, vector<16xf32>,
    %get3A_1273 = vector.shape_cast %get3A_1272 : vector<16xf32> to vector<16xf32>
    %sub3A_1274 = arith.subf %get3A_1273, %get3A_1223 : vector<16xf32>
    %swap3A_1275 = arith.constant 96 : index
    %swap3A_1276 = tpu.vector_load %arg10[%swap3A_1275] {strides = array<i32>} : memref<512xf32, #tpu.memory_space<vmem>>, vector<16xf32>,
    %swap3A_1277 = vector.shape_cast %swap3A_1276 : vector<16xf32> to vector<16xf32>
    %swap3A_1278 = vector.shape_cast %sub3A_1274 : vector<16xf32> to vector<16xf32>
    tpu.vector_store %arg10[%swap3A_1275], %swap3A_1278 {strides = array<i32>} : memref<512xf32, #tpu.memory_space<vmem>>, vector<16xf32>,
    %get3A_1279 = arith.constant 112 : index
    %get3A_1280 = tpu.vector_load %arg10[%get3A_1279] {strides = array<i32>} : memref<512xf32, #tpu.memory_space<vmem>>, vector<16xf32>,
    %get3A_1281 = vector.shape_cast %get3A_1280 : vector<16xf32> to vector<16xf32>
    %sub3A_1282 = arith.subf %get3A_1281, %get3A_1223 : vector<16xf32>
    %swap3A_1283 = arith.constant 112 : index
    %swap3A_1284 = tpu.vector_load %arg10[%swap3A_1283] {strides = array<i32>} : memref<512xf32, #tpu.memory_space<vmem>>, vector<16xf32>,
    %swap3A_1285 = vector.shape_cast %swap3A_1284 : vector<16xf32> to vector<16xf32>
    %swap3A_1286 = vector.shape_cast %sub3A_1282 : vector<16xf32> to vector<16xf32>
    tpu.vector_store %arg10[%swap3A_1283], %swap3A_1286 {strides = array<i32>} : memref<512xf32, #tpu.memory_space<vmem>>, vector<16xf32>,
    %get3A_1287 = arith.constant 128 : index
    %get3A_1288 = tpu.vector_load %arg10[%get3A_1287] {strides = array<i32>} : memref<512xf32, #tpu.memory_space<vmem>>, vector<16xf32>,
    %get3A_1289 = vector.shape_cast %get3A_1288 : vector<16xf32> to vector<16xf32>
    %sub3A_1290 = arith.subf %get3A_1289, %get3A_1223 : vector<16xf32>
    %swap3A_1291 = arith.constant 128 : index
    %swap3A_1292 = tpu.vector_load %arg10[%swap3A_1291] {strides = array<i32>} : memref<512xf32, #tpu.memory_space<vmem>>, vector<16xf32>,
    %swap3A_1293 = vector.shape_cast %swap3A_1292 : vector<16xf32> to vector<16xf32>
    %swap3A_1294 = vector.shape_cast %sub3A_1290 : vector<16xf32> to vector<16xf32>
    tpu.vector_store %arg10[%swap3A_1291], %swap3A_1294 {strides = array<i32>} : memref<512xf32, #tpu.memory_space<vmem>>, vector<16xf32>,
    %get3A_1295 = arith.constant 144 : index
    %get3A_1296 = tpu.vector_load %arg10[%get3A_1295] {strides = array<i32>} : memref<512xf32, #tpu.memory_space<vmem>>, vector<16xf32>,
    %get3A_1297 = vector.shape_cast %get3A_1296 : vector<16xf32> to vector<16xf32>
    %sub3A_1298 = arith.subf %get3A_1297, %get3A_1223 : vector<16xf32>
    %swap3A_1299 = arith.constant 144 : index
    %swap3A_1300 = tpu.vector_load %arg10[%swap3A_1299] {strides = array<i32>} : memref<512xf32, #tpu.memory_space<vmem>>, vector<16xf32>,
    %swap3A_1301 = vector.shape_cast %swap3A_1300 : vector<16xf32> to vector<16xf32>
    %swap3A_1302 = vector.shape_cast %sub3A_1298 : vector<16xf32> to vector<16xf32>
    tpu.vector_store %arg10[%swap3A_1299], %swap3A_1302 {strides = array<i32>} : memref<512xf32, #tpu.memory_space<vmem>>, vector<16xf32>,
    %get3A_1303 = arith.constant 160 : index
    %get3A_1304 = tpu.vector_load %arg10[%get3A_1303] {strides = array<i32>} : memref<512xf32, #tpu.memory_space<vmem>>, vector<16xf32>,
    %get3A_1305 = vector.shape_cast %get3A_1304 : vector<16xf32> to vector<16xf32>
    %sub3A_1306 = arith.subf %get3A_1305, %get3A_1223 : vector<16xf32>
    %swap3A_1307 = arith.constant 160 : index
    %swap3A_1308 = tpu.vector_load %arg10[%swap3A_1307] {strides = array<i32>} : memref<512xf32, #tpu.memory_space<vmem>>, vector<16xf32>,
    %swap3A_1309 = vector.shape_cast %swap3A_1308 : vector<16xf32> to vector<16xf32>
    %swap3A_1310 = vector.shape_cast %sub3A_1306 : vector<16xf32> to vector<16xf32>
    tpu.vector_store %arg10[%swap3A_1307], %swap3A_1310 {strides = array<i32>} : memref<512xf32, #tpu.memory_space<vmem>>, vector<16xf32>,
    %get3A_1311 = arith.constant 176 : index
    %get3A_1312 = tpu.vector_load %arg10[%get3A_1311] {strides = array<i32>} : memref<512xf32, #tpu.memory_space<vmem>>, vector<16xf32>,
    %get3A_1313 = vector.shape_cast %get3A_1312 : vector<16xf32> to vector<16xf32>
    %sub3A_1314 = arith.subf %get3A_1313, %get3A_1223 : vector<16xf32>
    %swap3A_1315 = arith.constant 176 : index
    %swap3A_1316 = tpu.vector_load %arg10[%swap3A_1315] {strides = array<i32>} : memref<512xf32, #tpu.memory_space<vmem>>, vector<16xf32>,
    %swap3A_1317 = vector.shape_cast %swap3A_1316 : vector<16xf32> to vector<16xf32>
    %swap3A_1318 = vector.shape_cast %sub3A_1314 : vector<16xf32> to vector<16xf32>
    tpu.vector_store %arg10[%swap3A_1315], %swap3A_1318 {strides = array<i32>} : memref<512xf32, #tpu.memory_space<vmem>>, vector<16xf32>,
    %get3A_1319 = arith.constant 192 : index
    %get3A_1320 = tpu.vector_load %arg10[%get3A_1319] {strides = array<i32>} : memref<512xf32, #tpu.memory_space<vmem>>, vector<16xf32>,
    %get3A_1321 = vector.shape_cast %get3A_1320 : vector<16xf32> to vector<16xf32>
    %sub3A_1322 = arith.subf %get3A_1321, %get3A_1223 : vector<16xf32>
    %swap3A_1323 = arith.constant 192 : index
    %swap3A_1324 = tpu.vector_load %arg10[%swap3A_1323] {strides = array<i32>} : memref<512xf32, #tpu.memory_space<vmem>>, vector<16xf32>,
    %swap3A_1325 = vector.shape_cast %swap3A_1324 : vector<16xf32> to vector<16xf32>
    %swap3A_1326 = vector.shape_cast %sub3A_1322 : vector<16xf32> to vector<16xf32>
    tpu.vector_store %arg10[%swap3A_1323], %swap3A_1326 {strides = array<i32>} : memref<512xf32, #tpu.memory_space<vmem>>, vector<16xf32>,
    %get3A_1327 = arith.constant 208 : index
    %get3A_1328 = tpu.vector_load %arg10[%get3A_1327] {strides = array<i32>} : memref<512xf32, #tpu.memory_space<vmem>>, vector<16xf32>,
    %get3A_1329 = vector.shape_cast %get3A_1328 : vector<16xf32> to vector<16xf32>
    %sub3A_1330 = arith.subf %get3A_1329, %get3A_1223 : vector<16xf32>
    %swap3A_1331 = arith.constant 208 : index
    %swap3A_1332 = tpu.vector_load %arg10[%swap3A_1331] {strides = array<i32>} : memref<512xf32, #tpu.memory_space<vmem>>, vector<16xf32>,
    %swap3A_1333 = vector.shape_cast %swap3A_1332 : vector<16xf32> to vector<16xf32>
    %swap3A_1334 = vector.shape_cast %sub3A_1330 : vector<16xf32> to vector<16xf32>
    tpu.vector_store %arg10[%swap3A_1331], %swap3A_1334 {strides = array<i32>} : memref<512xf32, #tpu.memory_space<vmem>>, vector<16xf32>,
    %get3A_1335 = arith.constant 224 : index
    %get3A_1336 = tpu.vector_load %arg10[%get3A_1335] {strides = array<i32>} : memref<512xf32, #tpu.memory_space<vmem>>, vector<16xf32>,
    %get3A_1337 = vector.shape_cast %get3A_1336 : vector<16xf32> to vector<16xf32>
    %sub3A_1338 = arith.subf %get3A_1337, %get3A_1223 : vector<16xf32>
    %swap3A_1339 = arith.constant 224 : index
    %swap3A_1340 = tpu.vector_load %arg10[%swap3A_1339] {strides = array<i32>} : memref<512xf32, #tpu.memory_space<vmem>>, vector<16xf32>,
    %swap3A_1341 = vector.shape_cast %swap3A_1340 : vector<16xf32> to vector<16xf32>
    %swap3A_1342 = vector.shape_cast %sub3A_1338 : vector<16xf32> to vector<16xf32>
    tpu.vector_store %arg10[%swap3A_1339], %swap3A_1342 {strides = array<i32>} : memref<512xf32, #tpu.memory_space<vmem>>, vector<16xf32>,
    %get3A_1343 = arith.constant 240 : index
    %get3A_1344 = tpu.vector_load %arg10[%get3A_1343] {strides = array<i32>} : memref<512xf32, #tpu.memory_space<vmem>>, vector<16xf32>,
    %get3A_1345 = vector.shape_cast %get3A_1344 : vector<16xf32> to vector<16xf32>
    %sub3A_1346 = arith.subf %get3A_1345, %get3A_1223 : vector<16xf32>
    %swap3A_1347 = arith.constant 240 : index
    %swap3A_1348 = tpu.vector_load %arg10[%swap3A_1347] {strides = array<i32>} : memref<512xf32, #tpu.memory_space<vmem>>, vector<16xf32>,
    %swap3A_1349 = vector.shape_cast %swap3A_1348 : vector<16xf32> to vector<16xf32>
    %swap3A_1350 = vector.shape_cast %sub3A_1346 : vector<16xf32> to vector<16xf32>
    tpu.vector_store %arg10[%swap3A_1347], %swap3A_1350 {strides = array<i32>} : memref<512xf32, #tpu.memory_space<vmem>>, vector<16xf32>,
    %get3A_1351 = arith.constant 256 : index
    %get3A_1352 = tpu.vector_load %arg10[%get3A_1351] {strides = array<i32>} : memref<512xf32, #tpu.memory_space<vmem>>, vector<16xf32>,
    %get3A_1353 = vector.shape_cast %get3A_1352 : vector<16xf32> to vector<16xf32>
    %sub3A_1354 = arith.subf %get3A_1353, %get3A_1223 : vector<16xf32>
    %swap3A_1355 = arith.constant 256 : index
    %swap3A_1356 = tpu.vector_load %arg10[%swap3A_1355] {strides = array<i32>} : memref<512xf32, #tpu.memory_space<vmem>>, vector<16xf32>,
    %swap3A_1357 = vector.shape_cast %swap3A_1356 : vector<16xf32> to vector<16xf32>
    %swap3A_1358 = vector.shape_cast %sub3A_1354 : vector<16xf32> to vector<16xf32>
    tpu.vector_store %arg10[%swap3A_1355], %swap3A_1358 {strides = array<i32>} : memref<512xf32, #tpu.memory_space<vmem>>, vector<16xf32>,
    %get3A_1359 = arith.constant 272 : index
    %get3A_1360 = tpu.vector_load %arg10[%get3A_1359] {strides = array<i32>} : memref<512xf32, #tpu.memory_space<vmem>>, vector<16xf32>,
    %get3A_1361 = vector.shape_cast %get3A_1360 : vector<16xf32> to vector<16xf32>
    %sub3A_1362 = arith.subf %get3A_1361, %get3A_1223 : vector<16xf32>
    %swap3A_1363 = arith.constant 272 : index
    %swap3A_1364 = tpu.vector_load %arg10[%swap3A_1363] {strides = array<i32>} : memref<512xf32, #tpu.memory_space<vmem>>, vector<16xf32>,
    %swap3A_1365 = vector.shape_cast %swap3A_1364 : vector<16xf32> to vector<16xf32>
    %swap3A_1366 = vector.shape_cast %sub3A_1362 : vector<16xf32> to vector<16xf32>
    tpu.vector_store %arg10[%swap3A_1363], %swap3A_1366 {strides = array<i32>} : memref<512xf32, #tpu.memory_space<vmem>>, vector<16xf32>,
    %get3A_1367 = arith.constant 288 : index
    %get3A_1368 = tpu.vector_load %arg10[%get3A_1367] {strides = array<i32>} : memref<512xf32, #tpu.memory_space<vmem>>, vector<16xf32>,
    %get3A_1369 = vector.shape_cast %get3A_1368 : vector<16xf32> to vector<16xf32>
    %sub3A_1370 = arith.subf %get3A_1369, %get3A_1223 : vector<16xf32>
    %swap3A_1371 = arith.constant 288 : index
    %swap3A_1372 = tpu.vector_load %arg10[%swap3A_1371] {strides = array<i32>} : memref<512xf32, #tpu.memory_space<vmem>>, vector<16xf32>,
    %swap3A_1373 = vector.shape_cast %swap3A_1372 : vector<16xf32> to vector<16xf32>
    %swap3A_1374 = vector.shape_cast %sub3A_1370 : vector<16xf32> to vector<16xf32>
    tpu.vector_store %arg10[%swap3A_1371], %swap3A_1374 {strides = array<i32>} : memref<512xf32, #tpu.memory_space<vmem>>, vector<16xf32>,
    %get3A_1375 = arith.constant 304 : index
    %get3A_1376 = tpu.vector_load %arg10[%get3A_1375] {strides = array<i32>} : memref<512xf32, #tpu.memory_space<vmem>>, vector<16xf32>,
    %get3A_1377 = vector.shape_cast %get3A_1376 : vector<16xf32> to vector<16xf32>
    %sub3A_1378 = arith.subf %get3A_1377, %get3A_1223 : vector<16xf32>
    %swap3A_1379 = arith.constant 304 : index
    %swap3A_1380 = tpu.vector_load %arg10[%swap3A_1379] {strides = array<i32>} : memref<512xf32, #tpu.memory_space<vmem>>, vector<16xf32>,
    %swap3A_1381 = vector.shape_cast %swap3A_1380 : vector<16xf32> to vector<16xf32>
    %swap3A_1382 = vector.shape_cast %sub3A_1378 : vector<16xf32> to vector<16xf32>
    tpu.vector_store %arg10[%swap3A_1379], %swap3A_1382 {strides = array<i32>} : memref<512xf32, #tpu.memory_space<vmem>>, vector<16xf32>,
    %get3A_1383 = arith.constant 320 : index
    %get3A_1384 = tpu.vector_load %arg10[%get3A_1383] {strides = array<i32>} : memref<512xf32, #tpu.memory_space<vmem>>, vector<16xf32>,
    %get3A_1385 = vector.shape_cast %get3A_1384 : vector<16xf32> to vector<16xf32>
    %sub3A_1386 = arith.subf %get3A_1385, %get3A_1223 : vector<16xf32>
    %swap3A_1387 = arith.constant 320 : index
    %swap3A_1388 = tpu.vector_load %arg10[%swap3A_1387] {strides = array<i32>} : memref<512xf32, #tpu.memory_space<vmem>>, vector<16xf32>,
    %swap3A_1389 = vector.shape_cast %swap3A_1388 : vector<16xf32> to vector<16xf32>
    %swap3A_1390 = vector.shape_cast %sub3A_1386 : vector<16xf32> to vector<16xf32>
    tpu.vector_store %arg10[%swap3A_1387], %swap3A_1390 {strides = array<i32>} : memref<512xf32, #tpu.memory_space<vmem>>, vector<16xf32>,
    %get3A_1391 = arith.constant 336 : index
    %get3A_1392 = tpu.vector_load %arg10[%get3A_1391] {strides = array<i32>} : memref<512xf32, #tpu.memory_space<vmem>>, vector<16xf32>,
    %get3A_1393 = vector.shape_cast %get3A_1392 : vector<16xf32> to vector<16xf32>
    %sub3A_1394 = arith.subf %get3A_1393, %get3A_1223 : vector<16xf32>
    %swap3A_1395 = arith.constant 336 : index
    %swap3A_1396 = tpu.vector_load %arg10[%swap3A_1395] {strides = array<i32>} : memref<512xf32, #tpu.memory_space<vmem>>, vector<16xf32>,
    %swap3A_1397 = vector.shape_cast %swap3A_1396 : vector<16xf32> to vector<16xf32>
    %swap3A_1398 = vector.shape_cast %sub3A_1394 : vector<16xf32> to vector<16xf32>
    tpu.vector_store %arg10[%swap3A_1395], %swap3A_1398 {strides = array<i32>} : memref<512xf32, #tpu.memory_space<vmem>>, vector<16xf32>,
    %get3A_1399 = arith.constant 352 : index
    %get3A_1400 = tpu.vector_load %arg10[%get3A_1399] {strides = array<i32>} : memref<512xf32, #tpu.memory_space<vmem>>, vector<16xf32>,
    %get3A_1401 = vector.shape_cast %get3A_1400 : vector<16xf32> to vector<16xf32>
    %sub3A_1402 = arith.subf %get3A_1401, %get3A_1223 : vector<16xf32>
    %swap3A_1403 = arith.constant 352 : index
    %swap3A_1404 = tpu.vector_load %arg10[%swap3A_1403] {strides = array<i32>} : memref<512xf32, #tpu.memory_space<vmem>>, vector<16xf32>,
    %swap3A_1405 = vector.shape_cast %swap3A_1404 : vector<16xf32> to vector<16xf32>
    %swap3A_1406 = vector.shape_cast %sub3A_1402 : vector<16xf32> to vector<16xf32>
    tpu.vector_store %arg10[%swap3A_1403], %swap3A_1406 {strides = array<i32>} : memref<512xf32, #tpu.memory_space<vmem>>, vector<16xf32>,
    %get3A_1407 = arith.constant 368 : index
    %get3A_1408 = tpu.vector_load %arg10[%get3A_1407] {strides = array<i32>} : memref<512xf32, #tpu.memory_space<vmem>>, vector<16xf32>,
    %get3A_1409 = vector.shape_cast %get3A_1408 : vector<16xf32> to vector<16xf32>
    %sub3A_1410 = arith.subf %get3A_1409, %get3A_1223 : vector<16xf32>
    %swap3A_1411 = arith.constant 368 : index
    %swap3A_1412 = tpu.vector_load %arg10[%swap3A_1411] {strides = array<i32>} : memref<512xf32, #tpu.memory_space<vmem>>, vector<16xf32>,
    %swap3A_1413 = vector.shape_cast %swap3A_1412 : vector<16xf32> to vector<16xf32>
    %swap3A_1414 = vector.shape_cast %sub3A_1410 : vector<16xf32> to vector<16xf32>
    tpu.vector_store %arg10[%swap3A_1411], %swap3A_1414 {strides = array<i32>} : memref<512xf32, #tpu.memory_space<vmem>>, vector<16xf32>,
    %get3A_1415 = arith.constant 384 : index
    %get3A_1416 = tpu.vector_load %arg10[%get3A_1415] {strides = array<i32>} : memref<512xf32, #tpu.memory_space<vmem>>, vector<16xf32>,
    %get3A_1417 = vector.shape_cast %get3A_1416 : vector<16xf32> to vector<16xf32>
    %sub3A_1418 = arith.subf %get3A_1417, %get3A_1223 : vector<16xf32>
    %swap3A_1419 = arith.constant 384 : index
    %swap3A_1420 = tpu.vector_load %arg10[%swap3A_1419] {strides = array<i32>} : memref<512xf32, #tpu.memory_space<vmem>>, vector<16xf32>,
    %swap3A_1421 = vector.shape_cast %swap3A_1420 : vector<16xf32> to vector<16xf32>
    %swap3A_1422 = vector.shape_cast %sub3A_1418 : vector<16xf32> to vector<16xf32>
    tpu.vector_store %arg10[%swap3A_1419], %swap3A_1422 {strides = array<i32>} : memref<512xf32, #tpu.memory_space<vmem>>, vector<16xf32>,
    %get3A_1423 = arith.constant 400 : index
    %get3A_1424 = tpu.vector_load %arg10[%get3A_1423] {strides = array<i32>} : memref<512xf32, #tpu.memory_space<vmem>>, vector<16xf32>,
    %get3A_1425 = vector.shape_cast %get3A_1424 : vector<16xf32> to vector<16xf32>
    %sub3A_1426 = arith.subf %get3A_1425, %get3A_1223 : vector<16xf32>
    %swap3A_1427 = arith.constant 400 : index
    %swap3A_1428 = tpu.vector_load %arg10[%swap3A_1427] {strides = array<i32>} : memref<512xf32, #tpu.memory_space<vmem>>, vector<16xf32>,
    %swap3A_1429 = vector.shape_cast %swap3A_1428 : vector<16xf32> to vector<16xf32>
    %swap3A_1430 = vector.shape_cast %sub3A_1426 : vector<16xf32> to vector<16xf32>
    tpu.vector_store %arg10[%swap3A_1427], %swap3A_1430 {strides = array<i32>} : memref<512xf32, #tpu.memory_space<vmem>>, vector<16xf32>,
    %get3A_1431 = arith.constant 416 : index
    %get3A_1432 = tpu.vector_load %arg10[%get3A_1431] {strides = array<i32>} : memref<512xf32, #tpu.memory_space<vmem>>, vector<16xf32>,
    %get3A_1433 = vector.shape_cast %get3A_1432 : vector<16xf32> to vector<16xf32>
    %sub3A_1434 = arith.subf %get3A_1433, %get3A_1223 : vector<16xf32>
    %swap3A_1435 = arith.constant 416 : index
    %swap3A_1436 = tpu.vector_load %arg10[%swap3A_1435] {strides = array<i32>} : memref<512xf32, #tpu.memory_space<vmem>>, vector<16xf32>,
    %swap3A_1437 = vector.shape_cast %swap3A_1436 : vector<16xf32> to vector<16xf32>
    %swap3A_1438 = vector.shape_cast %sub3A_1434 : vector<16xf32> to vector<16xf32>
    tpu.vector_store %arg10[%swap3A_1435], %swap3A_1438 {strides = array<i32>} : memref<512xf32, #tpu.memory_space<vmem>>, vector<16xf32>,
    %get3A_1439 = arith.constant 432 : index
    %get3A_1440 = tpu.vector_load %arg10[%get3A_1439] {strides = array<i32>} : memref<512xf32, #tpu.memory_space<vmem>>, vector<16xf32>,
    %get3A_1441 = vector.shape_cast %get3A_1440 : vector<16xf32> to vector<16xf32>
    %sub3A_1442 = arith.subf %get3A_1441, %get3A_1223 : vector<16xf32>
    %swap3A_1443 = arith.constant 432 : index
    %swap3A_1444 = tpu.vector_load %arg10[%swap3A_1443] {strides = array<i32>} : memref<512xf32, #tpu.memory_space<vmem>>, vector<16xf32>,
    %swap3A_1445 = vector.shape_cast %swap3A_1444 : vector<16xf32> to vector<16xf32>
    %swap3A_1446 = vector.shape_cast %sub3A_1442 : vector<16xf32> to vector<16xf32>
    tpu.vector_store %arg10[%swap3A_1443], %swap3A_1446 {strides = array<i32>} : memref<512xf32, #tpu.memory_space<vmem>>, vector<16xf32>,
    %get3A_1447 = arith.constant 448 : index
    %get3A_1448 = tpu.vector_load %arg10[%get3A_1447] {strides = array<i32>} : memref<512xf32, #tpu.memory_space<vmem>>, vector<16xf32>,
    %get3A_1449 = vector.shape_cast %get3A_1448 : vector<16xf32> to vector<16xf32>
    %sub3A_1450 = arith.subf %get3A_1449, %get3A_1223 : vector<16xf32>
    %swap3A_1451 = arith.constant 448 : index
    %swap3A_1452 = tpu.vector_load %arg10[%swap3A_1451] {strides = array<i32>} : memref<512xf32, #tpu.memory_space<vmem>>, vector<16xf32>,
    %swap3A_1453 = vector.shape_cast %swap3A_1452 : vector<16xf32> to vector<16xf32>
    %swap3A_1454 = vector.shape_cast %sub3A_1450 : vector<16xf32> to vector<16xf32>
    tpu.vector_store %arg10[%swap3A_1451], %swap3A_1454 {strides = array<i32>} : memref<512xf32, #tpu.memory_space<vmem>>, vector<16xf32>,
    %get3A_1455 = arith.constant 464 : index
    %get3A_1456 = tpu.vector_load %arg10[%get3A_1455] {strides = array<i32>} : memref<512xf32, #tpu.memory_space<vmem>>, vector<16xf32>,
    %get3A_1457 = vector.shape_cast %get3A_1456 : vector<16xf32> to vector<16xf32>
    %sub3A_1458 = arith.subf %get3A_1457, %get3A_1223 : vector<16xf32>
    %swap3A_1459 = arith.constant 464 : index
    %swap3A_1460 = tpu.vector_load %arg10[%swap3A_1459] {strides = array<i32>} : memref<512xf32, #tpu.memory_space<vmem>>, vector<16xf32>,
    %swap3A_1461 = vector.shape_cast %swap3A_1460 : vector<16xf32> to vector<16xf32>
    %swap3A_1462 = vector.shape_cast %sub3A_1458 : vector<16xf32> to vector<16xf32>
    tpu.vector_store %arg10[%swap3A_1459], %swap3A_1462 {strides = array<i32>} : memref<512xf32, #tpu.memory_space<vmem>>, vector<16xf32>,
    %get3A_1463 = arith.constant 480 : index
    %get3A_1464 = tpu.vector_load %arg10[%get3A_1463] {strides = array<i32>} : memref<512xf32, #tpu.memory_space<vmem>>, vector<16xf32>,
    %get3A_1465 = vector.shape_cast %get3A_1464 : vector<16xf32> to vector<16xf32>
    %sub3A_1466 = arith.subf %get3A_1465, %get3A_1223 : vector<16xf32>
    %swap3A_1467 = arith.constant 480 : index
    %swap3A_1468 = tpu.vector_load %arg10[%swap3A_1467] {strides = array<i32>} : memref<512xf32, #tpu.memory_space<vmem>>, vector<16xf32>,
    %swap3A_1469 = vector.shape_cast %swap3A_1468 : vector<16xf32> to vector<16xf32>
    %swap3A_1470 = vector.shape_cast %sub3A_1466 : vector<16xf32> to vector<16xf32>
    tpu.vector_store %arg10[%swap3A_1467], %swap3A_1470 {strides = array<i32>} : memref<512xf32, #tpu.memory_space<vmem>>, vector<16xf32>,
    %get3A_1471 = arith.constant 496 : index
    %get3A_1472 = tpu.vector_load %arg10[%get3A_1471] {strides = array<i32>} : memref<512xf32, #tpu.memory_space<vmem>>, vector<16xf32>,
    %get3A_1473 = vector.shape_cast %get3A_1472 : vector<16xf32> to vector<16xf32>
    %sub3A_1474 = arith.subf %get3A_1473, %get3A_1223 : vector<16xf32>
    %swap3A_1475 = arith.constant 496 : index
    %swap3A_1476 = tpu.vector_load %arg10[%swap3A_1475] {strides = array<i32>} : memref<512xf32, #tpu.memory_space<vmem>>, vector<16xf32>,
    %swap3A_1477 = vector.shape_cast %swap3A_1476 : vector<16xf32> to vector<16xf32>
    %swap3A_1478 = vector.shape_cast %sub3A_1474 : vector<16xf32> to vector<16xf32>
    tpu.vector_store %arg10[%swap3A_1475], %swap3A_1478 {strides = array<i32>} : memref<512xf32, #tpu.memory_space<vmem>>, vector<16xf32>,
    "tpu.region"() ({
      %run_scoped3A_1479 = tpu.sem_alloc : memref<!tpu.dma_semaphore, #tpu.memory_space<semaphore_mem>>
      %dma_start3A_1480 = tpu.memref_slice %arg6[%mul3A_2] : memref<16384xf32, #tpu.memory_space<hbm>> -> memref<512xf32, #tpu.memory_space<hbm>>
      %dma_start3A_1481 = tpu.memref_slice %arg6[%mul3A_2] : memref<16384xf32, #tpu.memory_space<hbm>> -> memref<512xf32, #tpu.memory_space<hbm>>
      tpu.enqueue_dma source(%arg10 : memref<512xf32, #tpu.memory_space<vmem>>) target(%dma_start3A_1481 : memref<512xf32, #tpu.memory_space<hbm>>) target_semaphore(%run_scoped3A_1479 : memref<!tpu.dma_semaphore, #tpu.memory_space<semaphore_mem>>)
      %dma_wait3A_1482 = tpu.memref_slice %arg6[%mul3A_2] : memref<16384xf32, #tpu.memory_space<hbm>> -> memref<512xf32, #tpu.memory_space<hbm>>
      %dma_wait3A_1483 = tpu.memref_slice %arg6[%mul3A_2] : memref<16384xf32, #tpu.memory_space<hbm>> -> memref<512xf32, #tpu.memory_space<hbm>>
      tpu.wait_dma2 semaphore(%run_scoped3A_1479 : memref<!tpu.dma_semaphore, #tpu.memory_space<semaphore_mem>>) src(%arg10 : memref<512xf32, #tpu.memory_space<vmem>>) dst(%dma_wait3A_1483 : memref<512xf32, #tpu.memory_space<hbm>>)
      tpu.yield
    }) : () -> ()
    return
  }
}

module attributes {stable_mosaic.version = 14 : i64} {
  func.func @_fuse_body(%arg0: i32, %arg1: memref<200x1000xf32, #tpu.memory_space<vmem>>, %arg2: memref<1600x128xf32, #tpu.memory_space<vmem>>, %arg3: memref<1x128xf32, #tpu.memory_space<vmem>>, %arg4: memref<8x1024xf32, #tpu.memory_space<vmem>>) attributes {dimension_semantics = [#tpu.dimension_semantics<arbitrary>], iteration_bounds = array<i64: 5>, scalar_prefetch = 0 : i64, scratch_operands = 1 : i64, tpu.core_type = #tpu.core_type<tc>, window_params = [{transform_indices = @transform_0, window_bounds = array<i64: 200, 1000>}, {transform_indices = @transform_1, window_bounds = array<i64: 1600, 128>}, {pipeline_mode = #tpu.pipeline_mode<synchronous>, transform_indices = @transform_2, window_bounds = array<i64: 1, 128>}]} {
    %get3A = arith.constant 0 : index
    %get3A_0 = arith.constant 0 : index
    %get3A_1 = vector.load %arg1[%get3A, %get3A_0] : memref<200x1000xf32, #tpu.memory_space<vmem>>, vector<200x1000xf32>
    %broadcast_in_dim3A = arith.constant 0.000000e+00 : f32
    %broadcast_in_dim3A_2 = vector.broadcast %broadcast_in_dim3A : f32 to vector<8x128xf32>
    %broadcast_in_dim3A_3 = arith.constant 0.000000e+00 : f32
    %broadcast_in_dim3A_4 = vector.broadcast %broadcast_in_dim3A_3 : f32 to vector<8x128xf32>
    %broadcast_in_dim3A_5 = arith.constant 0.000000e+00 : f32
    %broadcast_in_dim3A_6 = vector.broadcast %broadcast_in_dim3A_5 : f32 to vector<8x128xf32>
    %broadcast_in_dim3A_7 = arith.constant 0.000000e+00 : f32
    %broadcast_in_dim3A_8 = vector.broadcast %broadcast_in_dim3A_7 : f32 to vector<8x128xf32>
    %broadcast_in_dim3A_9 = arith.constant 0.000000e+00 : f32
    %broadcast_in_dim3A_10 = vector.broadcast %broadcast_in_dim3A_9 : f32 to vector<8x128xf32>
    %broadcast_in_dim3A_11 = arith.constant 0.000000e+00 : f32
    %broadcast_in_dim3A_12 = vector.broadcast %broadcast_in_dim3A_11 : f32 to vector<8x128xf32>
    %broadcast_in_dim3A_13 = arith.constant 0.000000e+00 : f32
    %broadcast_in_dim3A_14 = vector.broadcast %broadcast_in_dim3A_13 : f32 to vector<8x128xf32>
    %broadcast_in_dim3A_15 = arith.constant 0.000000e+00 : f32
    %broadcast_in_dim3A_16 = vector.broadcast %broadcast_in_dim3A_15 : f32 to vector<8x128xf32>
    %slice3A = vector.extract_strided_slice %get3A_1 {offsets = [0, 0], sizes = [8, 128], strides = [1, 1]} : vector<200x1000xf32> to vector<8x128xf32>
    %swap3A = arith.constant 0 : index
    %swap3A_17 = arith.constant 0 : index
    %swap3A_18 = vector.load %arg2[%swap3A, %swap3A_17] : memref<1600x128xf32, #tpu.memory_space<vmem>>, vector<8x128xf32>
    tpu.vector_store %arg2[%swap3A, %swap3A_17], %slice3A {strides = array<i32>} : memref<1600x128xf32, #tpu.memory_space<vmem>>, vector<8x128xf32>,
    %exp3A = math.exp %slice3A : vector<8x128xf32>
    %add3A = arith.addf %broadcast_in_dim3A_2, %exp3A : vector<8x128xf32>
    %slice3A_19 = vector.extract_strided_slice %get3A_1 {offsets = [0, 128], sizes = [8, 128], strides = [1, 1]} : vector<200x1000xf32> to vector<8x128xf32>
    %swap3A_20 = arith.constant 8 : index
    %swap3A_21 = arith.constant 0 : index
    %swap3A_22 = vector.load %arg2[%swap3A_20, %swap3A_21] : memref<1600x128xf32, #tpu.memory_space<vmem>>, vector<8x128xf32>
    tpu.vector_store %arg2[%swap3A_20, %swap3A_21], %slice3A_19 {strides = array<i32>} : memref<1600x128xf32, #tpu.memory_space<vmem>>, vector<8x128xf32>,
    %exp3A_23 = math.exp %slice3A_19 : vector<8x128xf32>
    %add3A_24 = arith.addf %broadcast_in_dim3A_4, %exp3A_23 : vector<8x128xf32>
    %slice3A_25 = vector.extract_strided_slice %get3A_1 {offsets = [0, 256], sizes = [8, 128], strides = [1, 1]} : vector<200x1000xf32> to vector<8x128xf32>
    %swap3A_26 = arith.constant 16 : index
    %swap3A_27 = arith.constant 0 : index
    %swap3A_28 = vector.load %arg2[%swap3A_26, %swap3A_27] : memref<1600x128xf32, #tpu.memory_space<vmem>>, vector<8x128xf32>
    tpu.vector_store %arg2[%swap3A_26, %swap3A_27], %slice3A_25 {strides = array<i32>} : memref<1600x128xf32, #tpu.memory_space<vmem>>, vector<8x128xf32>,
    %exp3A_29 = math.exp %slice3A_25 : vector<8x128xf32>
    %add3A_30 = arith.addf %broadcast_in_dim3A_6, %exp3A_29 : vector<8x128xf32>
    %slice3A_31 = vector.extract_strided_slice %get3A_1 {offsets = [0, 384], sizes = [8, 128], strides = [1, 1]} : vector<200x1000xf32> to vector<8x128xf32>
    %swap3A_32 = arith.constant 24 : index
    %swap3A_33 = arith.constant 0 : index
    %swap3A_34 = vector.load %arg2[%swap3A_32, %swap3A_33] : memref<1600x128xf32, #tpu.memory_space<vmem>>, vector<8x128xf32>
    tpu.vector_store %arg2[%swap3A_32, %swap3A_33], %slice3A_31 {strides = array<i32>} : memref<1600x128xf32, #tpu.memory_space<vmem>>, vector<8x128xf32>,
    %exp3A_35 = math.exp %slice3A_31 : vector<8x128xf32>
    %add3A_36 = arith.addf %broadcast_in_dim3A_8, %exp3A_35 : vector<8x128xf32>
    %slice3A_37 = vector.extract_strided_slice %get3A_1 {offsets = [0, 512], sizes = [8, 128], strides = [1, 1]} : vector<200x1000xf32> to vector<8x128xf32>
    %swap3A_38 = arith.constant 32 : index
    %swap3A_39 = arith.constant 0 : index
    %swap3A_40 = vector.load %arg2[%swap3A_38, %swap3A_39] : memref<1600x128xf32, #tpu.memory_space<vmem>>, vector<8x128xf32>
    tpu.vector_store %arg2[%swap3A_38, %swap3A_39], %slice3A_37 {strides = array<i32>} : memref<1600x128xf32, #tpu.memory_space<vmem>>, vector<8x128xf32>,
    %exp3A_41 = math.exp %slice3A_37 : vector<8x128xf32>
    %add3A_42 = arith.addf %broadcast_in_dim3A_10, %exp3A_41 : vector<8x128xf32>
    %slice3A_43 = vector.extract_strided_slice %get3A_1 {offsets = [0, 640], sizes = [8, 128], strides = [1, 1]} : vector<200x1000xf32> to vector<8x128xf32>
    %swap3A_44 = arith.constant 40 : index
    %swap3A_45 = arith.constant 0 : index
    %swap3A_46 = vector.load %arg2[%swap3A_44, %swap3A_45] : memref<1600x128xf32, #tpu.memory_space<vmem>>, vector<8x128xf32>
    tpu.vector_store %arg2[%swap3A_44, %swap3A_45], %slice3A_43 {strides = array<i32>} : memref<1600x128xf32, #tpu.memory_space<vmem>>, vector<8x128xf32>,
    %exp3A_47 = math.exp %slice3A_43 : vector<8x128xf32>
    %add3A_48 = arith.addf %broadcast_in_dim3A_12, %exp3A_47 : vector<8x128xf32>
    %slice3A_49 = vector.extract_strided_slice %get3A_1 {offsets = [0, 768], sizes = [8, 128], strides = [1, 1]} : vector<200x1000xf32> to vector<8x128xf32>
    %swap3A_50 = arith.constant 48 : index
    %swap3A_51 = arith.constant 0 : index
    %swap3A_52 = vector.load %arg2[%swap3A_50, %swap3A_51] : memref<1600x128xf32, #tpu.memory_space<vmem>>, vector<8x128xf32>
    tpu.vector_store %arg2[%swap3A_50, %swap3A_51], %slice3A_49 {strides = array<i32>} : memref<1600x128xf32, #tpu.memory_space<vmem>>, vector<8x128xf32>,
    %exp3A_53 = math.exp %slice3A_49 : vector<8x128xf32>
    %add3A_54 = arith.addf %broadcast_in_dim3A_14, %exp3A_53 : vector<8x128xf32>
    %slice3A_55 = vector.extract_strided_slice %get3A_1 {offsets = [0, 896], sizes = [8, 104], strides = [1, 1]} : vector<200x1000xf32> to vector<8x104xf32>
    %swap3A_56 = arith.constant 56 : index
    %swap3A_57 = arith.constant 0 : index
    %swap3A_58 = vector.load %arg2[%swap3A_56, %swap3A_57] : memref<1600x128xf32, #tpu.memory_space<vmem>>, vector<8x104xf32>
    tpu.vector_store %arg2[%swap3A_56, %swap3A_57], %slice3A_55 {strides = array<i32>} : memref<1600x128xf32, #tpu.memory_space<vmem>>, vector<8x104xf32>,
    %exp3A_59 = math.exp %slice3A_55 : vector<8x104xf32>
    %jit3A = arith.constant 0 : i32
    %convert_element_type3A = arith.sitofp %jit3A : i32 to f32
    %pad3A = vector.broadcast %convert_element_type3A : f32 to vector<8x24xf32>
    %pad3A_60 = tpu.concatenate %exp3A_59, %pad3A in 1 : vector<8x104xf32>, vector<8x24xf32> -> vector<8x128xf32>
    %add3A_61 = arith.addf %broadcast_in_dim3A_16, %pad3A_60 : vector<8x128xf32>
    %slice3A_62 = vector.extract_strided_slice %get3A_1 {offsets = [8, 0], sizes = [8, 128], strides = [1, 1]} : vector<200x1000xf32> to vector<8x128xf32>
    %swap3A_63 = arith.constant 64 : index
    %swap3A_64 = arith.constant 0 : index
    %swap3A_65 = vector.load %arg2[%swap3A_63, %swap3A_64] : memref<1600x128xf32, #tpu.memory_space<vmem>>, vector<8x128xf32>
    tpu.vector_store %arg2[%swap3A_63, %swap3A_64], %slice3A_62 {strides = array<i32>} : memref<1600x128xf32, #tpu.memory_space<vmem>>, vector<8x128xf32>,
    %exp3A_66 = math.exp %slice3A_62 : vector<8x128xf32>
    %add3A_67 = arith.addf %add3A, %exp3A_66 : vector<8x128xf32>
    %slice3A_68 = vector.extract_strided_slice %get3A_1 {offsets = [8, 128], sizes = [8, 128], strides = [1, 1]} : vector<200x1000xf32> to vector<8x128xf32>
    %swap3A_69 = arith.constant 72 : index
    %swap3A_70 = arith.constant 0 : index
    %swap3A_71 = vector.load %arg2[%swap3A_69, %swap3A_70] : memref<1600x128xf32, #tpu.memory_space<vmem>>, vector<8x128xf32>
    tpu.vector_store %arg2[%swap3A_69, %swap3A_70], %slice3A_68 {strides = array<i32>} : memref<1600x128xf32, #tpu.memory_space<vmem>>, vector<8x128xf32>,
    %exp3A_72 = math.exp %slice3A_68 : vector<8x128xf32>
    %add3A_73 = arith.addf %add3A_24, %exp3A_72 : vector<8x128xf32>
    %slice3A_74 = vector.extract_strided_slice %get3A_1 {offsets = [8, 256], sizes = [8, 128], strides = [1, 1]} : vector<200x1000xf32> to vector<8x128xf32>
    %swap3A_75 = arith.constant 80 : index
    %swap3A_76 = arith.constant 0 : index
    %swap3A_77 = vector.load %arg2[%swap3A_75, %swap3A_76] : memref<1600x128xf32, #tpu.memory_space<vmem>>, vector<8x128xf32>
    tpu.vector_store %arg2[%swap3A_75, %swap3A_76], %slice3A_74 {strides = array<i32>} : memref<1600x128xf32, #tpu.memory_space<vmem>>, vector<8x128xf32>,
    %exp3A_78 = math.exp %slice3A_74 : vector<8x128xf32>
    %add3A_79 = arith.addf %add3A_30, %exp3A_78 : vector<8x128xf32>
    %slice3A_80 = vector.extract_strided_slice %get3A_1 {offsets = [8, 384], sizes = [8, 128], strides = [1, 1]} : vector<200x1000xf32> to vector<8x128xf32>
    %swap3A_81 = arith.constant 88 : index
    %swap3A_82 = arith.constant 0 : index
    %swap3A_83 = vector.load %arg2[%swap3A_81, %swap3A_82] : memref<1600x128xf32, #tpu.memory_space<vmem>>, vector<8x128xf32>
    tpu.vector_store %arg2[%swap3A_81, %swap3A_82], %slice3A_80 {strides = array<i32>} : memref<1600x128xf32, #tpu.memory_space<vmem>>, vector<8x128xf32>,
    %exp3A_84 = math.exp %slice3A_80 : vector<8x128xf32>
    %add3A_85 = arith.addf %add3A_36, %exp3A_84 : vector<8x128xf32>
    %slice3A_86 = vector.extract_strided_slice %get3A_1 {offsets = [8, 512], sizes = [8, 128], strides = [1, 1]} : vector<200x1000xf32> to vector<8x128xf32>
    %swap3A_87 = arith.constant 96 : index
    %swap3A_88 = arith.constant 0 : index
    %swap3A_89 = vector.load %arg2[%swap3A_87, %swap3A_88] : memref<1600x128xf32, #tpu.memory_space<vmem>>, vector<8x128xf32>
    tpu.vector_store %arg2[%swap3A_87, %swap3A_88], %slice3A_86 {strides = array<i32>} : memref<1600x128xf32, #tpu.memory_space<vmem>>, vector<8x128xf32>,
    %exp3A_90 = math.exp %slice3A_86 : vector<8x128xf32>
    %add3A_91 = arith.addf %add3A_42, %exp3A_90 : vector<8x128xf32>
    %slice3A_92 = vector.extract_strided_slice %get3A_1 {offsets = [8, 640], sizes = [8, 128], strides = [1, 1]} : vector<200x1000xf32> to vector<8x128xf32>
    %swap3A_93 = arith.constant 104 : index
    %swap3A_94 = arith.constant 0 : index
    %swap3A_95 = vector.load %arg2[%swap3A_93, %swap3A_94] : memref<1600x128xf32, #tpu.memory_space<vmem>>, vector<8x128xf32>
    tpu.vector_store %arg2[%swap3A_93, %swap3A_94], %slice3A_92 {strides = array<i32>} : memref<1600x128xf32, #tpu.memory_space<vmem>>, vector<8x128xf32>,
    %exp3A_96 = math.exp %slice3A_92 : vector<8x128xf32>
    %add3A_97 = arith.addf %add3A_48, %exp3A_96 : vector<8x128xf32>
    %slice3A_98 = vector.extract_strided_slice %get3A_1 {offsets = [8, 768], sizes = [8, 128], strides = [1, 1]} : vector<200x1000xf32> to vector<8x128xf32>
    %swap3A_99 = arith.constant 112 : index
    %swap3A_100 = arith.constant 0 : index
    %swap3A_101 = vector.load %arg2[%swap3A_99, %swap3A_100] : memref<1600x128xf32, #tpu.memory_space<vmem>>, vector<8x128xf32>
    tpu.vector_store %arg2[%swap3A_99, %swap3A_100], %slice3A_98 {strides = array<i32>} : memref<1600x128xf32, #tpu.memory_space<vmem>>, vector<8x128xf32>,
    %exp3A_102 = math.exp %slice3A_98 : vector<8x128xf32>
    %add3A_103 = arith.addf %add3A_54, %exp3A_102 : vector<8x128xf32>
    %slice3A_104 = vector.extract_strided_slice %get3A_1 {offsets = [8, 896], sizes = [8, 104], strides = [1, 1]} : vector<200x1000xf32> to vector<8x104xf32>
    %swap3A_105 = arith.constant 120 : index
    %swap3A_106 = arith.constant 0 : index
    %swap3A_107 = vector.load %arg2[%swap3A_105, %swap3A_106] : memref<1600x128xf32, #tpu.memory_space<vmem>>, vector<8x104xf32>
    tpu.vector_store %arg2[%swap3A_105, %swap3A_106], %slice3A_104 {strides = array<i32>} : memref<1600x128xf32, #tpu.memory_space<vmem>>, vector<8x104xf32>,
    %exp3A_108 = math.exp %slice3A_104 : vector<8x104xf32>
    %jit3A_109 = arith.constant 0 : i32
    %convert_element_type3A_110 = arith.sitofp %jit3A_109 : i32 to f32
    %pad3A_111 = vector.broadcast %convert_element_type3A_110 : f32 to vector<8x24xf32>
    %pad3A_112 = tpu.concatenate %exp3A_108, %pad3A_111 in 1 : vector<8x104xf32>, vector<8x24xf32> -> vector<8x128xf32>
    %add3A_113 = arith.addf %add3A_61, %pad3A_112 : vector<8x128xf32>
    %slice3A_114 = vector.extract_strided_slice %get3A_1 {offsets = [16, 0], sizes = [8, 128], strides = [1, 1]} : vector<200x1000xf32> to vector<8x128xf32>
    %swap3A_115 = arith.constant 128 : index
    %swap3A_116 = arith.constant 0 : index
    %swap3A_117 = vector.load %arg2[%swap3A_115, %swap3A_116] : memref<1600x128xf32, #tpu.memory_space<vmem>>, vector<8x128xf32>
    tpu.vector_store %arg2[%swap3A_115, %swap3A_116], %slice3A_114 {strides = array<i32>} : memref<1600x128xf32, #tpu.memory_space<vmem>>, vector<8x128xf32>,
    %exp3A_118 = math.exp %slice3A_114 : vector<8x128xf32>
    %add3A_119 = arith.addf %add3A_67, %exp3A_118 : vector<8x128xf32>
    %slice3A_120 = vector.extract_strided_slice %get3A_1 {offsets = [16, 128], sizes = [8, 128], strides = [1, 1]} : vector<200x1000xf32> to vector<8x128xf32>
    %swap3A_121 = arith.constant 136 : index
    %swap3A_122 = arith.constant 0 : index
    %swap3A_123 = vector.load %arg2[%swap3A_121, %swap3A_122] : memref<1600x128xf32, #tpu.memory_space<vmem>>, vector<8x128xf32>
    tpu.vector_store %arg2[%swap3A_121, %swap3A_122], %slice3A_120 {strides = array<i32>} : memref<1600x128xf32, #tpu.memory_space<vmem>>, vector<8x128xf32>,
    %exp3A_124 = math.exp %slice3A_120 : vector<8x128xf32>
    %add3A_125 = arith.addf %add3A_73, %exp3A_124 : vector<8x128xf32>
    %slice3A_126 = vector.extract_strided_slice %get3A_1 {offsets = [16, 256], sizes = [8, 128], strides = [1, 1]} : vector<200x1000xf32> to vector<8x128xf32>
    %swap3A_127 = arith.constant 144 : index
    %swap3A_128 = arith.constant 0 : index
    %swap3A_129 = vector.load %arg2[%swap3A_127, %swap3A_128] : memref<1600x128xf32, #tpu.memory_space<vmem>>, vector<8x128xf32>
    tpu.vector_store %arg2[%swap3A_127, %swap3A_128], %slice3A_126 {strides = array<i32>} : memref<1600x128xf32, #tpu.memory_space<vmem>>, vector<8x128xf32>,
    %exp3A_130 = math.exp %slice3A_126 : vector<8x128xf32>
    %add3A_131 = arith.addf %add3A_79, %exp3A_130 : vector<8x128xf32>
    %slice3A_132 = vector.extract_strided_slice %get3A_1 {offsets = [16, 384], sizes = [8, 128], strides = [1, 1]} : vector<200x1000xf32> to vector<8x128xf32>
    %swap3A_133 = arith.constant 152 : index
    %swap3A_134 = arith.constant 0 : index
    %swap3A_135 = vector.load %arg2[%swap3A_133, %swap3A_134] : memref<1600x128xf32, #tpu.memory_space<vmem>>, vector<8x128xf32>
    tpu.vector_store %arg2[%swap3A_133, %swap3A_134], %slice3A_132 {strides = array<i32>} : memref<1600x128xf32, #tpu.memory_space<vmem>>, vector<8x128xf32>,
    %exp3A_136 = math.exp %slice3A_132 : vector<8x128xf32>
    %add3A_137 = arith.addf %add3A_85, %exp3A_136 : vector<8x128xf32>
    %slice3A_138 = vector.extract_strided_slice %get3A_1 {offsets = [16, 512], sizes = [8, 128], strides = [1, 1]} : vector<200x1000xf32> to vector<8x128xf32>
    %swap3A_139 = arith.constant 160 : index
    %swap3A_140 = arith.constant 0 : index
    %swap3A_141 = vector.load %arg2[%swap3A_139, %swap3A_140] : memref<1600x128xf32, #tpu.memory_space<vmem>>, vector<8x128xf32>
    tpu.vector_store %arg2[%swap3A_139, %swap3A_140], %slice3A_138 {strides = array<i32>} : memref<1600x128xf32, #tpu.memory_space<vmem>>, vector<8x128xf32>,
    %exp3A_142 = math.exp %slice3A_138 : vector<8x128xf32>
    %add3A_143 = arith.addf %add3A_91, %exp3A_142 : vector<8x128xf32>
    %slice3A_144 = vector.extract_strided_slice %get3A_1 {offsets = [16, 640], sizes = [8, 128], strides = [1, 1]} : vector<200x1000xf32> to vector<8x128xf32>
    %swap3A_145 = arith.constant 168 : index
    %swap3A_146 = arith.constant 0 : index
    %swap3A_147 = vector.load %arg2[%swap3A_145, %swap3A_146] : memref<1600x128xf32, #tpu.memory_space<vmem>>, vector<8x128xf32>
    tpu.vector_store %arg2[%swap3A_145, %swap3A_146], %slice3A_144 {strides = array<i32>} : memref<1600x128xf32, #tpu.memory_space<vmem>>, vector<8x128xf32>,
    %exp3A_148 = math.exp %slice3A_144 : vector<8x128xf32>
    %add3A_149 = arith.addf %add3A_97, %exp3A_148 : vector<8x128xf32>
    %slice3A_150 = vector.extract_strided_slice %get3A_1 {offsets = [16, 768], sizes = [8, 128], strides = [1, 1]} : vector<200x1000xf32> to vector<8x128xf32>
    %swap3A_151 = arith.constant 176 : index
    %swap3A_152 = arith.constant 0 : index
    %swap3A_153 = vector.load %arg2[%swap3A_151, %swap3A_152] : memref<1600x128xf32, #tpu.memory_space<vmem>>, vector<8x128xf32>
    tpu.vector_store %arg2[%swap3A_151, %swap3A_152], %slice3A_150 {strides = array<i32>} : memref<1600x128xf32, #tpu.memory_space<vmem>>, vector<8x128xf32>,
    %exp3A_154 = math.exp %slice3A_150 : vector<8x128xf32>
    %add3A_155 = arith.addf %add3A_103, %exp3A_154 : vector<8x128xf32>
    %slice3A_156 = vector.extract_strided_slice %get3A_1 {offsets = [16, 896], sizes = [8, 104], strides = [1, 1]} : vector<200x1000xf32> to vector<8x104xf32>
    %swap3A_157 = arith.constant 184 : index
    %swap3A_158 = arith.constant 0 : index
    %swap3A_159 = vector.load %arg2[%swap3A_157, %swap3A_158] : memref<1600x128xf32, #tpu.memory_space<vmem>>, vector<8x104xf32>
    tpu.vector_store %arg2[%swap3A_157, %swap3A_158], %slice3A_156 {strides = array<i32>} : memref<1600x128xf32, #tpu.memory_space<vmem>>, vector<8x104xf32>,
    %exp3A_160 = math.exp %slice3A_156 : vector<8x104xf32>
    %jit3A_161 = arith.constant 0 : i32
    %convert_element_type3A_162 = arith.sitofp %jit3A_161 : i32 to f32
    %pad3A_163 = vector.broadcast %convert_element_type3A_162 : f32 to vector<8x24xf32>
    %pad3A_164 = tpu.concatenate %exp3A_160, %pad3A_163 in 1 : vector<8x104xf32>, vector<8x24xf32> -> vector<8x128xf32>
    %add3A_165 = arith.addf %add3A_113, %pad3A_164 : vector<8x128xf32>
    %slice3A_166 = vector.extract_strided_slice %get3A_1 {offsets = [24, 0], sizes = [8, 128], strides = [1, 1]} : vector<200x1000xf32> to vector<8x128xf32>
    %swap3A_167 = arith.constant 192 : index
    %swap3A_168 = arith.constant 0 : index
    %swap3A_169 = vector.load %arg2[%swap3A_167, %swap3A_168] : memref<1600x128xf32, #tpu.memory_space<vmem>>, vector<8x128xf32>
    tpu.vector_store %arg2[%swap3A_167, %swap3A_168], %slice3A_166 {strides = array<i32>} : memref<1600x128xf32, #tpu.memory_space<vmem>>, vector<8x128xf32>,
    %exp3A_170 = math.exp %slice3A_166 : vector<8x128xf32>
    %add3A_171 = arith.addf %add3A_119, %exp3A_170 : vector<8x128xf32>
    %slice3A_172 = vector.extract_strided_slice %get3A_1 {offsets = [24, 128], sizes = [8, 128], strides = [1, 1]} : vector<200x1000xf32> to vector<8x128xf32>
    %swap3A_173 = arith.constant 200 : index
    %swap3A_174 = arith.constant 0 : index
    %swap3A_175 = vector.load %arg2[%swap3A_173, %swap3A_174] : memref<1600x128xf32, #tpu.memory_space<vmem>>, vector<8x128xf32>
    tpu.vector_store %arg2[%swap3A_173, %swap3A_174], %slice3A_172 {strides = array<i32>} : memref<1600x128xf32, #tpu.memory_space<vmem>>, vector<8x128xf32>,
    %exp3A_176 = math.exp %slice3A_172 : vector<8x128xf32>
    %add3A_177 = arith.addf %add3A_125, %exp3A_176 : vector<8x128xf32>
    %slice3A_178 = vector.extract_strided_slice %get3A_1 {offsets = [24, 256], sizes = [8, 128], strides = [1, 1]} : vector<200x1000xf32> to vector<8x128xf32>
    %swap3A_179 = arith.constant 208 : index
    %swap3A_180 = arith.constant 0 : index
    %swap3A_181 = vector.load %arg2[%swap3A_179, %swap3A_180] : memref<1600x128xf32, #tpu.memory_space<vmem>>, vector<8x128xf32>
    tpu.vector_store %arg2[%swap3A_179, %swap3A_180], %slice3A_178 {strides = array<i32>} : memref<1600x128xf32, #tpu.memory_space<vmem>>, vector<8x128xf32>,
    %exp3A_182 = math.exp %slice3A_178 : vector<8x128xf32>
    %add3A_183 = arith.addf %add3A_131, %exp3A_182 : vector<8x128xf32>
    %slice3A_184 = vector.extract_strided_slice %get3A_1 {offsets = [24, 384], sizes = [8, 128], strides = [1, 1]} : vector<200x1000xf32> to vector<8x128xf32>
    %swap3A_185 = arith.constant 216 : index
    %swap3A_186 = arith.constant 0 : index
    %swap3A_187 = vector.load %arg2[%swap3A_185, %swap3A_186] : memref<1600x128xf32, #tpu.memory_space<vmem>>, vector<8x128xf32>
    tpu.vector_store %arg2[%swap3A_185, %swap3A_186], %slice3A_184 {strides = array<i32>} : memref<1600x128xf32, #tpu.memory_space<vmem>>, vector<8x128xf32>,
    %exp3A_188 = math.exp %slice3A_184 : vector<8x128xf32>
    %add3A_189 = arith.addf %add3A_137, %exp3A_188 : vector<8x128xf32>
    %slice3A_190 = vector.extract_strided_slice %get3A_1 {offsets = [24, 512], sizes = [8, 128], strides = [1, 1]} : vector<200x1000xf32> to vector<8x128xf32>
    %swap3A_191 = arith.constant 224 : index
    %swap3A_192 = arith.constant 0 : index
    %swap3A_193 = vector.load %arg2[%swap3A_191, %swap3A_192] : memref<1600x128xf32, #tpu.memory_space<vmem>>, vector<8x128xf32>
    tpu.vector_store %arg2[%swap3A_191, %swap3A_192], %slice3A_190 {strides = array<i32>} : memref<1600x128xf32, #tpu.memory_space<vmem>>, vector<8x128xf32>,
    %exp3A_194 = math.exp %slice3A_190 : vector<8x128xf32>
    %add3A_195 = arith.addf %add3A_143, %exp3A_194 : vector<8x128xf32>
    %slice3A_196 = vector.extract_strided_slice %get3A_1 {offsets = [24, 640], sizes = [8, 128], strides = [1, 1]} : vector<200x1000xf32> to vector<8x128xf32>
    %swap3A_197 = arith.constant 232 : index
    %swap3A_198 = arith.constant 0 : index
    %swap3A_199 = vector.load %arg2[%swap3A_197, %swap3A_198] : memref<1600x128xf32, #tpu.memory_space<vmem>>, vector<8x128xf32>
    tpu.vector_store %arg2[%swap3A_197, %swap3A_198], %slice3A_196 {strides = array<i32>} : memref<1600x128xf32, #tpu.memory_space<vmem>>, vector<8x128xf32>,
    %exp3A_200 = math.exp %slice3A_196 : vector<8x128xf32>
    %add3A_201 = arith.addf %add3A_149, %exp3A_200 : vector<8x128xf32>
    %slice3A_202 = vector.extract_strided_slice %get3A_1 {offsets = [24, 768], sizes = [8, 128], strides = [1, 1]} : vector<200x1000xf32> to vector<8x128xf32>
    %swap3A_203 = arith.constant 240 : index
    %swap3A_204 = arith.constant 0 : index
    %swap3A_205 = vector.load %arg2[%swap3A_203, %swap3A_204] : memref<1600x128xf32, #tpu.memory_space<vmem>>, vector<8x128xf32>
    tpu.vector_store %arg2[%swap3A_203, %swap3A_204], %slice3A_202 {strides = array<i32>} : memref<1600x128xf32, #tpu.memory_space<vmem>>, vector<8x128xf32>,
    %exp3A_206 = math.exp %slice3A_202 : vector<8x128xf32>
    %add3A_207 = arith.addf %add3A_155, %exp3A_206 : vector<8x128xf32>
    %slice3A_208 = vector.extract_strided_slice %get3A_1 {offsets = [24, 896], sizes = [8, 104], strides = [1, 1]} : vector<200x1000xf32> to vector<8x104xf32>
    %swap3A_209 = arith.constant 248 : index
    %swap3A_210 = arith.constant 0 : index
    %swap3A_211 = vector.load %arg2[%swap3A_209, %swap3A_210] : memref<1600x128xf32, #tpu.memory_space<vmem>>, vector<8x104xf32>
    tpu.vector_store %arg2[%swap3A_209, %swap3A_210], %slice3A_208 {strides = array<i32>} : memref<1600x128xf32, #tpu.memory_space<vmem>>, vector<8x104xf32>,
    %exp3A_212 = math.exp %slice3A_208 : vector<8x104xf32>
    %jit3A_213 = arith.constant 0 : i32
    %convert_element_type3A_214 = arith.sitofp %jit3A_213 : i32 to f32
    %pad3A_215 = vector.broadcast %convert_element_type3A_214 : f32 to vector<8x24xf32>
    %pad3A_216 = tpu.concatenate %exp3A_212, %pad3A_215 in 1 : vector<8x104xf32>, vector<8x24xf32> -> vector<8x128xf32>
    %add3A_217 = arith.addf %add3A_165, %pad3A_216 : vector<8x128xf32>
    %slice3A_218 = vector.extract_strided_slice %get3A_1 {offsets = [32, 0], sizes = [8, 128], strides = [1, 1]} : vector<200x1000xf32> to vector<8x128xf32>
    %swap3A_219 = arith.constant 256 : index
    %swap3A_220 = arith.constant 0 : index
    %swap3A_221 = vector.load %arg2[%swap3A_219, %swap3A_220] : memref<1600x128xf32, #tpu.memory_space<vmem>>, vector<8x128xf32>
    tpu.vector_store %arg2[%swap3A_219, %swap3A_220], %slice3A_218 {strides = array<i32>} : memref<1600x128xf32, #tpu.memory_space<vmem>>, vector<8x128xf32>,
    %exp3A_222 = math.exp %slice3A_218 : vector<8x128xf32>
    %add3A_223 = arith.addf %add3A_171, %exp3A_222 : vector<8x128xf32>
    %slice3A_224 = vector.extract_strided_slice %get3A_1 {offsets = [32, 128], sizes = [8, 128], strides = [1, 1]} : vector<200x1000xf32> to vector<8x128xf32>
    %swap3A_225 = arith.constant 264 : index
    %swap3A_226 = arith.constant 0 : index
    %swap3A_227 = vector.load %arg2[%swap3A_225, %swap3A_226] : memref<1600x128xf32, #tpu.memory_space<vmem>>, vector<8x128xf32>
    tpu.vector_store %arg2[%swap3A_225, %swap3A_226], %slice3A_224 {strides = array<i32>} : memref<1600x128xf32, #tpu.memory_space<vmem>>, vector<8x128xf32>,
    %exp3A_228 = math.exp %slice3A_224 : vector<8x128xf32>
    %add3A_229 = arith.addf %add3A_177, %exp3A_228 : vector<8x128xf32>
    %slice3A_230 = vector.extract_strided_slice %get3A_1 {offsets = [32, 256], sizes = [8, 128], strides = [1, 1]} : vector<200x1000xf32> to vector<8x128xf32>
    %swap3A_231 = arith.constant 272 : index
    %swap3A_232 = arith.constant 0 : index
    %swap3A_233 = vector.load %arg2[%swap3A_231, %swap3A_232] : memref<1600x128xf32, #tpu.memory_space<vmem>>, vector<8x128xf32>
    tpu.vector_store %arg2[%swap3A_231, %swap3A_232], %slice3A_230 {strides = array<i32>} : memref<1600x128xf32, #tpu.memory_space<vmem>>, vector<8x128xf32>,
    %exp3A_234 = math.exp %slice3A_230 : vector<8x128xf32>
    %add3A_235 = arith.addf %add3A_183, %exp3A_234 : vector<8x128xf32>
    %slice3A_236 = vector.extract_strided_slice %get3A_1 {offsets = [32, 384], sizes = [8, 128], strides = [1, 1]} : vector<200x1000xf32> to vector<8x128xf32>
    %swap3A_237 = arith.constant 280 : index
    %swap3A_238 = arith.constant 0 : index
    %swap3A_239 = vector.load %arg2[%swap3A_237, %swap3A_238] : memref<1600x128xf32, #tpu.memory_space<vmem>>, vector<8x128xf32>
    tpu.vector_store %arg2[%swap3A_237, %swap3A_238], %slice3A_236 {strides = array<i32>} : memref<1600x128xf32, #tpu.memory_space<vmem>>, vector<8x128xf32>,
    %exp3A_240 = math.exp %slice3A_236 : vector<8x128xf32>
    %add3A_241 = arith.addf %add3A_189, %exp3A_240 : vector<8x128xf32>
    %slice3A_242 = vector.extract_strided_slice %get3A_1 {offsets = [32, 512], sizes = [8, 128], strides = [1, 1]} : vector<200x1000xf32> to vector<8x128xf32>
    %swap3A_243 = arith.constant 288 : index
    %swap3A_244 = arith.constant 0 : index
    %swap3A_245 = vector.load %arg2[%swap3A_243, %swap3A_244] : memref<1600x128xf32, #tpu.memory_space<vmem>>, vector<8x128xf32>
    tpu.vector_store %arg2[%swap3A_243, %swap3A_244], %slice3A_242 {strides = array<i32>} : memref<1600x128xf32, #tpu.memory_space<vmem>>, vector<8x128xf32>,
    %exp3A_246 = math.exp %slice3A_242 : vector<8x128xf32>
    %add3A_247 = arith.addf %add3A_195, %exp3A_246 : vector<8x128xf32>
    %slice3A_248 = vector.extract_strided_slice %get3A_1 {offsets = [32, 640], sizes = [8, 128], strides = [1, 1]} : vector<200x1000xf32> to vector<8x128xf32>
    %swap3A_249 = arith.constant 296 : index
    %swap3A_250 = arith.constant 0 : index
    %swap3A_251 = vector.load %arg2[%swap3A_249, %swap3A_250] : memref<1600x128xf32, #tpu.memory_space<vmem>>, vector<8x128xf32>
    tpu.vector_store %arg2[%swap3A_249, %swap3A_250], %slice3A_248 {strides = array<i32>} : memref<1600x128xf32, #tpu.memory_space<vmem>>, vector<8x128xf32>,
    %exp3A_252 = math.exp %slice3A_248 : vector<8x128xf32>
    %add3A_253 = arith.addf %add3A_201, %exp3A_252 : vector<8x128xf32>
    %slice3A_254 = vector.extract_strided_slice %get3A_1 {offsets = [32, 768], sizes = [8, 128], strides = [1, 1]} : vector<200x1000xf32> to vector<8x128xf32>
    %swap3A_255 = arith.constant 304 : index
    %swap3A_256 = arith.constant 0 : index
    %swap3A_257 = vector.load %arg2[%swap3A_255, %swap3A_256] : memref<1600x128xf32, #tpu.memory_space<vmem>>, vector<8x128xf32>
    tpu.vector_store %arg2[%swap3A_255, %swap3A_256], %slice3A_254 {strides = array<i32>} : memref<1600x128xf32, #tpu.memory_space<vmem>>, vector<8x128xf32>,
    %exp3A_258 = math.exp %slice3A_254 : vector<8x128xf32>
    %add3A_259 = arith.addf %add3A_207, %exp3A_258 : vector<8x128xf32>
    %slice3A_260 = vector.extract_strided_slice %get3A_1 {offsets = [32, 896], sizes = [8, 104], strides = [1, 1]} : vector<200x1000xf32> to vector<8x104xf32>
    %swap3A_261 = arith.constant 312 : index
    %swap3A_262 = arith.constant 0 : index
    %swap3A_263 = vector.load %arg2[%swap3A_261, %swap3A_262] : memref<1600x128xf32, #tpu.memory_space<vmem>>, vector<8x104xf32>
    tpu.vector_store %arg2[%swap3A_261, %swap3A_262], %slice3A_260 {strides = array<i32>} : memref<1600x128xf32, #tpu.memory_space<vmem>>, vector<8x104xf32>,
    %exp3A_264 = math.exp %slice3A_260 : vector<8x104xf32>
    %jit3A_265 = arith.constant 0 : i32
    %convert_element_type3A_266 = arith.sitofp %jit3A_265 : i32 to f32
    %pad3A_267 = vector.broadcast %convert_element_type3A_266 : f32 to vector<8x24xf32>
    %pad3A_268 = tpu.concatenate %exp3A_264, %pad3A_267 in 1 : vector<8x104xf32>, vector<8x24xf32> -> vector<8x128xf32>
    %add3A_269 = arith.addf %add3A_217, %pad3A_268 : vector<8x128xf32>
    %slice3A_270 = vector.extract_strided_slice %get3A_1 {offsets = [40, 0], sizes = [8, 128], strides = [1, 1]} : vector<200x1000xf32> to vector<8x128xf32>
    %swap3A_271 = arith.constant 320 : index
    %swap3A_272 = arith.constant 0 : index
    %swap3A_273 = vector.load %arg2[%swap3A_271, %swap3A_272] : memref<1600x128xf32, #tpu.memory_space<vmem>>, vector<8x128xf32>
    tpu.vector_store %arg2[%swap3A_271, %swap3A_272], %slice3A_270 {strides = array<i32>} : memref<1600x128xf32, #tpu.memory_space<vmem>>, vector<8x128xf32>,
    %exp3A_274 = math.exp %slice3A_270 : vector<8x128xf32>
    %add3A_275 = arith.addf %add3A_223, %exp3A_274 : vector<8x128xf32>
    %slice3A_276 = vector.extract_strided_slice %get3A_1 {offsets = [40, 128], sizes = [8, 128], strides = [1, 1]} : vector<200x1000xf32> to vector<8x128xf32>
    %swap3A_277 = arith.constant 328 : index
    %swap3A_278 = arith.constant 0 : index
    %swap3A_279 = vector.load %arg2[%swap3A_277, %swap3A_278] : memref<1600x128xf32, #tpu.memory_space<vmem>>, vector<8x128xf32>
    tpu.vector_store %arg2[%swap3A_277, %swap3A_278], %slice3A_276 {strides = array<i32>} : memref<1600x128xf32, #tpu.memory_space<vmem>>, vector<8x128xf32>,
    %exp3A_280 = math.exp %slice3A_276 : vector<8x128xf32>
    %add3A_281 = arith.addf %add3A_229, %exp3A_280 : vector<8x128xf32>
    %slice3A_282 = vector.extract_strided_slice %get3A_1 {offsets = [40, 256], sizes = [8, 128], strides = [1, 1]} : vector<200x1000xf32> to vector<8x128xf32>
    %swap3A_283 = arith.constant 336 : index
    %swap3A_284 = arith.constant 0 : index
    %swap3A_285 = vector.load %arg2[%swap3A_283, %swap3A_284] : memref<1600x128xf32, #tpu.memory_space<vmem>>, vector<8x128xf32>
    tpu.vector_store %arg2[%swap3A_283, %swap3A_284], %slice3A_282 {strides = array<i32>} : memref<1600x128xf32, #tpu.memory_space<vmem>>, vector<8x128xf32>,
    %exp3A_286 = math.exp %slice3A_282 : vector<8x128xf32>
    %add3A_287 = arith.addf %add3A_235, %exp3A_286 : vector<8x128xf32>
    %slice3A_288 = vector.extract_strided_slice %get3A_1 {offsets = [40, 384], sizes = [8, 128], strides = [1, 1]} : vector<200x1000xf32> to vector<8x128xf32>
    %swap3A_289 = arith.constant 344 : index
    %swap3A_290 = arith.constant 0 : index
    %swap3A_291 = vector.load %arg2[%swap3A_289, %swap3A_290] : memref<1600x128xf32, #tpu.memory_space<vmem>>, vector<8x128xf32>
    tpu.vector_store %arg2[%swap3A_289, %swap3A_290], %slice3A_288 {strides = array<i32>} : memref<1600x128xf32, #tpu.memory_space<vmem>>, vector<8x128xf32>,
    %exp3A_292 = math.exp %slice3A_288 : vector<8x128xf32>
    %add3A_293 = arith.addf %add3A_241, %exp3A_292 : vector<8x128xf32>
    %slice3A_294 = vector.extract_strided_slice %get3A_1 {offsets = [40, 512], sizes = [8, 128], strides = [1, 1]} : vector<200x1000xf32> to vector<8x128xf32>
    %swap3A_295 = arith.constant 352 : index
    %swap3A_296 = arith.constant 0 : index
    %swap3A_297 = vector.load %arg2[%swap3A_295, %swap3A_296] : memref<1600x128xf32, #tpu.memory_space<vmem>>, vector<8x128xf32>
    tpu.vector_store %arg2[%swap3A_295, %swap3A_296], %slice3A_294 {strides = array<i32>} : memref<1600x128xf32, #tpu.memory_space<vmem>>, vector<8x128xf32>,
    %exp3A_298 = math.exp %slice3A_294 : vector<8x128xf32>
    %add3A_299 = arith.addf %add3A_247, %exp3A_298 : vector<8x128xf32>
    %slice3A_300 = vector.extract_strided_slice %get3A_1 {offsets = [40, 640], sizes = [8, 128], strides = [1, 1]} : vector<200x1000xf32> to vector<8x128xf32>
    %swap3A_301 = arith.constant 360 : index
    %swap3A_302 = arith.constant 0 : index
    %swap3A_303 = vector.load %arg2[%swap3A_301, %swap3A_302] : memref<1600x128xf32, #tpu.memory_space<vmem>>, vector<8x128xf32>
    tpu.vector_store %arg2[%swap3A_301, %swap3A_302], %slice3A_300 {strides = array<i32>} : memref<1600x128xf32, #tpu.memory_space<vmem>>, vector<8x128xf32>,
    %exp3A_304 = math.exp %slice3A_300 : vector<8x128xf32>
    %add3A_305 = arith.addf %add3A_253, %exp3A_304 : vector<8x128xf32>
    %slice3A_306 = vector.extract_strided_slice %get3A_1 {offsets = [40, 768], sizes = [8, 128], strides = [1, 1]} : vector<200x1000xf32> to vector<8x128xf32>
    %swap3A_307 = arith.constant 368 : index
    %swap3A_308 = arith.constant 0 : index
    %swap3A_309 = vector.load %arg2[%swap3A_307, %swap3A_308] : memref<1600x128xf32, #tpu.memory_space<vmem>>, vector<8x128xf32>
    tpu.vector_store %arg2[%swap3A_307, %swap3A_308], %slice3A_306 {strides = array<i32>} : memref<1600x128xf32, #tpu.memory_space<vmem>>, vector<8x128xf32>,
    %exp3A_310 = math.exp %slice3A_306 : vector<8x128xf32>
    %add3A_311 = arith.addf %add3A_259, %exp3A_310 : vector<8x128xf32>
    %slice3A_312 = vector.extract_strided_slice %get3A_1 {offsets = [40, 896], sizes = [8, 104], strides = [1, 1]} : vector<200x1000xf32> to vector<8x104xf32>
    %swap3A_313 = arith.constant 376 : index
    %swap3A_314 = arith.constant 0 : index
    %swap3A_315 = vector.load %arg2[%swap3A_313, %swap3A_314] : memref<1600x128xf32, #tpu.memory_space<vmem>>, vector<8x104xf32>
    tpu.vector_store %arg2[%swap3A_313, %swap3A_314], %slice3A_312 {strides = array<i32>} : memref<1600x128xf32, #tpu.memory_space<vmem>>, vector<8x104xf32>,
    %exp3A_316 = math.exp %slice3A_312 : vector<8x104xf32>
    %jit3A_317 = arith.constant 0 : i32
    %convert_element_type3A_318 = arith.sitofp %jit3A_317 : i32 to f32
    %pad3A_319 = vector.broadcast %convert_element_type3A_318 : f32 to vector<8x24xf32>
    %pad3A_320 = tpu.concatenate %exp3A_316, %pad3A_319 in 1 : vector<8x104xf32>, vector<8x24xf32> -> vector<8x128xf32>
    %add3A_321 = arith.addf %add3A_269, %pad3A_320 : vector<8x128xf32>
    %slice3A_322 = vector.extract_strided_slice %get3A_1 {offsets = [48, 0], sizes = [8, 128], strides = [1, 1]} : vector<200x1000xf32> to vector<8x128xf32>
    %swap3A_323 = arith.constant 384 : index
    %swap3A_324 = arith.constant 0 : index
    %swap3A_325 = vector.load %arg2[%swap3A_323, %swap3A_324] : memref<1600x128xf32, #tpu.memory_space<vmem>>, vector<8x128xf32>
    tpu.vector_store %arg2[%swap3A_323, %swap3A_324], %slice3A_322 {strides = array<i32>} : memref<1600x128xf32, #tpu.memory_space<vmem>>, vector<8x128xf32>,
    %exp3A_326 = math.exp %slice3A_322 : vector<8x128xf32>
    %add3A_327 = arith.addf %add3A_275, %exp3A_326 : vector<8x128xf32>
    %slice3A_328 = vector.extract_strided_slice %get3A_1 {offsets = [48, 128], sizes = [8, 128], strides = [1, 1]} : vector<200x1000xf32> to vector<8x128xf32>
    %swap3A_329 = arith.constant 392 : index
    %swap3A_330 = arith.constant 0 : index
    %swap3A_331 = vector.load %arg2[%swap3A_329, %swap3A_330] : memref<1600x128xf32, #tpu.memory_space<vmem>>, vector<8x128xf32>
    tpu.vector_store %arg2[%swap3A_329, %swap3A_330], %slice3A_328 {strides = array<i32>} : memref<1600x128xf32, #tpu.memory_space<vmem>>, vector<8x128xf32>,
    %exp3A_332 = math.exp %slice3A_328 : vector<8x128xf32>
    %add3A_333 = arith.addf %add3A_281, %exp3A_332 : vector<8x128xf32>
    %slice3A_334 = vector.extract_strided_slice %get3A_1 {offsets = [48, 256], sizes = [8, 128], strides = [1, 1]} : vector<200x1000xf32> to vector<8x128xf32>
    %swap3A_335 = arith.constant 400 : index
    %swap3A_336 = arith.constant 0 : index
    %swap3A_337 = vector.load %arg2[%swap3A_335, %swap3A_336] : memref<1600x128xf32, #tpu.memory_space<vmem>>, vector<8x128xf32>
    tpu.vector_store %arg2[%swap3A_335, %swap3A_336], %slice3A_334 {strides = array<i32>} : memref<1600x128xf32, #tpu.memory_space<vmem>>, vector<8x128xf32>,
    %exp3A_338 = math.exp %slice3A_334 : vector<8x128xf32>
    %add3A_339 = arith.addf %add3A_287, %exp3A_338 : vector<8x128xf32>
    %slice3A_340 = vector.extract_strided_slice %get3A_1 {offsets = [48, 384], sizes = [8, 128], strides = [1, 1]} : vector<200x1000xf32> to vector<8x128xf32>
    %swap3A_341 = arith.constant 408 : index
    %swap3A_342 = arith.constant 0 : index
    %swap3A_343 = vector.load %arg2[%swap3A_341, %swap3A_342] : memref<1600x128xf32, #tpu.memory_space<vmem>>, vector<8x128xf32>
    tpu.vector_store %arg2[%swap3A_341, %swap3A_342], %slice3A_340 {strides = array<i32>} : memref<1600x128xf32, #tpu.memory_space<vmem>>, vector<8x128xf32>,
    %exp3A_344 = math.exp %slice3A_340 : vector<8x128xf32>
    %add3A_345 = arith.addf %add3A_293, %exp3A_344 : vector<8x128xf32>
    %slice3A_346 = vector.extract_strided_slice %get3A_1 {offsets = [48, 512], sizes = [8, 128], strides = [1, 1]} : vector<200x1000xf32> to vector<8x128xf32>
    %swap3A_347 = arith.constant 416 : index
    %swap3A_348 = arith.constant 0 : index
    %swap3A_349 = vector.load %arg2[%swap3A_347, %swap3A_348] : memref<1600x128xf32, #tpu.memory_space<vmem>>, vector<8x128xf32>
    tpu.vector_store %arg2[%swap3A_347, %swap3A_348], %slice3A_346 {strides = array<i32>} : memref<1600x128xf32, #tpu.memory_space<vmem>>, vector<8x128xf32>,
    %exp3A_350 = math.exp %slice3A_346 : vector<8x128xf32>
    %add3A_351 = arith.addf %add3A_299, %exp3A_350 : vector<8x128xf32>
    %slice3A_352 = vector.extract_strided_slice %get3A_1 {offsets = [48, 640], sizes = [8, 128], strides = [1, 1]} : vector<200x1000xf32> to vector<8x128xf32>
    %swap3A_353 = arith.constant 424 : index
    %swap3A_354 = arith.constant 0 : index
    %swap3A_355 = vector.load %arg2[%swap3A_353, %swap3A_354] : memref<1600x128xf32, #tpu.memory_space<vmem>>, vector<8x128xf32>
    tpu.vector_store %arg2[%swap3A_353, %swap3A_354], %slice3A_352 {strides = array<i32>} : memref<1600x128xf32, #tpu.memory_space<vmem>>, vector<8x128xf32>,
    %exp3A_356 = math.exp %slice3A_352 : vector<8x128xf32>
    %add3A_357 = arith.addf %add3A_305, %exp3A_356 : vector<8x128xf32>
    %slice3A_358 = vector.extract_strided_slice %get3A_1 {offsets = [48, 768], sizes = [8, 128], strides = [1, 1]} : vector<200x1000xf32> to vector<8x128xf32>
    %swap3A_359 = arith.constant 432 : index
    %swap3A_360 = arith.constant 0 : index
    %swap3A_361 = vector.load %arg2[%swap3A_359, %swap3A_360] : memref<1600x128xf32, #tpu.memory_space<vmem>>, vector<8x128xf32>
    tpu.vector_store %arg2[%swap3A_359, %swap3A_360], %slice3A_358 {strides = array<i32>} : memref<1600x128xf32, #tpu.memory_space<vmem>>, vector<8x128xf32>,
    %exp3A_362 = math.exp %slice3A_358 : vector<8x128xf32>
    %add3A_363 = arith.addf %add3A_311, %exp3A_362 : vector<8x128xf32>
    %slice3A_364 = vector.extract_strided_slice %get3A_1 {offsets = [48, 896], sizes = [8, 104], strides = [1, 1]} : vector<200x1000xf32> to vector<8x104xf32>
    %swap3A_365 = arith.constant 440 : index
    %swap3A_366 = arith.constant 0 : index
    %swap3A_367 = vector.load %arg2[%swap3A_365, %swap3A_366] : memref<1600x128xf32, #tpu.memory_space<vmem>>, vector<8x104xf32>
    tpu.vector_store %arg2[%swap3A_365, %swap3A_366], %slice3A_364 {strides = array<i32>} : memref<1600x128xf32, #tpu.memory_space<vmem>>, vector<8x104xf32>,
    %exp3A_368 = math.exp %slice3A_364 : vector<8x104xf32>
    %jit3A_369 = arith.constant 0 : i32
    %convert_element_type3A_370 = arith.sitofp %jit3A_369 : i32 to f32
    %pad3A_371 = vector.broadcast %convert_element_type3A_370 : f32 to vector<8x24xf32>
    %pad3A_372 = tpu.concatenate %exp3A_368, %pad3A_371 in 1 : vector<8x104xf32>, vector<8x24xf32> -> vector<8x128xf32>
    %add3A_373 = arith.addf %add3A_321, %pad3A_372 : vector<8x128xf32>
    %slice3A_374 = vector.extract_strided_slice %get3A_1 {offsets = [56, 0], sizes = [8, 128], strides = [1, 1]} : vector<200x1000xf32> to vector<8x128xf32>
    %swap3A_375 = arith.constant 448 : index
    %swap3A_376 = arith.constant 0 : index
    %swap3A_377 = vector.load %arg2[%swap3A_375, %swap3A_376] : memref<1600x128xf32, #tpu.memory_space<vmem>>, vector<8x128xf32>
    tpu.vector_store %arg2[%swap3A_375, %swap3A_376], %slice3A_374 {strides = array<i32>} : memref<1600x128xf32, #tpu.memory_space<vmem>>, vector<8x128xf32>,
    %exp3A_378 = math.exp %slice3A_374 : vector<8x128xf32>
    %add3A_379 = arith.addf %add3A_327, %exp3A_378 : vector<8x128xf32>
    %slice3A_380 = vector.extract_strided_slice %get3A_1 {offsets = [56, 128], sizes = [8, 128], strides = [1, 1]} : vector<200x1000xf32> to vector<8x128xf32>
    %swap3A_381 = arith.constant 456 : index
    %swap3A_382 = arith.constant 0 : index
    %swap3A_383 = vector.load %arg2[%swap3A_381, %swap3A_382] : memref<1600x128xf32, #tpu.memory_space<vmem>>, vector<8x128xf32>
    tpu.vector_store %arg2[%swap3A_381, %swap3A_382], %slice3A_380 {strides = array<i32>} : memref<1600x128xf32, #tpu.memory_space<vmem>>, vector<8x128xf32>,
    %exp3A_384 = math.exp %slice3A_380 : vector<8x128xf32>
    %add3A_385 = arith.addf %add3A_333, %exp3A_384 : vector<8x128xf32>
    %slice3A_386 = vector.extract_strided_slice %get3A_1 {offsets = [56, 256], sizes = [8, 128], strides = [1, 1]} : vector<200x1000xf32> to vector<8x128xf32>
    %swap3A_387 = arith.constant 464 : index
    %swap3A_388 = arith.constant 0 : index
    %swap3A_389 = vector.load %arg2[%swap3A_387, %swap3A_388] : memref<1600x128xf32, #tpu.memory_space<vmem>>, vector<8x128xf32>
    tpu.vector_store %arg2[%swap3A_387, %swap3A_388], %slice3A_386 {strides = array<i32>} : memref<1600x128xf32, #tpu.memory_space<vmem>>, vector<8x128xf32>,
    %exp3A_390 = math.exp %slice3A_386 : vector<8x128xf32>
    %add3A_391 = arith.addf %add3A_339, %exp3A_390 : vector<8x128xf32>
    %slice3A_392 = vector.extract_strided_slice %get3A_1 {offsets = [56, 384], sizes = [8, 128], strides = [1, 1]} : vector<200x1000xf32> to vector<8x128xf32>
    %swap3A_393 = arith.constant 472 : index
    %swap3A_394 = arith.constant 0 : index
    %swap3A_395 = vector.load %arg2[%swap3A_393, %swap3A_394] : memref<1600x128xf32, #tpu.memory_space<vmem>>, vector<8x128xf32>
    tpu.vector_store %arg2[%swap3A_393, %swap3A_394], %slice3A_392 {strides = array<i32>} : memref<1600x128xf32, #tpu.memory_space<vmem>>, vector<8x128xf32>,
    %exp3A_396 = math.exp %slice3A_392 : vector<8x128xf32>
    %add3A_397 = arith.addf %add3A_345, %exp3A_396 : vector<8x128xf32>
    %slice3A_398 = vector.extract_strided_slice %get3A_1 {offsets = [56, 512], sizes = [8, 128], strides = [1, 1]} : vector<200x1000xf32> to vector<8x128xf32>
    %swap3A_399 = arith.constant 480 : index
    %swap3A_400 = arith.constant 0 : index
    %swap3A_401 = vector.load %arg2[%swap3A_399, %swap3A_400] : memref<1600x128xf32, #tpu.memory_space<vmem>>, vector<8x128xf32>
    tpu.vector_store %arg2[%swap3A_399, %swap3A_400], %slice3A_398 {strides = array<i32>} : memref<1600x128xf32, #tpu.memory_space<vmem>>, vector<8x128xf32>,
    %exp3A_402 = math.exp %slice3A_398 : vector<8x128xf32>
    %add3A_403 = arith.addf %add3A_351, %exp3A_402 : vector<8x128xf32>
    %slice3A_404 = vector.extract_strided_slice %get3A_1 {offsets = [56, 640], sizes = [8, 128], strides = [1, 1]} : vector<200x1000xf32> to vector<8x128xf32>
    %swap3A_405 = arith.constant 488 : index
    %swap3A_406 = arith.constant 0 : index
    %swap3A_407 = vector.load %arg2[%swap3A_405, %swap3A_406] : memref<1600x128xf32, #tpu.memory_space<vmem>>, vector<8x128xf32>
    tpu.vector_store %arg2[%swap3A_405, %swap3A_406], %slice3A_404 {strides = array<i32>} : memref<1600x128xf32, #tpu.memory_space<vmem>>, vector<8x128xf32>,
    %exp3A_408 = math.exp %slice3A_404 : vector<8x128xf32>
    %add3A_409 = arith.addf %add3A_357, %exp3A_408 : vector<8x128xf32>
    %slice3A_410 = vector.extract_strided_slice %get3A_1 {offsets = [56, 768], sizes = [8, 128], strides = [1, 1]} : vector<200x1000xf32> to vector<8x128xf32>
    %swap3A_411 = arith.constant 496 : index
    %swap3A_412 = arith.constant 0 : index
    %swap3A_413 = vector.load %arg2[%swap3A_411, %swap3A_412] : memref<1600x128xf32, #tpu.memory_space<vmem>>, vector<8x128xf32>
    tpu.vector_store %arg2[%swap3A_411, %swap3A_412], %slice3A_410 {strides = array<i32>} : memref<1600x128xf32, #tpu.memory_space<vmem>>, vector<8x128xf32>,
    %exp3A_414 = math.exp %slice3A_410 : vector<8x128xf32>
    %add3A_415 = arith.addf %add3A_363, %exp3A_414 : vector<8x128xf32>
    %slice3A_416 = vector.extract_strided_slice %get3A_1 {offsets = [56, 896], sizes = [8, 104], strides = [1, 1]} : vector<200x1000xf32> to vector<8x104xf32>
    %swap3A_417 = arith.constant 504 : index
    %swap3A_418 = arith.constant 0 : index
    %swap3A_419 = vector.load %arg2[%swap3A_417, %swap3A_418] : memref<1600x128xf32, #tpu.memory_space<vmem>>, vector<8x104xf32>
    tpu.vector_store %arg2[%swap3A_417, %swap3A_418], %slice3A_416 {strides = array<i32>} : memref<1600x128xf32, #tpu.memory_space<vmem>>, vector<8x104xf32>,
    %exp3A_420 = math.exp %slice3A_416 : vector<8x104xf32>
    %jit3A_421 = arith.constant 0 : i32
    %convert_element_type3A_422 = arith.sitofp %jit3A_421 : i32 to f32
    %pad3A_423 = vector.broadcast %convert_element_type3A_422 : f32 to vector<8x24xf32>
    %pad3A_424 = tpu.concatenate %exp3A_420, %pad3A_423 in 1 : vector<8x104xf32>, vector<8x24xf32> -> vector<8x128xf32>
    %add3A_425 = arith.addf %add3A_373, %pad3A_424 : vector<8x128xf32>
    %slice3A_426 = vector.extract_strided_slice %get3A_1 {offsets = [64, 0], sizes = [8, 128], strides = [1, 1]} : vector<200x1000xf32> to vector<8x128xf32>
    %swap3A_427 = arith.constant 512 : index
    %swap3A_428 = arith.constant 0 : index
    %swap3A_429 = vector.load %arg2[%swap3A_427, %swap3A_428] : memref<1600x128xf32, #tpu.memory_space<vmem>>, vector<8x128xf32>
    tpu.vector_store %arg2[%swap3A_427, %swap3A_428], %slice3A_426 {strides = array<i32>} : memref<1600x128xf32, #tpu.memory_space<vmem>>, vector<8x128xf32>,
    %exp3A_430 = math.exp %slice3A_426 : vector<8x128xf32>
    %add3A_431 = arith.addf %add3A_379, %exp3A_430 : vector<8x128xf32>
    %slice3A_432 = vector.extract_strided_slice %get3A_1 {offsets = [64, 128], sizes = [8, 128], strides = [1, 1]} : vector<200x1000xf32> to vector<8x128xf32>
    %swap3A_433 = arith.constant 520 : index
    %swap3A_434 = arith.constant 0 : index
    %swap3A_435 = vector.load %arg2[%swap3A_433, %swap3A_434] : memref<1600x128xf32, #tpu.memory_space<vmem>>, vector<8x128xf32>
    tpu.vector_store %arg2[%swap3A_433, %swap3A_434], %slice3A_432 {strides = array<i32>} : memref<1600x128xf32, #tpu.memory_space<vmem>>, vector<8x128xf32>,
    %exp3A_436 = math.exp %slice3A_432 : vector<8x128xf32>
    %add3A_437 = arith.addf %add3A_385, %exp3A_436 : vector<8x128xf32>
    %slice3A_438 = vector.extract_strided_slice %get3A_1 {offsets = [64, 256], sizes = [8, 128], strides = [1, 1]} : vector<200x1000xf32> to vector<8x128xf32>
    %swap3A_439 = arith.constant 528 : index
    %swap3A_440 = arith.constant 0 : index
    %swap3A_441 = vector.load %arg2[%swap3A_439, %swap3A_440] : memref<1600x128xf32, #tpu.memory_space<vmem>>, vector<8x128xf32>
    tpu.vector_store %arg2[%swap3A_439, %swap3A_440], %slice3A_438 {strides = array<i32>} : memref<1600x128xf32, #tpu.memory_space<vmem>>, vector<8x128xf32>,
    %exp3A_442 = math.exp %slice3A_438 : vector<8x128xf32>
    %add3A_443 = arith.addf %add3A_391, %exp3A_442 : vector<8x128xf32>
    %slice3A_444 = vector.extract_strided_slice %get3A_1 {offsets = [64, 384], sizes = [8, 128], strides = [1, 1]} : vector<200x1000xf32> to vector<8x128xf32>
    %swap3A_445 = arith.constant 536 : index
    %swap3A_446 = arith.constant 0 : index
    %swap3A_447 = vector.load %arg2[%swap3A_445, %swap3A_446] : memref<1600x128xf32, #tpu.memory_space<vmem>>, vector<8x128xf32>
    tpu.vector_store %arg2[%swap3A_445, %swap3A_446], %slice3A_444 {strides = array<i32>} : memref<1600x128xf32, #tpu.memory_space<vmem>>, vector<8x128xf32>,
    %exp3A_448 = math.exp %slice3A_444 : vector<8x128xf32>
    %add3A_449 = arith.addf %add3A_397, %exp3A_448 : vector<8x128xf32>
    %slice3A_450 = vector.extract_strided_slice %get3A_1 {offsets = [64, 512], sizes = [8, 128], strides = [1, 1]} : vector<200x1000xf32> to vector<8x128xf32>
    %swap3A_451 = arith.constant 544 : index
    %swap3A_452 = arith.constant 0 : index
    %swap3A_453 = vector.load %arg2[%swap3A_451, %swap3A_452] : memref<1600x128xf32, #tpu.memory_space<vmem>>, vector<8x128xf32>
    tpu.vector_store %arg2[%swap3A_451, %swap3A_452], %slice3A_450 {strides = array<i32>} : memref<1600x128xf32, #tpu.memory_space<vmem>>, vector<8x128xf32>,
    %exp3A_454 = math.exp %slice3A_450 : vector<8x128xf32>
    %add3A_455 = arith.addf %add3A_403, %exp3A_454 : vector<8x128xf32>
    %slice3A_456 = vector.extract_strided_slice %get3A_1 {offsets = [64, 640], sizes = [8, 128], strides = [1, 1]} : vector<200x1000xf32> to vector<8x128xf32>
    %swap3A_457 = arith.constant 552 : index
    %swap3A_458 = arith.constant 0 : index
    %swap3A_459 = vector.load %arg2[%swap3A_457, %swap3A_458] : memref<1600x128xf32, #tpu.memory_space<vmem>>, vector<8x128xf32>
    tpu.vector_store %arg2[%swap3A_457, %swap3A_458], %slice3A_456 {strides = array<i32>} : memref<1600x128xf32, #tpu.memory_space<vmem>>, vector<8x128xf32>,
    %exp3A_460 = math.exp %slice3A_456 : vector<8x128xf32>
    %add3A_461 = arith.addf %add3A_409, %exp3A_460 : vector<8x128xf32>
    %slice3A_462 = vector.extract_strided_slice %get3A_1 {offsets = [64, 768], sizes = [8, 128], strides = [1, 1]} : vector<200x1000xf32> to vector<8x128xf32>
    %swap3A_463 = arith.constant 560 : index
    %swap3A_464 = arith.constant 0 : index
    %swap3A_465 = vector.load %arg2[%swap3A_463, %swap3A_464] : memref<1600x128xf32, #tpu.memory_space<vmem>>, vector<8x128xf32>
    tpu.vector_store %arg2[%swap3A_463, %swap3A_464], %slice3A_462 {strides = array<i32>} : memref<1600x128xf32, #tpu.memory_space<vmem>>, vector<8x128xf32>,
    %exp3A_466 = math.exp %slice3A_462 : vector<8x128xf32>
    %add3A_467 = arith.addf %add3A_415, %exp3A_466 : vector<8x128xf32>
    %slice3A_468 = vector.extract_strided_slice %get3A_1 {offsets = [64, 896], sizes = [8, 104], strides = [1, 1]} : vector<200x1000xf32> to vector<8x104xf32>
    %swap3A_469 = arith.constant 568 : index
    %swap3A_470 = arith.constant 0 : index
    %swap3A_471 = vector.load %arg2[%swap3A_469, %swap3A_470] : memref<1600x128xf32, #tpu.memory_space<vmem>>, vector<8x104xf32>
    tpu.vector_store %arg2[%swap3A_469, %swap3A_470], %slice3A_468 {strides = array<i32>} : memref<1600x128xf32, #tpu.memory_space<vmem>>, vector<8x104xf32>,
    %exp3A_472 = math.exp %slice3A_468 : vector<8x104xf32>
    %jit3A_473 = arith.constant 0 : i32
    %convert_element_type3A_474 = arith.sitofp %jit3A_473 : i32 to f32
    %pad3A_475 = vector.broadcast %convert_element_type3A_474 : f32 to vector<8x24xf32>
    %pad3A_476 = tpu.concatenate %exp3A_472, %pad3A_475 in 1 : vector<8x104xf32>, vector<8x24xf32> -> vector<8x128xf32>
    %add3A_477 = arith.addf %add3A_425, %pad3A_476 : vector<8x128xf32>
    %slice3A_478 = vector.extract_strided_slice %get3A_1 {offsets = [72, 0], sizes = [8, 128], strides = [1, 1]} : vector<200x1000xf32> to vector<8x128xf32>
    %swap3A_479 = arith.constant 576 : index
    %swap3A_480 = arith.constant 0 : index
    %swap3A_481 = vector.load %arg2[%swap3A_479, %swap3A_480] : memref<1600x128xf32, #tpu.memory_space<vmem>>, vector<8x128xf32>
    tpu.vector_store %arg2[%swap3A_479, %swap3A_480], %slice3A_478 {strides = array<i32>} : memref<1600x128xf32, #tpu.memory_space<vmem>>, vector<8x128xf32>,
    %exp3A_482 = math.exp %slice3A_478 : vector<8x128xf32>
    %add3A_483 = arith.addf %add3A_431, %exp3A_482 : vector<8x128xf32>
    %slice3A_484 = vector.extract_strided_slice %get3A_1 {offsets = [72, 128], sizes = [8, 128], strides = [1, 1]} : vector<200x1000xf32> to vector<8x128xf32>
    %swap3A_485 = arith.constant 584 : index
    %swap3A_486 = arith.constant 0 : index
    %swap3A_487 = vector.load %arg2[%swap3A_485, %swap3A_486] : memref<1600x128xf32, #tpu.memory_space<vmem>>, vector<8x128xf32>
    tpu.vector_store %arg2[%swap3A_485, %swap3A_486], %slice3A_484 {strides = array<i32>} : memref<1600x128xf32, #tpu.memory_space<vmem>>, vector<8x128xf32>,
    %exp3A_488 = math.exp %slice3A_484 : vector<8x128xf32>
    %add3A_489 = arith.addf %add3A_437, %exp3A_488 : vector<8x128xf32>
    %slice3A_490 = vector.extract_strided_slice %get3A_1 {offsets = [72, 256], sizes = [8, 128], strides = [1, 1]} : vector<200x1000xf32> to vector<8x128xf32>
    %swap3A_491 = arith.constant 592 : index
    %swap3A_492 = arith.constant 0 : index
    %swap3A_493 = vector.load %arg2[%swap3A_491, %swap3A_492] : memref<1600x128xf32, #tpu.memory_space<vmem>>, vector<8x128xf32>
    tpu.vector_store %arg2[%swap3A_491, %swap3A_492], %slice3A_490 {strides = array<i32>} : memref<1600x128xf32, #tpu.memory_space<vmem>>, vector<8x128xf32>,
    %exp3A_494 = math.exp %slice3A_490 : vector<8x128xf32>
    %add3A_495 = arith.addf %add3A_443, %exp3A_494 : vector<8x128xf32>
    %slice3A_496 = vector.extract_strided_slice %get3A_1 {offsets = [72, 384], sizes = [8, 128], strides = [1, 1]} : vector<200x1000xf32> to vector<8x128xf32>
    %swap3A_497 = arith.constant 600 : index
    %swap3A_498 = arith.constant 0 : index
    %swap3A_499 = vector.load %arg2[%swap3A_497, %swap3A_498] : memref<1600x128xf32, #tpu.memory_space<vmem>>, vector<8x128xf32>
    tpu.vector_store %arg2[%swap3A_497, %swap3A_498], %slice3A_496 {strides = array<i32>} : memref<1600x128xf32, #tpu.memory_space<vmem>>, vector<8x128xf32>,
    %exp3A_500 = math.exp %slice3A_496 : vector<8x128xf32>
    %add3A_501 = arith.addf %add3A_449, %exp3A_500 : vector<8x128xf32>
    %slice3A_502 = vector.extract_strided_slice %get3A_1 {offsets = [72, 512], sizes = [8, 128], strides = [1, 1]} : vector<200x1000xf32> to vector<8x128xf32>
    %swap3A_503 = arith.constant 608 : index
    %swap3A_504 = arith.constant 0 : index
    %swap3A_505 = vector.load %arg2[%swap3A_503, %swap3A_504] : memref<1600x128xf32, #tpu.memory_space<vmem>>, vector<8x128xf32>
    tpu.vector_store %arg2[%swap3A_503, %swap3A_504], %slice3A_502 {strides = array<i32>} : memref<1600x128xf32, #tpu.memory_space<vmem>>, vector<8x128xf32>,
    %exp3A_506 = math.exp %slice3A_502 : vector<8x128xf32>
    %add3A_507 = arith.addf %add3A_455, %exp3A_506 : vector<8x128xf32>
    %slice3A_508 = vector.extract_strided_slice %get3A_1 {offsets = [72, 640], sizes = [8, 128], strides = [1, 1]} : vector<200x1000xf32> to vector<8x128xf32>
    %swap3A_509 = arith.constant 616 : index
    %swap3A_510 = arith.constant 0 : index
    %swap3A_511 = vector.load %arg2[%swap3A_509, %swap3A_510] : memref<1600x128xf32, #tpu.memory_space<vmem>>, vector<8x128xf32>
    tpu.vector_store %arg2[%swap3A_509, %swap3A_510], %slice3A_508 {strides = array<i32>} : memref<1600x128xf32, #tpu.memory_space<vmem>>, vector<8x128xf32>,
    %exp3A_512 = math.exp %slice3A_508 : vector<8x128xf32>
    %add3A_513 = arith.addf %add3A_461, %exp3A_512 : vector<8x128xf32>
    %slice3A_514 = vector.extract_strided_slice %get3A_1 {offsets = [72, 768], sizes = [8, 128], strides = [1, 1]} : vector<200x1000xf32> to vector<8x128xf32>
    %swap3A_515 = arith.constant 624 : index
    %swap3A_516 = arith.constant 0 : index
    %swap3A_517 = vector.load %arg2[%swap3A_515, %swap3A_516] : memref<1600x128xf32, #tpu.memory_space<vmem>>, vector<8x128xf32>
    tpu.vector_store %arg2[%swap3A_515, %swap3A_516], %slice3A_514 {strides = array<i32>} : memref<1600x128xf32, #tpu.memory_space<vmem>>, vector<8x128xf32>,
    %exp3A_518 = math.exp %slice3A_514 : vector<8x128xf32>
    %add3A_519 = arith.addf %add3A_467, %exp3A_518 : vector<8x128xf32>
    %slice3A_520 = vector.extract_strided_slice %get3A_1 {offsets = [72, 896], sizes = [8, 104], strides = [1, 1]} : vector<200x1000xf32> to vector<8x104xf32>
    %swap3A_521 = arith.constant 632 : index
    %swap3A_522 = arith.constant 0 : index
    %swap3A_523 = vector.load %arg2[%swap3A_521, %swap3A_522] : memref<1600x128xf32, #tpu.memory_space<vmem>>, vector<8x104xf32>
    tpu.vector_store %arg2[%swap3A_521, %swap3A_522], %slice3A_520 {strides = array<i32>} : memref<1600x128xf32, #tpu.memory_space<vmem>>, vector<8x104xf32>,
    %exp3A_524 = math.exp %slice3A_520 : vector<8x104xf32>
    %jit3A_525 = arith.constant 0 : i32
    %convert_element_type3A_526 = arith.sitofp %jit3A_525 : i32 to f32
    %pad3A_527 = vector.broadcast %convert_element_type3A_526 : f32 to vector<8x24xf32>
    %pad3A_528 = tpu.concatenate %exp3A_524, %pad3A_527 in 1 : vector<8x104xf32>, vector<8x24xf32> -> vector<8x128xf32>
    %add3A_529 = arith.addf %add3A_477, %pad3A_528 : vector<8x128xf32>
    %slice3A_530 = vector.extract_strided_slice %get3A_1 {offsets = [80, 0], sizes = [8, 128], strides = [1, 1]} : vector<200x1000xf32> to vector<8x128xf32>
    %swap3A_531 = arith.constant 640 : index
    %swap3A_532 = arith.constant 0 : index
    %swap3A_533 = vector.load %arg2[%swap3A_531, %swap3A_532] : memref<1600x128xf32, #tpu.memory_space<vmem>>, vector<8x128xf32>
    tpu.vector_store %arg2[%swap3A_531, %swap3A_532], %slice3A_530 {strides = array<i32>} : memref<1600x128xf32, #tpu.memory_space<vmem>>, vector<8x128xf32>,
    %exp3A_534 = math.exp %slice3A_530 : vector<8x128xf32>
    %add3A_535 = arith.addf %add3A_483, %exp3A_534 : vector<8x128xf32>
    %slice3A_536 = vector.extract_strided_slice %get3A_1 {offsets = [80, 128], sizes = [8, 128], strides = [1, 1]} : vector<200x1000xf32> to vector<8x128xf32>
    %swap3A_537 = arith.constant 648 : index
    %swap3A_538 = arith.constant 0 : index
    %swap3A_539 = vector.load %arg2[%swap3A_537, %swap3A_538] : memref<1600x128xf32, #tpu.memory_space<vmem>>, vector<8x128xf32>
    tpu.vector_store %arg2[%swap3A_537, %swap3A_538], %slice3A_536 {strides = array<i32>} : memref<1600x128xf32, #tpu.memory_space<vmem>>, vector<8x128xf32>,
    %exp3A_540 = math.exp %slice3A_536 : vector<8x128xf32>
    %add3A_541 = arith.addf %add3A_489, %exp3A_540 : vector<8x128xf32>
    %slice3A_542 = vector.extract_strided_slice %get3A_1 {offsets = [80, 256], sizes = [8, 128], strides = [1, 1]} : vector<200x1000xf32> to vector<8x128xf32>
    %swap3A_543 = arith.constant 656 : index
    %swap3A_544 = arith.constant 0 : index
    %swap3A_545 = vector.load %arg2[%swap3A_543, %swap3A_544] : memref<1600x128xf32, #tpu.memory_space<vmem>>, vector<8x128xf32>
    tpu.vector_store %arg2[%swap3A_543, %swap3A_544], %slice3A_542 {strides = array<i32>} : memref<1600x128xf32, #tpu.memory_space<vmem>>, vector<8x128xf32>,
    %exp3A_546 = math.exp %slice3A_542 : vector<8x128xf32>
    %add3A_547 = arith.addf %add3A_495, %exp3A_546 : vector<8x128xf32>
    %slice3A_548 = vector.extract_strided_slice %get3A_1 {offsets = [80, 384], sizes = [8, 128], strides = [1, 1]} : vector<200x1000xf32> to vector<8x128xf32>
    %swap3A_549 = arith.constant 664 : index
    %swap3A_550 = arith.constant 0 : index
    %swap3A_551 = vector.load %arg2[%swap3A_549, %swap3A_550] : memref<1600x128xf32, #tpu.memory_space<vmem>>, vector<8x128xf32>
    tpu.vector_store %arg2[%swap3A_549, %swap3A_550], %slice3A_548 {strides = array<i32>} : memref<1600x128xf32, #tpu.memory_space<vmem>>, vector<8x128xf32>,
    %exp3A_552 = math.exp %slice3A_548 : vector<8x128xf32>
    %add3A_553 = arith.addf %add3A_501, %exp3A_552 : vector<8x128xf32>
    %slice3A_554 = vector.extract_strided_slice %get3A_1 {offsets = [80, 512], sizes = [8, 128], strides = [1, 1]} : vector<200x1000xf32> to vector<8x128xf32>
    %swap3A_555 = arith.constant 672 : index
    %swap3A_556 = arith.constant 0 : index
    %swap3A_557 = vector.load %arg2[%swap3A_555, %swap3A_556] : memref<1600x128xf32, #tpu.memory_space<vmem>>, vector<8x128xf32>
    tpu.vector_store %arg2[%swap3A_555, %swap3A_556], %slice3A_554 {strides = array<i32>} : memref<1600x128xf32, #tpu.memory_space<vmem>>, vector<8x128xf32>,
    %exp3A_558 = math.exp %slice3A_554 : vector<8x128xf32>
    %add3A_559 = arith.addf %add3A_507, %exp3A_558 : vector<8x128xf32>
    %slice3A_560 = vector.extract_strided_slice %get3A_1 {offsets = [80, 640], sizes = [8, 128], strides = [1, 1]} : vector<200x1000xf32> to vector<8x128xf32>
    %swap3A_561 = arith.constant 680 : index
    %swap3A_562 = arith.constant 0 : index
    %swap3A_563 = vector.load %arg2[%swap3A_561, %swap3A_562] : memref<1600x128xf32, #tpu.memory_space<vmem>>, vector<8x128xf32>
    tpu.vector_store %arg2[%swap3A_561, %swap3A_562], %slice3A_560 {strides = array<i32>} : memref<1600x128xf32, #tpu.memory_space<vmem>>, vector<8x128xf32>,
    %exp3A_564 = math.exp %slice3A_560 : vector<8x128xf32>
    %add3A_565 = arith.addf %add3A_513, %exp3A_564 : vector<8x128xf32>
    %slice3A_566 = vector.extract_strided_slice %get3A_1 {offsets = [80, 768], sizes = [8, 128], strides = [1, 1]} : vector<200x1000xf32> to vector<8x128xf32>
    %swap3A_567 = arith.constant 688 : index
    %swap3A_568 = arith.constant 0 : index
    %swap3A_569 = vector.load %arg2[%swap3A_567, %swap3A_568] : memref<1600x128xf32, #tpu.memory_space<vmem>>, vector<8x128xf32>
    tpu.vector_store %arg2[%swap3A_567, %swap3A_568], %slice3A_566 {strides = array<i32>} : memref<1600x128xf32, #tpu.memory_space<vmem>>, vector<8x128xf32>,
    %exp3A_570 = math.exp %slice3A_566 : vector<8x128xf32>
    %add3A_571 = arith.addf %add3A_519, %exp3A_570 : vector<8x128xf32>
    %slice3A_572 = vector.extract_strided_slice %get3A_1 {offsets = [80, 896], sizes = [8, 104], strides = [1, 1]} : vector<200x1000xf32> to vector<8x104xf32>
    %swap3A_573 = arith.constant 696 : index
    %swap3A_574 = arith.constant 0 : index
    %swap3A_575 = vector.load %arg2[%swap3A_573, %swap3A_574] : memref<1600x128xf32, #tpu.memory_space<vmem>>, vector<8x104xf32>
    tpu.vector_store %arg2[%swap3A_573, %swap3A_574], %slice3A_572 {strides = array<i32>} : memref<1600x128xf32, #tpu.memory_space<vmem>>, vector<8x104xf32>,
    %exp3A_576 = math.exp %slice3A_572 : vector<8x104xf32>
    %jit3A_577 = arith.constant 0 : i32
    %convert_element_type3A_578 = arith.sitofp %jit3A_577 : i32 to f32
    %pad3A_579 = vector.broadcast %convert_element_type3A_578 : f32 to vector<8x24xf32>
    %pad3A_580 = tpu.concatenate %exp3A_576, %pad3A_579 in 1 : vector<8x104xf32>, vector<8x24xf32> -> vector<8x128xf32>
    %add3A_581 = arith.addf %add3A_529, %pad3A_580 : vector<8x128xf32>
    %slice3A_582 = vector.extract_strided_slice %get3A_1 {offsets = [88, 0], sizes = [8, 128], strides = [1, 1]} : vector<200x1000xf32> to vector<8x128xf32>
    %swap3A_583 = arith.constant 704 : index
    %swap3A_584 = arith.constant 0 : index
    %swap3A_585 = vector.load %arg2[%swap3A_583, %swap3A_584] : memref<1600x128xf32, #tpu.memory_space<vmem>>, vector<8x128xf32>
    tpu.vector_store %arg2[%swap3A_583, %swap3A_584], %slice3A_582 {strides = array<i32>} : memref<1600x128xf32, #tpu.memory_space<vmem>>, vector<8x128xf32>,
    %exp3A_586 = math.exp %slice3A_582 : vector<8x128xf32>
    %add3A_587 = arith.addf %add3A_535, %exp3A_586 : vector<8x128xf32>
    %slice3A_588 = vector.extract_strided_slice %get3A_1 {offsets = [88, 128], sizes = [8, 128], strides = [1, 1]} : vector<200x1000xf32> to vector<8x128xf32>
    %swap3A_589 = arith.constant 712 : index
    %swap3A_590 = arith.constant 0 : index
    %swap3A_591 = vector.load %arg2[%swap3A_589, %swap3A_590] : memref<1600x128xf32, #tpu.memory_space<vmem>>, vector<8x128xf32>
    tpu.vector_store %arg2[%swap3A_589, %swap3A_590], %slice3A_588 {strides = array<i32>} : memref<1600x128xf32, #tpu.memory_space<vmem>>, vector<8x128xf32>,
    %exp3A_592 = math.exp %slice3A_588 : vector<8x128xf32>
    %add3A_593 = arith.addf %add3A_541, %exp3A_592 : vector<8x128xf32>
    %slice3A_594 = vector.extract_strided_slice %get3A_1 {offsets = [88, 256], sizes = [8, 128], strides = [1, 1]} : vector<200x1000xf32> to vector<8x128xf32>
    %swap3A_595 = arith.constant 720 : index
    %swap3A_596 = arith.constant 0 : index
    %swap3A_597 = vector.load %arg2[%swap3A_595, %swap3A_596] : memref<1600x128xf32, #tpu.memory_space<vmem>>, vector<8x128xf32>
    tpu.vector_store %arg2[%swap3A_595, %swap3A_596], %slice3A_594 {strides = array<i32>} : memref<1600x128xf32, #tpu.memory_space<vmem>>, vector<8x128xf32>,
    %exp3A_598 = math.exp %slice3A_594 : vector<8x128xf32>
    %add3A_599 = arith.addf %add3A_547, %exp3A_598 : vector<8x128xf32>
    %slice3A_600 = vector.extract_strided_slice %get3A_1 {offsets = [88, 384], sizes = [8, 128], strides = [1, 1]} : vector<200x1000xf32> to vector<8x128xf32>
    %swap3A_601 = arith.constant 728 : index
    %swap3A_602 = arith.constant 0 : index
    %swap3A_603 = vector.load %arg2[%swap3A_601, %swap3A_602] : memref<1600x128xf32, #tpu.memory_space<vmem>>, vector<8x128xf32>
    tpu.vector_store %arg2[%swap3A_601, %swap3A_602], %slice3A_600 {strides = array<i32>} : memref<1600x128xf32, #tpu.memory_space<vmem>>, vector<8x128xf32>,
    %exp3A_604 = math.exp %slice3A_600 : vector<8x128xf32>
    %add3A_605 = arith.addf %add3A_553, %exp3A_604 : vector<8x128xf32>
    %slice3A_606 = vector.extract_strided_slice %get3A_1 {offsets = [88, 512], sizes = [8, 128], strides = [1, 1]} : vector<200x1000xf32> to vector<8x128xf32>
    %swap3A_607 = arith.constant 736 : index
    %swap3A_608 = arith.constant 0 : index
    %swap3A_609 = vector.load %arg2[%swap3A_607, %swap3A_608] : memref<1600x128xf32, #tpu.memory_space<vmem>>, vector<8x128xf32>
    tpu.vector_store %arg2[%swap3A_607, %swap3A_608], %slice3A_606 {strides = array<i32>} : memref<1600x128xf32, #tpu.memory_space<vmem>>, vector<8x128xf32>,
    %exp3A_610 = math.exp %slice3A_606 : vector<8x128xf32>
    %add3A_611 = arith.addf %add3A_559, %exp3A_610 : vector<8x128xf32>
    %slice3A_612 = vector.extract_strided_slice %get3A_1 {offsets = [88, 640], sizes = [8, 128], strides = [1, 1]} : vector<200x1000xf32> to vector<8x128xf32>
    %swap3A_613 = arith.constant 744 : index
    %swap3A_614 = arith.constant 0 : index
    %swap3A_615 = vector.load %arg2[%swap3A_613, %swap3A_614] : memref<1600x128xf32, #tpu.memory_space<vmem>>, vector<8x128xf32>
    tpu.vector_store %arg2[%swap3A_613, %swap3A_614], %slice3A_612 {strides = array<i32>} : memref<1600x128xf32, #tpu.memory_space<vmem>>, vector<8x128xf32>,
    %exp3A_616 = math.exp %slice3A_612 : vector<8x128xf32>
    %add3A_617 = arith.addf %add3A_565, %exp3A_616 : vector<8x128xf32>
    %slice3A_618 = vector.extract_strided_slice %get3A_1 {offsets = [88, 768], sizes = [8, 128], strides = [1, 1]} : vector<200x1000xf32> to vector<8x128xf32>
    %swap3A_619 = arith.constant 752 : index
    %swap3A_620 = arith.constant 0 : index
    %swap3A_621 = vector.load %arg2[%swap3A_619, %swap3A_620] : memref<1600x128xf32, #tpu.memory_space<vmem>>, vector<8x128xf32>
    tpu.vector_store %arg2[%swap3A_619, %swap3A_620], %slice3A_618 {strides = array<i32>} : memref<1600x128xf32, #tpu.memory_space<vmem>>, vector<8x128xf32>,
    %exp3A_622 = math.exp %slice3A_618 : vector<8x128xf32>
    %add3A_623 = arith.addf %add3A_571, %exp3A_622 : vector<8x128xf32>
    %slice3A_624 = vector.extract_strided_slice %get3A_1 {offsets = [88, 896], sizes = [8, 104], strides = [1, 1]} : vector<200x1000xf32> to vector<8x104xf32>
    %swap3A_625 = arith.constant 760 : index
    %swap3A_626 = arith.constant 0 : index
    %swap3A_627 = vector.load %arg2[%swap3A_625, %swap3A_626] : memref<1600x128xf32, #tpu.memory_space<vmem>>, vector<8x104xf32>
    tpu.vector_store %arg2[%swap3A_625, %swap3A_626], %slice3A_624 {strides = array<i32>} : memref<1600x128xf32, #tpu.memory_space<vmem>>, vector<8x104xf32>,
    %exp3A_628 = math.exp %slice3A_624 : vector<8x104xf32>
    %jit3A_629 = arith.constant 0 : i32
    %convert_element_type3A_630 = arith.sitofp %jit3A_629 : i32 to f32
    %pad3A_631 = vector.broadcast %convert_element_type3A_630 : f32 to vector<8x24xf32>
    %pad3A_632 = tpu.concatenate %exp3A_628, %pad3A_631 in 1 : vector<8x104xf32>, vector<8x24xf32> -> vector<8x128xf32>
    %add3A_633 = arith.addf %add3A_581, %pad3A_632 : vector<8x128xf32>
    %slice3A_634 = vector.extract_strided_slice %get3A_1 {offsets = [96, 0], sizes = [8, 128], strides = [1, 1]} : vector<200x1000xf32> to vector<8x128xf32>
    %swap3A_635 = arith.constant 768 : index
    %swap3A_636 = arith.constant 0 : index
    %swap3A_637 = vector.load %arg2[%swap3A_635, %swap3A_636] : memref<1600x128xf32, #tpu.memory_space<vmem>>, vector<8x128xf32>
    tpu.vector_store %arg2[%swap3A_635, %swap3A_636], %slice3A_634 {strides = array<i32>} : memref<1600x128xf32, #tpu.memory_space<vmem>>, vector<8x128xf32>,
    %exp3A_638 = math.exp %slice3A_634 : vector<8x128xf32>
    %add3A_639 = arith.addf %add3A_587, %exp3A_638 : vector<8x128xf32>
    %slice3A_640 = vector.extract_strided_slice %get3A_1 {offsets = [96, 128], sizes = [8, 128], strides = [1, 1]} : vector<200x1000xf32> to vector<8x128xf32>
    %swap3A_641 = arith.constant 776 : index
    %swap3A_642 = arith.constant 0 : index
    %swap3A_643 = vector.load %arg2[%swap3A_641, %swap3A_642] : memref<1600x128xf32, #tpu.memory_space<vmem>>, vector<8x128xf32>
    tpu.vector_store %arg2[%swap3A_641, %swap3A_642], %slice3A_640 {strides = array<i32>} : memref<1600x128xf32, #tpu.memory_space<vmem>>, vector<8x128xf32>,
    %exp3A_644 = math.exp %slice3A_640 : vector<8x128xf32>
    %add3A_645 = arith.addf %add3A_593, %exp3A_644 : vector<8x128xf32>
    %slice3A_646 = vector.extract_strided_slice %get3A_1 {offsets = [96, 256], sizes = [8, 128], strides = [1, 1]} : vector<200x1000xf32> to vector<8x128xf32>
    %swap3A_647 = arith.constant 784 : index
    %swap3A_648 = arith.constant 0 : index
    %swap3A_649 = vector.load %arg2[%swap3A_647, %swap3A_648] : memref<1600x128xf32, #tpu.memory_space<vmem>>, vector<8x128xf32>
    tpu.vector_store %arg2[%swap3A_647, %swap3A_648], %slice3A_646 {strides = array<i32>} : memref<1600x128xf32, #tpu.memory_space<vmem>>, vector<8x128xf32>,
    %exp3A_650 = math.exp %slice3A_646 : vector<8x128xf32>
    %add3A_651 = arith.addf %add3A_599, %exp3A_650 : vector<8x128xf32>
    %slice3A_652 = vector.extract_strided_slice %get3A_1 {offsets = [96, 384], sizes = [8, 128], strides = [1, 1]} : vector<200x1000xf32> to vector<8x128xf32>
    %swap3A_653 = arith.constant 792 : index
    %swap3A_654 = arith.constant 0 : index
    %swap3A_655 = vector.load %arg2[%swap3A_653, %swap3A_654] : memref<1600x128xf32, #tpu.memory_space<vmem>>, vector<8x128xf32>
    tpu.vector_store %arg2[%swap3A_653, %swap3A_654], %slice3A_652 {strides = array<i32>} : memref<1600x128xf32, #tpu.memory_space<vmem>>, vector<8x128xf32>,
    %exp3A_656 = math.exp %slice3A_652 : vector<8x128xf32>
    %add3A_657 = arith.addf %add3A_605, %exp3A_656 : vector<8x128xf32>
    %slice3A_658 = vector.extract_strided_slice %get3A_1 {offsets = [96, 512], sizes = [8, 128], strides = [1, 1]} : vector<200x1000xf32> to vector<8x128xf32>
    %swap3A_659 = arith.constant 800 : index
    %swap3A_660 = arith.constant 0 : index
    %swap3A_661 = vector.load %arg2[%swap3A_659, %swap3A_660] : memref<1600x128xf32, #tpu.memory_space<vmem>>, vector<8x128xf32>
    tpu.vector_store %arg2[%swap3A_659, %swap3A_660], %slice3A_658 {strides = array<i32>} : memref<1600x128xf32, #tpu.memory_space<vmem>>, vector<8x128xf32>,
    %exp3A_662 = math.exp %slice3A_658 : vector<8x128xf32>
    %add3A_663 = arith.addf %add3A_611, %exp3A_662 : vector<8x128xf32>
    %slice3A_664 = vector.extract_strided_slice %get3A_1 {offsets = [96, 640], sizes = [8, 128], strides = [1, 1]} : vector<200x1000xf32> to vector<8x128xf32>
    %swap3A_665 = arith.constant 808 : index
    %swap3A_666 = arith.constant 0 : index
    %swap3A_667 = vector.load %arg2[%swap3A_665, %swap3A_666] : memref<1600x128xf32, #tpu.memory_space<vmem>>, vector<8x128xf32>
    tpu.vector_store %arg2[%swap3A_665, %swap3A_666], %slice3A_664 {strides = array<i32>} : memref<1600x128xf32, #tpu.memory_space<vmem>>, vector<8x128xf32>,
    %exp3A_668 = math.exp %slice3A_664 : vector<8x128xf32>
    %add3A_669 = arith.addf %add3A_617, %exp3A_668 : vector<8x128xf32>
    %slice3A_670 = vector.extract_strided_slice %get3A_1 {offsets = [96, 768], sizes = [8, 128], strides = [1, 1]} : vector<200x1000xf32> to vector<8x128xf32>
    %swap3A_671 = arith.constant 816 : index
    %swap3A_672 = arith.constant 0 : index
    %swap3A_673 = vector.load %arg2[%swap3A_671, %swap3A_672] : memref<1600x128xf32, #tpu.memory_space<vmem>>, vector<8x128xf32>
    tpu.vector_store %arg2[%swap3A_671, %swap3A_672], %slice3A_670 {strides = array<i32>} : memref<1600x128xf32, #tpu.memory_space<vmem>>, vector<8x128xf32>,
    %exp3A_674 = math.exp %slice3A_670 : vector<8x128xf32>
    %add3A_675 = arith.addf %add3A_623, %exp3A_674 : vector<8x128xf32>
    %slice3A_676 = vector.extract_strided_slice %get3A_1 {offsets = [96, 896], sizes = [8, 104], strides = [1, 1]} : vector<200x1000xf32> to vector<8x104xf32>
    %swap3A_677 = arith.constant 824 : index
    %swap3A_678 = arith.constant 0 : index
    %swap3A_679 = vector.load %arg2[%swap3A_677, %swap3A_678] : memref<1600x128xf32, #tpu.memory_space<vmem>>, vector<8x104xf32>
    tpu.vector_store %arg2[%swap3A_677, %swap3A_678], %slice3A_676 {strides = array<i32>} : memref<1600x128xf32, #tpu.memory_space<vmem>>, vector<8x104xf32>,
    %exp3A_680 = math.exp %slice3A_676 : vector<8x104xf32>
    %jit3A_681 = arith.constant 0 : i32
    %convert_element_type3A_682 = arith.sitofp %jit3A_681 : i32 to f32
    %pad3A_683 = vector.broadcast %convert_element_type3A_682 : f32 to vector<8x24xf32>
    %pad3A_684 = tpu.concatenate %exp3A_680, %pad3A_683 in 1 : vector<8x104xf32>, vector<8x24xf32> -> vector<8x128xf32>
    %add3A_685 = arith.addf %add3A_633, %pad3A_684 : vector<8x128xf32>
    %slice3A_686 = vector.extract_strided_slice %get3A_1 {offsets = [104, 0], sizes = [8, 128], strides = [1, 1]} : vector<200x1000xf32> to vector<8x128xf32>
    %swap3A_687 = arith.constant 832 : index
    %swap3A_688 = arith.constant 0 : index
    %swap3A_689 = vector.load %arg2[%swap3A_687, %swap3A_688] : memref<1600x128xf32, #tpu.memory_space<vmem>>, vector<8x128xf32>
    tpu.vector_store %arg2[%swap3A_687, %swap3A_688], %slice3A_686 {strides = array<i32>} : memref<1600x128xf32, #tpu.memory_space<vmem>>, vector<8x128xf32>,
    %exp3A_690 = math.exp %slice3A_686 : vector<8x128xf32>
    %add3A_691 = arith.addf %add3A_639, %exp3A_690 : vector<8x128xf32>
    %slice3A_692 = vector.extract_strided_slice %get3A_1 {offsets = [104, 128], sizes = [8, 128], strides = [1, 1]} : vector<200x1000xf32> to vector<8x128xf32>
    %swap3A_693 = arith.constant 840 : index
    %swap3A_694 = arith.constant 0 : index
    %swap3A_695 = vector.load %arg2[%swap3A_693, %swap3A_694] : memref<1600x128xf32, #tpu.memory_space<vmem>>, vector<8x128xf32>
    tpu.vector_store %arg2[%swap3A_693, %swap3A_694], %slice3A_692 {strides = array<i32>} : memref<1600x128xf32, #tpu.memory_space<vmem>>, vector<8x128xf32>,
    %exp3A_696 = math.exp %slice3A_692 : vector<8x128xf32>
    %add3A_697 = arith.addf %add3A_645, %exp3A_696 : vector<8x128xf32>
    %slice3A_698 = vector.extract_strided_slice %get3A_1 {offsets = [104, 256], sizes = [8, 128], strides = [1, 1]} : vector<200x1000xf32> to vector<8x128xf32>
    %swap3A_699 = arith.constant 848 : index
    %swap3A_700 = arith.constant 0 : index
    %swap3A_701 = vector.load %arg2[%swap3A_699, %swap3A_700] : memref<1600x128xf32, #tpu.memory_space<vmem>>, vector<8x128xf32>
    tpu.vector_store %arg2[%swap3A_699, %swap3A_700], %slice3A_698 {strides = array<i32>} : memref<1600x128xf32, #tpu.memory_space<vmem>>, vector<8x128xf32>,
    %exp3A_702 = math.exp %slice3A_698 : vector<8x128xf32>
    %add3A_703 = arith.addf %add3A_651, %exp3A_702 : vector<8x128xf32>
    %slice3A_704 = vector.extract_strided_slice %get3A_1 {offsets = [104, 384], sizes = [8, 128], strides = [1, 1]} : vector<200x1000xf32> to vector<8x128xf32>
    %swap3A_705 = arith.constant 856 : index
    %swap3A_706 = arith.constant 0 : index
    %swap3A_707 = vector.load %arg2[%swap3A_705, %swap3A_706] : memref<1600x128xf32, #tpu.memory_space<vmem>>, vector<8x128xf32>
    tpu.vector_store %arg2[%swap3A_705, %swap3A_706], %slice3A_704 {strides = array<i32>} : memref<1600x128xf32, #tpu.memory_space<vmem>>, vector<8x128xf32>,
    %exp3A_708 = math.exp %slice3A_704 : vector<8x128xf32>
    %add3A_709 = arith.addf %add3A_657, %exp3A_708 : vector<8x128xf32>
    %slice3A_710 = vector.extract_strided_slice %get3A_1 {offsets = [104, 512], sizes = [8, 128], strides = [1, 1]} : vector<200x1000xf32> to vector<8x128xf32>
    %swap3A_711 = arith.constant 864 : index
    %swap3A_712 = arith.constant 0 : index
    %swap3A_713 = vector.load %arg2[%swap3A_711, %swap3A_712] : memref<1600x128xf32, #tpu.memory_space<vmem>>, vector<8x128xf32>
    tpu.vector_store %arg2[%swap3A_711, %swap3A_712], %slice3A_710 {strides = array<i32>} : memref<1600x128xf32, #tpu.memory_space<vmem>>, vector<8x128xf32>,
    %exp3A_714 = math.exp %slice3A_710 : vector<8x128xf32>
    %add3A_715 = arith.addf %add3A_663, %exp3A_714 : vector<8x128xf32>
    %slice3A_716 = vector.extract_strided_slice %get3A_1 {offsets = [104, 640], sizes = [8, 128], strides = [1, 1]} : vector<200x1000xf32> to vector<8x128xf32>
    %swap3A_717 = arith.constant 872 : index
    %swap3A_718 = arith.constant 0 : index
    %swap3A_719 = vector.load %arg2[%swap3A_717, %swap3A_718] : memref<1600x128xf32, #tpu.memory_space<vmem>>, vector<8x128xf32>
    tpu.vector_store %arg2[%swap3A_717, %swap3A_718], %slice3A_716 {strides = array<i32>} : memref<1600x128xf32, #tpu.memory_space<vmem>>, vector<8x128xf32>,
    %exp3A_720 = math.exp %slice3A_716 : vector<8x128xf32>
    %add3A_721 = arith.addf %add3A_669, %exp3A_720 : vector<8x128xf32>
    %slice3A_722 = vector.extract_strided_slice %get3A_1 {offsets = [104, 768], sizes = [8, 128], strides = [1, 1]} : vector<200x1000xf32> to vector<8x128xf32>
    %swap3A_723 = arith.constant 880 : index
    %swap3A_724 = arith.constant 0 : index
    %swap3A_725 = vector.load %arg2[%swap3A_723, %swap3A_724] : memref<1600x128xf32, #tpu.memory_space<vmem>>, vector<8x128xf32>
    tpu.vector_store %arg2[%swap3A_723, %swap3A_724], %slice3A_722 {strides = array<i32>} : memref<1600x128xf32, #tpu.memory_space<vmem>>, vector<8x128xf32>,
    %exp3A_726 = math.exp %slice3A_722 : vector<8x128xf32>
    %add3A_727 = arith.addf %add3A_675, %exp3A_726 : vector<8x128xf32>
    %slice3A_728 = vector.extract_strided_slice %get3A_1 {offsets = [104, 896], sizes = [8, 104], strides = [1, 1]} : vector<200x1000xf32> to vector<8x104xf32>
    %swap3A_729 = arith.constant 888 : index
    %swap3A_730 = arith.constant 0 : index
    %swap3A_731 = vector.load %arg2[%swap3A_729, %swap3A_730] : memref<1600x128xf32, #tpu.memory_space<vmem>>, vector<8x104xf32>
    tpu.vector_store %arg2[%swap3A_729, %swap3A_730], %slice3A_728 {strides = array<i32>} : memref<1600x128xf32, #tpu.memory_space<vmem>>, vector<8x104xf32>,
    %exp3A_732 = math.exp %slice3A_728 : vector<8x104xf32>
    %jit3A_733 = arith.constant 0 : i32
    %convert_element_type3A_734 = arith.sitofp %jit3A_733 : i32 to f32
    %pad3A_735 = vector.broadcast %convert_element_type3A_734 : f32 to vector<8x24xf32>
    %pad3A_736 = tpu.concatenate %exp3A_732, %pad3A_735 in 1 : vector<8x104xf32>, vector<8x24xf32> -> vector<8x128xf32>
    %add3A_737 = arith.addf %add3A_685, %pad3A_736 : vector<8x128xf32>
    %slice3A_738 = vector.extract_strided_slice %get3A_1 {offsets = [112, 0], sizes = [8, 128], strides = [1, 1]} : vector<200x1000xf32> to vector<8x128xf32>
    %swap3A_739 = arith.constant 896 : index
    %swap3A_740 = arith.constant 0 : index
    %swap3A_741 = vector.load %arg2[%swap3A_739, %swap3A_740] : memref<1600x128xf32, #tpu.memory_space<vmem>>, vector<8x128xf32>
    tpu.vector_store %arg2[%swap3A_739, %swap3A_740], %slice3A_738 {strides = array<i32>} : memref<1600x128xf32, #tpu.memory_space<vmem>>, vector<8x128xf32>,
    %exp3A_742 = math.exp %slice3A_738 : vector<8x128xf32>
    %add3A_743 = arith.addf %add3A_691, %exp3A_742 : vector<8x128xf32>
    %slice3A_744 = vector.extract_strided_slice %get3A_1 {offsets = [112, 128], sizes = [8, 128], strides = [1, 1]} : vector<200x1000xf32> to vector<8x128xf32>
    %swap3A_745 = arith.constant 904 : index
    %swap3A_746 = arith.constant 0 : index
    %swap3A_747 = vector.load %arg2[%swap3A_745, %swap3A_746] : memref<1600x128xf32, #tpu.memory_space<vmem>>, vector<8x128xf32>
    tpu.vector_store %arg2[%swap3A_745, %swap3A_746], %slice3A_744 {strides = array<i32>} : memref<1600x128xf32, #tpu.memory_space<vmem>>, vector<8x128xf32>,
    %exp3A_748 = math.exp %slice3A_744 : vector<8x128xf32>
    %add3A_749 = arith.addf %add3A_697, %exp3A_748 : vector<8x128xf32>
    %slice3A_750 = vector.extract_strided_slice %get3A_1 {offsets = [112, 256], sizes = [8, 128], strides = [1, 1]} : vector<200x1000xf32> to vector<8x128xf32>
    %swap3A_751 = arith.constant 912 : index
    %swap3A_752 = arith.constant 0 : index
    %swap3A_753 = vector.load %arg2[%swap3A_751, %swap3A_752] : memref<1600x128xf32, #tpu.memory_space<vmem>>, vector<8x128xf32>
    tpu.vector_store %arg2[%swap3A_751, %swap3A_752], %slice3A_750 {strides = array<i32>} : memref<1600x128xf32, #tpu.memory_space<vmem>>, vector<8x128xf32>,
    %exp3A_754 = math.exp %slice3A_750 : vector<8x128xf32>
    %add3A_755 = arith.addf %add3A_703, %exp3A_754 : vector<8x128xf32>
    %slice3A_756 = vector.extract_strided_slice %get3A_1 {offsets = [112, 384], sizes = [8, 128], strides = [1, 1]} : vector<200x1000xf32> to vector<8x128xf32>
    %swap3A_757 = arith.constant 920 : index
    %swap3A_758 = arith.constant 0 : index
    %swap3A_759 = vector.load %arg2[%swap3A_757, %swap3A_758] : memref<1600x128xf32, #tpu.memory_space<vmem>>, vector<8x128xf32>
    tpu.vector_store %arg2[%swap3A_757, %swap3A_758], %slice3A_756 {strides = array<i32>} : memref<1600x128xf32, #tpu.memory_space<vmem>>, vector<8x128xf32>,
    %exp3A_760 = math.exp %slice3A_756 : vector<8x128xf32>
    %add3A_761 = arith.addf %add3A_709, %exp3A_760 : vector<8x128xf32>
    %slice3A_762 = vector.extract_strided_slice %get3A_1 {offsets = [112, 512], sizes = [8, 128], strides = [1, 1]} : vector<200x1000xf32> to vector<8x128xf32>
    %swap3A_763 = arith.constant 928 : index
    %swap3A_764 = arith.constant 0 : index
    %swap3A_765 = vector.load %arg2[%swap3A_763, %swap3A_764] : memref<1600x128xf32, #tpu.memory_space<vmem>>, vector<8x128xf32>
    tpu.vector_store %arg2[%swap3A_763, %swap3A_764], %slice3A_762 {strides = array<i32>} : memref<1600x128xf32, #tpu.memory_space<vmem>>, vector<8x128xf32>,
    %exp3A_766 = math.exp %slice3A_762 : vector<8x128xf32>
    %add3A_767 = arith.addf %add3A_715, %exp3A_766 : vector<8x128xf32>
    %slice3A_768 = vector.extract_strided_slice %get3A_1 {offsets = [112, 640], sizes = [8, 128], strides = [1, 1]} : vector<200x1000xf32> to vector<8x128xf32>
    %swap3A_769 = arith.constant 936 : index
    %swap3A_770 = arith.constant 0 : index
    %swap3A_771 = vector.load %arg2[%swap3A_769, %swap3A_770] : memref<1600x128xf32, #tpu.memory_space<vmem>>, vector<8x128xf32>
    tpu.vector_store %arg2[%swap3A_769, %swap3A_770], %slice3A_768 {strides = array<i32>} : memref<1600x128xf32, #tpu.memory_space<vmem>>, vector<8x128xf32>,
    %exp3A_772 = math.exp %slice3A_768 : vector<8x128xf32>
    %add3A_773 = arith.addf %add3A_721, %exp3A_772 : vector<8x128xf32>
    %slice3A_774 = vector.extract_strided_slice %get3A_1 {offsets = [112, 768], sizes = [8, 128], strides = [1, 1]} : vector<200x1000xf32> to vector<8x128xf32>
    %swap3A_775 = arith.constant 944 : index
    %swap3A_776 = arith.constant 0 : index
    %swap3A_777 = vector.load %arg2[%swap3A_775, %swap3A_776] : memref<1600x128xf32, #tpu.memory_space<vmem>>, vector<8x128xf32>
    tpu.vector_store %arg2[%swap3A_775, %swap3A_776], %slice3A_774 {strides = array<i32>} : memref<1600x128xf32, #tpu.memory_space<vmem>>, vector<8x128xf32>,
    %exp3A_778 = math.exp %slice3A_774 : vector<8x128xf32>
    %add3A_779 = arith.addf %add3A_727, %exp3A_778 : vector<8x128xf32>
    %slice3A_780 = vector.extract_strided_slice %get3A_1 {offsets = [112, 896], sizes = [8, 104], strides = [1, 1]} : vector<200x1000xf32> to vector<8x104xf32>
    %swap3A_781 = arith.constant 952 : index
    %swap3A_782 = arith.constant 0 : index
    %swap3A_783 = vector.load %arg2[%swap3A_781, %swap3A_782] : memref<1600x128xf32, #tpu.memory_space<vmem>>, vector<8x104xf32>
    tpu.vector_store %arg2[%swap3A_781, %swap3A_782], %slice3A_780 {strides = array<i32>} : memref<1600x128xf32, #tpu.memory_space<vmem>>, vector<8x104xf32>,
    %exp3A_784 = math.exp %slice3A_780 : vector<8x104xf32>
    %jit3A_785 = arith.constant 0 : i32
    %convert_element_type3A_786 = arith.sitofp %jit3A_785 : i32 to f32
    %pad3A_787 = vector.broadcast %convert_element_type3A_786 : f32 to vector<8x24xf32>
    %pad3A_788 = tpu.concatenate %exp3A_784, %pad3A_787 in 1 : vector<8x104xf32>, vector<8x24xf32> -> vector<8x128xf32>
    %add3A_789 = arith.addf %add3A_737, %pad3A_788 : vector<8x128xf32>
    %slice3A_790 = vector.extract_strided_slice %get3A_1 {offsets = [120, 0], sizes = [8, 128], strides = [1, 1]} : vector<200x1000xf32> to vector<8x128xf32>
    %swap3A_791 = arith.constant 960 : index
    %swap3A_792 = arith.constant 0 : index
    %swap3A_793 = vector.load %arg2[%swap3A_791, %swap3A_792] : memref<1600x128xf32, #tpu.memory_space<vmem>>, vector<8x128xf32>
    tpu.vector_store %arg2[%swap3A_791, %swap3A_792], %slice3A_790 {strides = array<i32>} : memref<1600x128xf32, #tpu.memory_space<vmem>>, vector<8x128xf32>,
    %exp3A_794 = math.exp %slice3A_790 : vector<8x128xf32>
    %add3A_795 = arith.addf %add3A_743, %exp3A_794 : vector<8x128xf32>
    %slice3A_796 = vector.extract_strided_slice %get3A_1 {offsets = [120, 128], sizes = [8, 128], strides = [1, 1]} : vector<200x1000xf32> to vector<8x128xf32>
    %swap3A_797 = arith.constant 968 : index
    %swap3A_798 = arith.constant 0 : index
    %swap3A_799 = vector.load %arg2[%swap3A_797, %swap3A_798] : memref<1600x128xf32, #tpu.memory_space<vmem>>, vector<8x128xf32>
    tpu.vector_store %arg2[%swap3A_797, %swap3A_798], %slice3A_796 {strides = array<i32>} : memref<1600x128xf32, #tpu.memory_space<vmem>>, vector<8x128xf32>,
    %exp3A_800 = math.exp %slice3A_796 : vector<8x128xf32>
    %add3A_801 = arith.addf %add3A_749, %exp3A_800 : vector<8x128xf32>
    %slice3A_802 = vector.extract_strided_slice %get3A_1 {offsets = [120, 256], sizes = [8, 128], strides = [1, 1]} : vector<200x1000xf32> to vector<8x128xf32>
    %swap3A_803 = arith.constant 976 : index
    %swap3A_804 = arith.constant 0 : index
    %swap3A_805 = vector.load %arg2[%swap3A_803, %swap3A_804] : memref<1600x128xf32, #tpu.memory_space<vmem>>, vector<8x128xf32>
    tpu.vector_store %arg2[%swap3A_803, %swap3A_804], %slice3A_802 {strides = array<i32>} : memref<1600x128xf32, #tpu.memory_space<vmem>>, vector<8x128xf32>,
    %exp3A_806 = math.exp %slice3A_802 : vector<8x128xf32>
    %add3A_807 = arith.addf %add3A_755, %exp3A_806 : vector<8x128xf32>
    %slice3A_808 = vector.extract_strided_slice %get3A_1 {offsets = [120, 384], sizes = [8, 128], strides = [1, 1]} : vector<200x1000xf32> to vector<8x128xf32>
    %swap3A_809 = arith.constant 984 : index
    %swap3A_810 = arith.constant 0 : index
    %swap3A_811 = vector.load %arg2[%swap3A_809, %swap3A_810] : memref<1600x128xf32, #tpu.memory_space<vmem>>, vector<8x128xf32>
    tpu.vector_store %arg2[%swap3A_809, %swap3A_810], %slice3A_808 {strides = array<i32>} : memref<1600x128xf32, #tpu.memory_space<vmem>>, vector<8x128xf32>,
    %exp3A_812 = math.exp %slice3A_808 : vector<8x128xf32>
    %add3A_813 = arith.addf %add3A_761, %exp3A_812 : vector<8x128xf32>
    %slice3A_814 = vector.extract_strided_slice %get3A_1 {offsets = [120, 512], sizes = [8, 128], strides = [1, 1]} : vector<200x1000xf32> to vector<8x128xf32>
    %swap3A_815 = arith.constant 992 : index
    %swap3A_816 = arith.constant 0 : index
    %swap3A_817 = vector.load %arg2[%swap3A_815, %swap3A_816] : memref<1600x128xf32, #tpu.memory_space<vmem>>, vector<8x128xf32>
    tpu.vector_store %arg2[%swap3A_815, %swap3A_816], %slice3A_814 {strides = array<i32>} : memref<1600x128xf32, #tpu.memory_space<vmem>>, vector<8x128xf32>,
    %exp3A_818 = math.exp %slice3A_814 : vector<8x128xf32>
    %add3A_819 = arith.addf %add3A_767, %exp3A_818 : vector<8x128xf32>
    %slice3A_820 = vector.extract_strided_slice %get3A_1 {offsets = [120, 640], sizes = [8, 128], strides = [1, 1]} : vector<200x1000xf32> to vector<8x128xf32>
    %swap3A_821 = arith.constant 1000 : index
    %swap3A_822 = arith.constant 0 : index
    %swap3A_823 = vector.load %arg2[%swap3A_821, %swap3A_822] : memref<1600x128xf32, #tpu.memory_space<vmem>>, vector<8x128xf32>
    tpu.vector_store %arg2[%swap3A_821, %swap3A_822], %slice3A_820 {strides = array<i32>} : memref<1600x128xf32, #tpu.memory_space<vmem>>, vector<8x128xf32>,
    %exp3A_824 = math.exp %slice3A_820 : vector<8x128xf32>
    %add3A_825 = arith.addf %add3A_773, %exp3A_824 : vector<8x128xf32>
    %slice3A_826 = vector.extract_strided_slice %get3A_1 {offsets = [120, 768], sizes = [8, 128], strides = [1, 1]} : vector<200x1000xf32> to vector<8x128xf32>
    %swap3A_827 = arith.constant 1008 : index
    %swap3A_828 = arith.constant 0 : index
    %swap3A_829 = vector.load %arg2[%swap3A_827, %swap3A_828] : memref<1600x128xf32, #tpu.memory_space<vmem>>, vector<8x128xf32>
    tpu.vector_store %arg2[%swap3A_827, %swap3A_828], %slice3A_826 {strides = array<i32>} : memref<1600x128xf32, #tpu.memory_space<vmem>>, vector<8x128xf32>,
    %exp3A_830 = math.exp %slice3A_826 : vector<8x128xf32>
    %add3A_831 = arith.addf %add3A_779, %exp3A_830 : vector<8x128xf32>
    %slice3A_832 = vector.extract_strided_slice %get3A_1 {offsets = [120, 896], sizes = [8, 104], strides = [1, 1]} : vector<200x1000xf32> to vector<8x104xf32>
    %swap3A_833 = arith.constant 1016 : index
    %swap3A_834 = arith.constant 0 : index
    %swap3A_835 = vector.load %arg2[%swap3A_833, %swap3A_834] : memref<1600x128xf32, #tpu.memory_space<vmem>>, vector<8x104xf32>
    tpu.vector_store %arg2[%swap3A_833, %swap3A_834], %slice3A_832 {strides = array<i32>} : memref<1600x128xf32, #tpu.memory_space<vmem>>, vector<8x104xf32>,
    %exp3A_836 = math.exp %slice3A_832 : vector<8x104xf32>
    %jit3A_837 = arith.constant 0 : i32
    %convert_element_type3A_838 = arith.sitofp %jit3A_837 : i32 to f32
    %pad3A_839 = vector.broadcast %convert_element_type3A_838 : f32 to vector<8x24xf32>
    %pad3A_840 = tpu.concatenate %exp3A_836, %pad3A_839 in 1 : vector<8x104xf32>, vector<8x24xf32> -> vector<8x128xf32>
    %add3A_841 = arith.addf %add3A_789, %pad3A_840 : vector<8x128xf32>
    %slice3A_842 = vector.extract_strided_slice %get3A_1 {offsets = [128, 0], sizes = [8, 128], strides = [1, 1]} : vector<200x1000xf32> to vector<8x128xf32>
    %swap3A_843 = arith.constant 1024 : index
    %swap3A_844 = arith.constant 0 : index
    %swap3A_845 = vector.load %arg2[%swap3A_843, %swap3A_844] : memref<1600x128xf32, #tpu.memory_space<vmem>>, vector<8x128xf32>
    tpu.vector_store %arg2[%swap3A_843, %swap3A_844], %slice3A_842 {strides = array<i32>} : memref<1600x128xf32, #tpu.memory_space<vmem>>, vector<8x128xf32>,
    %exp3A_846 = math.exp %slice3A_842 : vector<8x128xf32>
    %add3A_847 = arith.addf %add3A_795, %exp3A_846 : vector<8x128xf32>
    %slice3A_848 = vector.extract_strided_slice %get3A_1 {offsets = [128, 128], sizes = [8, 128], strides = [1, 1]} : vector<200x1000xf32> to vector<8x128xf32>
    %swap3A_849 = arith.constant 1032 : index
    %swap3A_850 = arith.constant 0 : index
    %swap3A_851 = vector.load %arg2[%swap3A_849, %swap3A_850] : memref<1600x128xf32, #tpu.memory_space<vmem>>, vector<8x128xf32>
    tpu.vector_store %arg2[%swap3A_849, %swap3A_850], %slice3A_848 {strides = array<i32>} : memref<1600x128xf32, #tpu.memory_space<vmem>>, vector<8x128xf32>,
    %exp3A_852 = math.exp %slice3A_848 : vector<8x128xf32>
    %add3A_853 = arith.addf %add3A_801, %exp3A_852 : vector<8x128xf32>
    %slice3A_854 = vector.extract_strided_slice %get3A_1 {offsets = [128, 256], sizes = [8, 128], strides = [1, 1]} : vector<200x1000xf32> to vector<8x128xf32>
    %swap3A_855 = arith.constant 1040 : index
    %swap3A_856 = arith.constant 0 : index
    %swap3A_857 = vector.load %arg2[%swap3A_855, %swap3A_856] : memref<1600x128xf32, #tpu.memory_space<vmem>>, vector<8x128xf32>
    tpu.vector_store %arg2[%swap3A_855, %swap3A_856], %slice3A_854 {strides = array<i32>} : memref<1600x128xf32, #tpu.memory_space<vmem>>, vector<8x128xf32>,
    %exp3A_858 = math.exp %slice3A_854 : vector<8x128xf32>
    %add3A_859 = arith.addf %add3A_807, %exp3A_858 : vector<8x128xf32>
    %slice3A_860 = vector.extract_strided_slice %get3A_1 {offsets = [128, 384], sizes = [8, 128], strides = [1, 1]} : vector<200x1000xf32> to vector<8x128xf32>
    %swap3A_861 = arith.constant 1048 : index
    %swap3A_862 = arith.constant 0 : index
    %swap3A_863 = vector.load %arg2[%swap3A_861, %swap3A_862] : memref<1600x128xf32, #tpu.memory_space<vmem>>, vector<8x128xf32>
    tpu.vector_store %arg2[%swap3A_861, %swap3A_862], %slice3A_860 {strides = array<i32>} : memref<1600x128xf32, #tpu.memory_space<vmem>>, vector<8x128xf32>,
    %exp3A_864 = math.exp %slice3A_860 : vector<8x128xf32>
    %add3A_865 = arith.addf %add3A_813, %exp3A_864 : vector<8x128xf32>
    %slice3A_866 = vector.extract_strided_slice %get3A_1 {offsets = [128, 512], sizes = [8, 128], strides = [1, 1]} : vector<200x1000xf32> to vector<8x128xf32>
    %swap3A_867 = arith.constant 1056 : index
    %swap3A_868 = arith.constant 0 : index
    %swap3A_869 = vector.load %arg2[%swap3A_867, %swap3A_868] : memref<1600x128xf32, #tpu.memory_space<vmem>>, vector<8x128xf32>
    tpu.vector_store %arg2[%swap3A_867, %swap3A_868], %slice3A_866 {strides = array<i32>} : memref<1600x128xf32, #tpu.memory_space<vmem>>, vector<8x128xf32>,
    %exp3A_870 = math.exp %slice3A_866 : vector<8x128xf32>
    %add3A_871 = arith.addf %add3A_819, %exp3A_870 : vector<8x128xf32>
    %slice3A_872 = vector.extract_strided_slice %get3A_1 {offsets = [128, 640], sizes = [8, 128], strides = [1, 1]} : vector<200x1000xf32> to vector<8x128xf32>
    %swap3A_873 = arith.constant 1064 : index
    %swap3A_874 = arith.constant 0 : index
    %swap3A_875 = vector.load %arg2[%swap3A_873, %swap3A_874] : memref<1600x128xf32, #tpu.memory_space<vmem>>, vector<8x128xf32>
    tpu.vector_store %arg2[%swap3A_873, %swap3A_874], %slice3A_872 {strides = array<i32>} : memref<1600x128xf32, #tpu.memory_space<vmem>>, vector<8x128xf32>,
    %exp3A_876 = math.exp %slice3A_872 : vector<8x128xf32>
    %add3A_877 = arith.addf %add3A_825, %exp3A_876 : vector<8x128xf32>
    %slice3A_878 = vector.extract_strided_slice %get3A_1 {offsets = [128, 768], sizes = [8, 128], strides = [1, 1]} : vector<200x1000xf32> to vector<8x128xf32>
    %swap3A_879 = arith.constant 1072 : index
    %swap3A_880 = arith.constant 0 : index
    %swap3A_881 = vector.load %arg2[%swap3A_879, %swap3A_880] : memref<1600x128xf32, #tpu.memory_space<vmem>>, vector<8x128xf32>
    tpu.vector_store %arg2[%swap3A_879, %swap3A_880], %slice3A_878 {strides = array<i32>} : memref<1600x128xf32, #tpu.memory_space<vmem>>, vector<8x128xf32>,
    %exp3A_882 = math.exp %slice3A_878 : vector<8x128xf32>
    %add3A_883 = arith.addf %add3A_831, %exp3A_882 : vector<8x128xf32>
    %slice3A_884 = vector.extract_strided_slice %get3A_1 {offsets = [128, 896], sizes = [8, 104], strides = [1, 1]} : vector<200x1000xf32> to vector<8x104xf32>
    %swap3A_885 = arith.constant 1080 : index
    %swap3A_886 = arith.constant 0 : index
    %swap3A_887 = vector.load %arg2[%swap3A_885, %swap3A_886] : memref<1600x128xf32, #tpu.memory_space<vmem>>, vector<8x104xf32>
    tpu.vector_store %arg2[%swap3A_885, %swap3A_886], %slice3A_884 {strides = array<i32>} : memref<1600x128xf32, #tpu.memory_space<vmem>>, vector<8x104xf32>,
    %exp3A_888 = math.exp %slice3A_884 : vector<8x104xf32>
    %jit3A_889 = arith.constant 0 : i32
    %convert_element_type3A_890 = arith.sitofp %jit3A_889 : i32 to f32
    %pad3A_891 = vector.broadcast %convert_element_type3A_890 : f32 to vector<8x24xf32>
    %pad3A_892 = tpu.concatenate %exp3A_888, %pad3A_891 in 1 : vector<8x104xf32>, vector<8x24xf32> -> vector<8x128xf32>
    %add3A_893 = arith.addf %add3A_841, %pad3A_892 : vector<8x128xf32>
    %slice3A_894 = vector.extract_strided_slice %get3A_1 {offsets = [136, 0], sizes = [8, 128], strides = [1, 1]} : vector<200x1000xf32> to vector<8x128xf32>
    %swap3A_895 = arith.constant 1088 : index
    %swap3A_896 = arith.constant 0 : index
    %swap3A_897 = vector.load %arg2[%swap3A_895, %swap3A_896] : memref<1600x128xf32, #tpu.memory_space<vmem>>, vector<8x128xf32>
    tpu.vector_store %arg2[%swap3A_895, %swap3A_896], %slice3A_894 {strides = array<i32>} : memref<1600x128xf32, #tpu.memory_space<vmem>>, vector<8x128xf32>,
    %exp3A_898 = math.exp %slice3A_894 : vector<8x128xf32>
    %add3A_899 = arith.addf %add3A_847, %exp3A_898 : vector<8x128xf32>
    %slice3A_900 = vector.extract_strided_slice %get3A_1 {offsets = [136, 128], sizes = [8, 128], strides = [1, 1]} : vector<200x1000xf32> to vector<8x128xf32>
    %swap3A_901 = arith.constant 1096 : index
    %swap3A_902 = arith.constant 0 : index
    %swap3A_903 = vector.load %arg2[%swap3A_901, %swap3A_902] : memref<1600x128xf32, #tpu.memory_space<vmem>>, vector<8x128xf32>
    tpu.vector_store %arg2[%swap3A_901, %swap3A_902], %slice3A_900 {strides = array<i32>} : memref<1600x128xf32, #tpu.memory_space<vmem>>, vector<8x128xf32>,
    %exp3A_904 = math.exp %slice3A_900 : vector<8x128xf32>
    %add3A_905 = arith.addf %add3A_853, %exp3A_904 : vector<8x128xf32>
    %slice3A_906 = vector.extract_strided_slice %get3A_1 {offsets = [136, 256], sizes = [8, 128], strides = [1, 1]} : vector<200x1000xf32> to vector<8x128xf32>
    %swap3A_907 = arith.constant 1104 : index
    %swap3A_908 = arith.constant 0 : index
    %swap3A_909 = vector.load %arg2[%swap3A_907, %swap3A_908] : memref<1600x128xf32, #tpu.memory_space<vmem>>, vector<8x128xf32>
    tpu.vector_store %arg2[%swap3A_907, %swap3A_908], %slice3A_906 {strides = array<i32>} : memref<1600x128xf32, #tpu.memory_space<vmem>>, vector<8x128xf32>,
    %exp3A_910 = math.exp %slice3A_906 : vector<8x128xf32>
    %add3A_911 = arith.addf %add3A_859, %exp3A_910 : vector<8x128xf32>
    %slice3A_912 = vector.extract_strided_slice %get3A_1 {offsets = [136, 384], sizes = [8, 128], strides = [1, 1]} : vector<200x1000xf32> to vector<8x128xf32>
    %swap3A_913 = arith.constant 1112 : index
    %swap3A_914 = arith.constant 0 : index
    %swap3A_915 = vector.load %arg2[%swap3A_913, %swap3A_914] : memref<1600x128xf32, #tpu.memory_space<vmem>>, vector<8x128xf32>
    tpu.vector_store %arg2[%swap3A_913, %swap3A_914], %slice3A_912 {strides = array<i32>} : memref<1600x128xf32, #tpu.memory_space<vmem>>, vector<8x128xf32>,
    %exp3A_916 = math.exp %slice3A_912 : vector<8x128xf32>
    %add3A_917 = arith.addf %add3A_865, %exp3A_916 : vector<8x128xf32>
    %slice3A_918 = vector.extract_strided_slice %get3A_1 {offsets = [136, 512], sizes = [8, 128], strides = [1, 1]} : vector<200x1000xf32> to vector<8x128xf32>
    %swap3A_919 = arith.constant 1120 : index
    %swap3A_920 = arith.constant 0 : index
    %swap3A_921 = vector.load %arg2[%swap3A_919, %swap3A_920] : memref<1600x128xf32, #tpu.memory_space<vmem>>, vector<8x128xf32>
    tpu.vector_store %arg2[%swap3A_919, %swap3A_920], %slice3A_918 {strides = array<i32>} : memref<1600x128xf32, #tpu.memory_space<vmem>>, vector<8x128xf32>,
    %exp3A_922 = math.exp %slice3A_918 : vector<8x128xf32>
    %add3A_923 = arith.addf %add3A_871, %exp3A_922 : vector<8x128xf32>
    %slice3A_924 = vector.extract_strided_slice %get3A_1 {offsets = [136, 640], sizes = [8, 128], strides = [1, 1]} : vector<200x1000xf32> to vector<8x128xf32>
    %swap3A_925 = arith.constant 1128 : index
    %swap3A_926 = arith.constant 0 : index
    %swap3A_927 = vector.load %arg2[%swap3A_925, %swap3A_926] : memref<1600x128xf32, #tpu.memory_space<vmem>>, vector<8x128xf32>
    tpu.vector_store %arg2[%swap3A_925, %swap3A_926], %slice3A_924 {strides = array<i32>} : memref<1600x128xf32, #tpu.memory_space<vmem>>, vector<8x128xf32>,
    %exp3A_928 = math.exp %slice3A_924 : vector<8x128xf32>
    %add3A_929 = arith.addf %add3A_877, %exp3A_928 : vector<8x128xf32>
    %slice3A_930 = vector.extract_strided_slice %get3A_1 {offsets = [136, 768], sizes = [8, 128], strides = [1, 1]} : vector<200x1000xf32> to vector<8x128xf32>
    %swap3A_931 = arith.constant 1136 : index
    %swap3A_932 = arith.constant 0 : index
    %swap3A_933 = vector.load %arg2[%swap3A_931, %swap3A_932] : memref<1600x128xf32, #tpu.memory_space<vmem>>, vector<8x128xf32>
    tpu.vector_store %arg2[%swap3A_931, %swap3A_932], %slice3A_930 {strides = array<i32>} : memref<1600x128xf32, #tpu.memory_space<vmem>>, vector<8x128xf32>,
    %exp3A_934 = math.exp %slice3A_930 : vector<8x128xf32>
    %add3A_935 = arith.addf %add3A_883, %exp3A_934 : vector<8x128xf32>
    %slice3A_936 = vector.extract_strided_slice %get3A_1 {offsets = [136, 896], sizes = [8, 104], strides = [1, 1]} : vector<200x1000xf32> to vector<8x104xf32>
    %swap3A_937 = arith.constant 1144 : index
    %swap3A_938 = arith.constant 0 : index
    %swap3A_939 = vector.load %arg2[%swap3A_937, %swap3A_938] : memref<1600x128xf32, #tpu.memory_space<vmem>>, vector<8x104xf32>
    tpu.vector_store %arg2[%swap3A_937, %swap3A_938], %slice3A_936 {strides = array<i32>} : memref<1600x128xf32, #tpu.memory_space<vmem>>, vector<8x104xf32>,
    %exp3A_940 = math.exp %slice3A_936 : vector<8x104xf32>
    %jit3A_941 = arith.constant 0 : i32
    %convert_element_type3A_942 = arith.sitofp %jit3A_941 : i32 to f32
    %pad3A_943 = vector.broadcast %convert_element_type3A_942 : f32 to vector<8x24xf32>
    %pad3A_944 = tpu.concatenate %exp3A_940, %pad3A_943 in 1 : vector<8x104xf32>, vector<8x24xf32> -> vector<8x128xf32>
    %add3A_945 = arith.addf %add3A_893, %pad3A_944 : vector<8x128xf32>
    %slice3A_946 = vector.extract_strided_slice %get3A_1 {offsets = [144, 0], sizes = [8, 128], strides = [1, 1]} : vector<200x1000xf32> to vector<8x128xf32>
    %swap3A_947 = arith.constant 1152 : index
    %swap3A_948 = arith.constant 0 : index
    %swap3A_949 = vector.load %arg2[%swap3A_947, %swap3A_948] : memref<1600x128xf32, #tpu.memory_space<vmem>>, vector<8x128xf32>
    tpu.vector_store %arg2[%swap3A_947, %swap3A_948], %slice3A_946 {strides = array<i32>} : memref<1600x128xf32, #tpu.memory_space<vmem>>, vector<8x128xf32>,
    %exp3A_950 = math.exp %slice3A_946 : vector<8x128xf32>
    %add3A_951 = arith.addf %add3A_899, %exp3A_950 : vector<8x128xf32>
    %slice3A_952 = vector.extract_strided_slice %get3A_1 {offsets = [144, 128], sizes = [8, 128], strides = [1, 1]} : vector<200x1000xf32> to vector<8x128xf32>
    %swap3A_953 = arith.constant 1160 : index
    %swap3A_954 = arith.constant 0 : index
    %swap3A_955 = vector.load %arg2[%swap3A_953, %swap3A_954] : memref<1600x128xf32, #tpu.memory_space<vmem>>, vector<8x128xf32>
    tpu.vector_store %arg2[%swap3A_953, %swap3A_954], %slice3A_952 {strides = array<i32>} : memref<1600x128xf32, #tpu.memory_space<vmem>>, vector<8x128xf32>,
    %exp3A_956 = math.exp %slice3A_952 : vector<8x128xf32>
    %add3A_957 = arith.addf %add3A_905, %exp3A_956 : vector<8x128xf32>
    %slice3A_958 = vector.extract_strided_slice %get3A_1 {offsets = [144, 256], sizes = [8, 128], strides = [1, 1]} : vector<200x1000xf32> to vector<8x128xf32>
    %swap3A_959 = arith.constant 1168 : index
    %swap3A_960 = arith.constant 0 : index
    %swap3A_961 = vector.load %arg2[%swap3A_959, %swap3A_960] : memref<1600x128xf32, #tpu.memory_space<vmem>>, vector<8x128xf32>
    tpu.vector_store %arg2[%swap3A_959, %swap3A_960], %slice3A_958 {strides = array<i32>} : memref<1600x128xf32, #tpu.memory_space<vmem>>, vector<8x128xf32>,
    %exp3A_962 = math.exp %slice3A_958 : vector<8x128xf32>
    %add3A_963 = arith.addf %add3A_911, %exp3A_962 : vector<8x128xf32>
    %slice3A_964 = vector.extract_strided_slice %get3A_1 {offsets = [144, 384], sizes = [8, 128], strides = [1, 1]} : vector<200x1000xf32> to vector<8x128xf32>
    %swap3A_965 = arith.constant 1176 : index
    %swap3A_966 = arith.constant 0 : index
    %swap3A_967 = vector.load %arg2[%swap3A_965, %swap3A_966] : memref<1600x128xf32, #tpu.memory_space<vmem>>, vector<8x128xf32>
    tpu.vector_store %arg2[%swap3A_965, %swap3A_966], %slice3A_964 {strides = array<i32>} : memref<1600x128xf32, #tpu.memory_space<vmem>>, vector<8x128xf32>,
    %exp3A_968 = math.exp %slice3A_964 : vector<8x128xf32>
    %add3A_969 = arith.addf %add3A_917, %exp3A_968 : vector<8x128xf32>
    %slice3A_970 = vector.extract_strided_slice %get3A_1 {offsets = [144, 512], sizes = [8, 128], strides = [1, 1]} : vector<200x1000xf32> to vector<8x128xf32>
    %swap3A_971 = arith.constant 1184 : index
    %swap3A_972 = arith.constant 0 : index
    %swap3A_973 = vector.load %arg2[%swap3A_971, %swap3A_972] : memref<1600x128xf32, #tpu.memory_space<vmem>>, vector<8x128xf32>
    tpu.vector_store %arg2[%swap3A_971, %swap3A_972], %slice3A_970 {strides = array<i32>} : memref<1600x128xf32, #tpu.memory_space<vmem>>, vector<8x128xf32>,
    %exp3A_974 = math.exp %slice3A_970 : vector<8x128xf32>
    %add3A_975 = arith.addf %add3A_923, %exp3A_974 : vector<8x128xf32>
    %slice3A_976 = vector.extract_strided_slice %get3A_1 {offsets = [144, 640], sizes = [8, 128], strides = [1, 1]} : vector<200x1000xf32> to vector<8x128xf32>
    %swap3A_977 = arith.constant 1192 : index
    %swap3A_978 = arith.constant 0 : index
    %swap3A_979 = vector.load %arg2[%swap3A_977, %swap3A_978] : memref<1600x128xf32, #tpu.memory_space<vmem>>, vector<8x128xf32>
    tpu.vector_store %arg2[%swap3A_977, %swap3A_978], %slice3A_976 {strides = array<i32>} : memref<1600x128xf32, #tpu.memory_space<vmem>>, vector<8x128xf32>,
    %exp3A_980 = math.exp %slice3A_976 : vector<8x128xf32>
    %add3A_981 = arith.addf %add3A_929, %exp3A_980 : vector<8x128xf32>
    %slice3A_982 = vector.extract_strided_slice %get3A_1 {offsets = [144, 768], sizes = [8, 128], strides = [1, 1]} : vector<200x1000xf32> to vector<8x128xf32>
    %swap3A_983 = arith.constant 1200 : index
    %swap3A_984 = arith.constant 0 : index
    %swap3A_985 = vector.load %arg2[%swap3A_983, %swap3A_984] : memref<1600x128xf32, #tpu.memory_space<vmem>>, vector<8x128xf32>
    tpu.vector_store %arg2[%swap3A_983, %swap3A_984], %slice3A_982 {strides = array<i32>} : memref<1600x128xf32, #tpu.memory_space<vmem>>, vector<8x128xf32>,
    %exp3A_986 = math.exp %slice3A_982 : vector<8x128xf32>
    %add3A_987 = arith.addf %add3A_935, %exp3A_986 : vector<8x128xf32>
    %slice3A_988 = vector.extract_strided_slice %get3A_1 {offsets = [144, 896], sizes = [8, 104], strides = [1, 1]} : vector<200x1000xf32> to vector<8x104xf32>
    %swap3A_989 = arith.constant 1208 : index
    %swap3A_990 = arith.constant 0 : index
    %swap3A_991 = vector.load %arg2[%swap3A_989, %swap3A_990] : memref<1600x128xf32, #tpu.memory_space<vmem>>, vector<8x104xf32>
    tpu.vector_store %arg2[%swap3A_989, %swap3A_990], %slice3A_988 {strides = array<i32>} : memref<1600x128xf32, #tpu.memory_space<vmem>>, vector<8x104xf32>,
    %exp3A_992 = math.exp %slice3A_988 : vector<8x104xf32>
    %jit3A_993 = arith.constant 0 : i32
    %convert_element_type3A_994 = arith.sitofp %jit3A_993 : i32 to f32
    %pad3A_995 = vector.broadcast %convert_element_type3A_994 : f32 to vector<8x24xf32>
    %pad3A_996 = tpu.concatenate %exp3A_992, %pad3A_995 in 1 : vector<8x104xf32>, vector<8x24xf32> -> vector<8x128xf32>
    %add3A_997 = arith.addf %add3A_945, %pad3A_996 : vector<8x128xf32>
    %slice3A_998 = vector.extract_strided_slice %get3A_1 {offsets = [152, 0], sizes = [8, 128], strides = [1, 1]} : vector<200x1000xf32> to vector<8x128xf32>
    %swap3A_999 = arith.constant 1216 : index
    %swap3A_1000 = arith.constant 0 : index
    %swap3A_1001 = vector.load %arg2[%swap3A_999, %swap3A_1000] : memref<1600x128xf32, #tpu.memory_space<vmem>>, vector<8x128xf32>
    tpu.vector_store %arg2[%swap3A_999, %swap3A_1000], %slice3A_998 {strides = array<i32>} : memref<1600x128xf32, #tpu.memory_space<vmem>>, vector<8x128xf32>,
    %exp3A_1002 = math.exp %slice3A_998 : vector<8x128xf32>
    %add3A_1003 = arith.addf %add3A_951, %exp3A_1002 : vector<8x128xf32>
    %slice3A_1004 = vector.extract_strided_slice %get3A_1 {offsets = [152, 128], sizes = [8, 128], strides = [1, 1]} : vector<200x1000xf32> to vector<8x128xf32>
    %swap3A_1005 = arith.constant 1224 : index
    %swap3A_1006 = arith.constant 0 : index
    %swap3A_1007 = vector.load %arg2[%swap3A_1005, %swap3A_1006] : memref<1600x128xf32, #tpu.memory_space<vmem>>, vector<8x128xf32>
    tpu.vector_store %arg2[%swap3A_1005, %swap3A_1006], %slice3A_1004 {strides = array<i32>} : memref<1600x128xf32, #tpu.memory_space<vmem>>, vector<8x128xf32>,
    %exp3A_1008 = math.exp %slice3A_1004 : vector<8x128xf32>
    %add3A_1009 = arith.addf %add3A_957, %exp3A_1008 : vector<8x128xf32>
    %slice3A_1010 = vector.extract_strided_slice %get3A_1 {offsets = [152, 256], sizes = [8, 128], strides = [1, 1]} : vector<200x1000xf32> to vector<8x128xf32>
    %swap3A_1011 = arith.constant 1232 : index
    %swap3A_1012 = arith.constant 0 : index
    %swap3A_1013 = vector.load %arg2[%swap3A_1011, %swap3A_1012] : memref<1600x128xf32, #tpu.memory_space<vmem>>, vector<8x128xf32>
    tpu.vector_store %arg2[%swap3A_1011, %swap3A_1012], %slice3A_1010 {strides = array<i32>} : memref<1600x128xf32, #tpu.memory_space<vmem>>, vector<8x128xf32>,
    %exp3A_1014 = math.exp %slice3A_1010 : vector<8x128xf32>
    %add3A_1015 = arith.addf %add3A_963, %exp3A_1014 : vector<8x128xf32>
    %slice3A_1016 = vector.extract_strided_slice %get3A_1 {offsets = [152, 384], sizes = [8, 128], strides = [1, 1]} : vector<200x1000xf32> to vector<8x128xf32>
    %swap3A_1017 = arith.constant 1240 : index
    %swap3A_1018 = arith.constant 0 : index
    %swap3A_1019 = vector.load %arg2[%swap3A_1017, %swap3A_1018] : memref<1600x128xf32, #tpu.memory_space<vmem>>, vector<8x128xf32>
    tpu.vector_store %arg2[%swap3A_1017, %swap3A_1018], %slice3A_1016 {strides = array<i32>} : memref<1600x128xf32, #tpu.memory_space<vmem>>, vector<8x128xf32>,
    %exp3A_1020 = math.exp %slice3A_1016 : vector<8x128xf32>
    %add3A_1021 = arith.addf %add3A_969, %exp3A_1020 : vector<8x128xf32>
    %slice3A_1022 = vector.extract_strided_slice %get3A_1 {offsets = [152, 512], sizes = [8, 128], strides = [1, 1]} : vector<200x1000xf32> to vector<8x128xf32>
    %swap3A_1023 = arith.constant 1248 : index
    %swap3A_1024 = arith.constant 0 : index
    %swap3A_1025 = vector.load %arg2[%swap3A_1023, %swap3A_1024] : memref<1600x128xf32, #tpu.memory_space<vmem>>, vector<8x128xf32>
    tpu.vector_store %arg2[%swap3A_1023, %swap3A_1024], %slice3A_1022 {strides = array<i32>} : memref<1600x128xf32, #tpu.memory_space<vmem>>, vector<8x128xf32>,
    %exp3A_1026 = math.exp %slice3A_1022 : vector<8x128xf32>
    %add3A_1027 = arith.addf %add3A_975, %exp3A_1026 : vector<8x128xf32>
    %slice3A_1028 = vector.extract_strided_slice %get3A_1 {offsets = [152, 640], sizes = [8, 128], strides = [1, 1]} : vector<200x1000xf32> to vector<8x128xf32>
    %swap3A_1029 = arith.constant 1256 : index
    %swap3A_1030 = arith.constant 0 : index
    %swap3A_1031 = vector.load %arg2[%swap3A_1029, %swap3A_1030] : memref<1600x128xf32, #tpu.memory_space<vmem>>, vector<8x128xf32>
    tpu.vector_store %arg2[%swap3A_1029, %swap3A_1030], %slice3A_1028 {strides = array<i32>} : memref<1600x128xf32, #tpu.memory_space<vmem>>, vector<8x128xf32>,
    %exp3A_1032 = math.exp %slice3A_1028 : vector<8x128xf32>
    %add3A_1033 = arith.addf %add3A_981, %exp3A_1032 : vector<8x128xf32>
    %slice3A_1034 = vector.extract_strided_slice %get3A_1 {offsets = [152, 768], sizes = [8, 128], strides = [1, 1]} : vector<200x1000xf32> to vector<8x128xf32>
    %swap3A_1035 = arith.constant 1264 : index
    %swap3A_1036 = arith.constant 0 : index
    %swap3A_1037 = vector.load %arg2[%swap3A_1035, %swap3A_1036] : memref<1600x128xf32, #tpu.memory_space<vmem>>, vector<8x128xf32>
    tpu.vector_store %arg2[%swap3A_1035, %swap3A_1036], %slice3A_1034 {strides = array<i32>} : memref<1600x128xf32, #tpu.memory_space<vmem>>, vector<8x128xf32>,
    %exp3A_1038 = math.exp %slice3A_1034 : vector<8x128xf32>
    %add3A_1039 = arith.addf %add3A_987, %exp3A_1038 : vector<8x128xf32>
    %slice3A_1040 = vector.extract_strided_slice %get3A_1 {offsets = [152, 896], sizes = [8, 104], strides = [1, 1]} : vector<200x1000xf32> to vector<8x104xf32>
    %swap3A_1041 = arith.constant 1272 : index
    %swap3A_1042 = arith.constant 0 : index
    %swap3A_1043 = vector.load %arg2[%swap3A_1041, %swap3A_1042] : memref<1600x128xf32, #tpu.memory_space<vmem>>, vector<8x104xf32>
    tpu.vector_store %arg2[%swap3A_1041, %swap3A_1042], %slice3A_1040 {strides = array<i32>} : memref<1600x128xf32, #tpu.memory_space<vmem>>, vector<8x104xf32>,
    %exp3A_1044 = math.exp %slice3A_1040 : vector<8x104xf32>
    %jit3A_1045 = arith.constant 0 : i32
    %convert_element_type3A_1046 = arith.sitofp %jit3A_1045 : i32 to f32
    %pad3A_1047 = vector.broadcast %convert_element_type3A_1046 : f32 to vector<8x24xf32>
    %pad3A_1048 = tpu.concatenate %exp3A_1044, %pad3A_1047 in 1 : vector<8x104xf32>, vector<8x24xf32> -> vector<8x128xf32>
    %add3A_1049 = arith.addf %add3A_997, %pad3A_1048 : vector<8x128xf32>
    %slice3A_1050 = vector.extract_strided_slice %get3A_1 {offsets = [160, 0], sizes = [8, 128], strides = [1, 1]} : vector<200x1000xf32> to vector<8x128xf32>
    %swap3A_1051 = arith.constant 1280 : index
    %swap3A_1052 = arith.constant 0 : index
    %swap3A_1053 = vector.load %arg2[%swap3A_1051, %swap3A_1052] : memref<1600x128xf32, #tpu.memory_space<vmem>>, vector<8x128xf32>
    tpu.vector_store %arg2[%swap3A_1051, %swap3A_1052], %slice3A_1050 {strides = array<i32>} : memref<1600x128xf32, #tpu.memory_space<vmem>>, vector<8x128xf32>,
    %exp3A_1054 = math.exp %slice3A_1050 : vector<8x128xf32>
    %add3A_1055 = arith.addf %add3A_1003, %exp3A_1054 : vector<8x128xf32>
    %slice3A_1056 = vector.extract_strided_slice %get3A_1 {offsets = [160, 128], sizes = [8, 128], strides = [1, 1]} : vector<200x1000xf32> to vector<8x128xf32>
    %swap3A_1057 = arith.constant 1288 : index
    %swap3A_1058 = arith.constant 0 : index
    %swap3A_1059 = vector.load %arg2[%swap3A_1057, %swap3A_1058] : memref<1600x128xf32, #tpu.memory_space<vmem>>, vector<8x128xf32>
    tpu.vector_store %arg2[%swap3A_1057, %swap3A_1058], %slice3A_1056 {strides = array<i32>} : memref<1600x128xf32, #tpu.memory_space<vmem>>, vector<8x128xf32>,
    %exp3A_1060 = math.exp %slice3A_1056 : vector<8x128xf32>
    %add3A_1061 = arith.addf %add3A_1009, %exp3A_1060 : vector<8x128xf32>
    %slice3A_1062 = vector.extract_strided_slice %get3A_1 {offsets = [160, 256], sizes = [8, 128], strides = [1, 1]} : vector<200x1000xf32> to vector<8x128xf32>
    %swap3A_1063 = arith.constant 1296 : index
    %swap3A_1064 = arith.constant 0 : index
    %swap3A_1065 = vector.load %arg2[%swap3A_1063, %swap3A_1064] : memref<1600x128xf32, #tpu.memory_space<vmem>>, vector<8x128xf32>
    tpu.vector_store %arg2[%swap3A_1063, %swap3A_1064], %slice3A_1062 {strides = array<i32>} : memref<1600x128xf32, #tpu.memory_space<vmem>>, vector<8x128xf32>,
    %exp3A_1066 = math.exp %slice3A_1062 : vector<8x128xf32>
    %add3A_1067 = arith.addf %add3A_1015, %exp3A_1066 : vector<8x128xf32>
    %slice3A_1068 = vector.extract_strided_slice %get3A_1 {offsets = [160, 384], sizes = [8, 128], strides = [1, 1]} : vector<200x1000xf32> to vector<8x128xf32>
    %swap3A_1069 = arith.constant 1304 : index
    %swap3A_1070 = arith.constant 0 : index
    %swap3A_1071 = vector.load %arg2[%swap3A_1069, %swap3A_1070] : memref<1600x128xf32, #tpu.memory_space<vmem>>, vector<8x128xf32>
    tpu.vector_store %arg2[%swap3A_1069, %swap3A_1070], %slice3A_1068 {strides = array<i32>} : memref<1600x128xf32, #tpu.memory_space<vmem>>, vector<8x128xf32>,
    %exp3A_1072 = math.exp %slice3A_1068 : vector<8x128xf32>
    %add3A_1073 = arith.addf %add3A_1021, %exp3A_1072 : vector<8x128xf32>
    %slice3A_1074 = vector.extract_strided_slice %get3A_1 {offsets = [160, 512], sizes = [8, 128], strides = [1, 1]} : vector<200x1000xf32> to vector<8x128xf32>
    %swap3A_1075 = arith.constant 1312 : index
    %swap3A_1076 = arith.constant 0 : index
    %swap3A_1077 = vector.load %arg2[%swap3A_1075, %swap3A_1076] : memref<1600x128xf32, #tpu.memory_space<vmem>>, vector<8x128xf32>
    tpu.vector_store %arg2[%swap3A_1075, %swap3A_1076], %slice3A_1074 {strides = array<i32>} : memref<1600x128xf32, #tpu.memory_space<vmem>>, vector<8x128xf32>,
    %exp3A_1078 = math.exp %slice3A_1074 : vector<8x128xf32>
    %add3A_1079 = arith.addf %add3A_1027, %exp3A_1078 : vector<8x128xf32>
    %slice3A_1080 = vector.extract_strided_slice %get3A_1 {offsets = [160, 640], sizes = [8, 128], strides = [1, 1]} : vector<200x1000xf32> to vector<8x128xf32>
    %swap3A_1081 = arith.constant 1320 : index
    %swap3A_1082 = arith.constant 0 : index
    %swap3A_1083 = vector.load %arg2[%swap3A_1081, %swap3A_1082] : memref<1600x128xf32, #tpu.memory_space<vmem>>, vector<8x128xf32>
    tpu.vector_store %arg2[%swap3A_1081, %swap3A_1082], %slice3A_1080 {strides = array<i32>} : memref<1600x128xf32, #tpu.memory_space<vmem>>, vector<8x128xf32>,
    %exp3A_1084 = math.exp %slice3A_1080 : vector<8x128xf32>
    %add3A_1085 = arith.addf %add3A_1033, %exp3A_1084 : vector<8x128xf32>
    %slice3A_1086 = vector.extract_strided_slice %get3A_1 {offsets = [160, 768], sizes = [8, 128], strides = [1, 1]} : vector<200x1000xf32> to vector<8x128xf32>
    %swap3A_1087 = arith.constant 1328 : index
    %swap3A_1088 = arith.constant 0 : index
    %swap3A_1089 = vector.load %arg2[%swap3A_1087, %swap3A_1088] : memref<1600x128xf32, #tpu.memory_space<vmem>>, vector<8x128xf32>
    tpu.vector_store %arg2[%swap3A_1087, %swap3A_1088], %slice3A_1086 {strides = array<i32>} : memref<1600x128xf32, #tpu.memory_space<vmem>>, vector<8x128xf32>,
    %exp3A_1090 = math.exp %slice3A_1086 : vector<8x128xf32>
    %add3A_1091 = arith.addf %add3A_1039, %exp3A_1090 : vector<8x128xf32>
    %slice3A_1092 = vector.extract_strided_slice %get3A_1 {offsets = [160, 896], sizes = [8, 104], strides = [1, 1]} : vector<200x1000xf32> to vector<8x104xf32>
    %swap3A_1093 = arith.constant 1336 : index
    %swap3A_1094 = arith.constant 0 : index
    %swap3A_1095 = vector.load %arg2[%swap3A_1093, %swap3A_1094] : memref<1600x128xf32, #tpu.memory_space<vmem>>, vector<8x104xf32>
    tpu.vector_store %arg2[%swap3A_1093, %swap3A_1094], %slice3A_1092 {strides = array<i32>} : memref<1600x128xf32, #tpu.memory_space<vmem>>, vector<8x104xf32>,
    %exp3A_1096 = math.exp %slice3A_1092 : vector<8x104xf32>
    %jit3A_1097 = arith.constant 0 : i32
    %convert_element_type3A_1098 = arith.sitofp %jit3A_1097 : i32 to f32
    %pad3A_1099 = vector.broadcast %convert_element_type3A_1098 : f32 to vector<8x24xf32>
    %pad3A_1100 = tpu.concatenate %exp3A_1096, %pad3A_1099 in 1 : vector<8x104xf32>, vector<8x24xf32> -> vector<8x128xf32>
    %add3A_1101 = arith.addf %add3A_1049, %pad3A_1100 : vector<8x128xf32>
    %slice3A_1102 = vector.extract_strided_slice %get3A_1 {offsets = [168, 0], sizes = [8, 128], strides = [1, 1]} : vector<200x1000xf32> to vector<8x128xf32>
    %swap3A_1103 = arith.constant 1344 : index
    %swap3A_1104 = arith.constant 0 : index
    %swap3A_1105 = vector.load %arg2[%swap3A_1103, %swap3A_1104] : memref<1600x128xf32, #tpu.memory_space<vmem>>, vector<8x128xf32>
    tpu.vector_store %arg2[%swap3A_1103, %swap3A_1104], %slice3A_1102 {strides = array<i32>} : memref<1600x128xf32, #tpu.memory_space<vmem>>, vector<8x128xf32>,
    %exp3A_1106 = math.exp %slice3A_1102 : vector<8x128xf32>
    %add3A_1107 = arith.addf %add3A_1055, %exp3A_1106 : vector<8x128xf32>
    %slice3A_1108 = vector.extract_strided_slice %get3A_1 {offsets = [168, 128], sizes = [8, 128], strides = [1, 1]} : vector<200x1000xf32> to vector<8x128xf32>
    %swap3A_1109 = arith.constant 1352 : index
    %swap3A_1110 = arith.constant 0 : index
    %swap3A_1111 = vector.load %arg2[%swap3A_1109, %swap3A_1110] : memref<1600x128xf32, #tpu.memory_space<vmem>>, vector<8x128xf32>
    tpu.vector_store %arg2[%swap3A_1109, %swap3A_1110], %slice3A_1108 {strides = array<i32>} : memref<1600x128xf32, #tpu.memory_space<vmem>>, vector<8x128xf32>,
    %exp3A_1112 = math.exp %slice3A_1108 : vector<8x128xf32>
    %add3A_1113 = arith.addf %add3A_1061, %exp3A_1112 : vector<8x128xf32>
    %slice3A_1114 = vector.extract_strided_slice %get3A_1 {offsets = [168, 256], sizes = [8, 128], strides = [1, 1]} : vector<200x1000xf32> to vector<8x128xf32>
    %swap3A_1115 = arith.constant 1360 : index
    %swap3A_1116 = arith.constant 0 : index
    %swap3A_1117 = vector.load %arg2[%swap3A_1115, %swap3A_1116] : memref<1600x128xf32, #tpu.memory_space<vmem>>, vector<8x128xf32>
    tpu.vector_store %arg2[%swap3A_1115, %swap3A_1116], %slice3A_1114 {strides = array<i32>} : memref<1600x128xf32, #tpu.memory_space<vmem>>, vector<8x128xf32>,
    %exp3A_1118 = math.exp %slice3A_1114 : vector<8x128xf32>
    %add3A_1119 = arith.addf %add3A_1067, %exp3A_1118 : vector<8x128xf32>
    %slice3A_1120 = vector.extract_strided_slice %get3A_1 {offsets = [168, 384], sizes = [8, 128], strides = [1, 1]} : vector<200x1000xf32> to vector<8x128xf32>
    %swap3A_1121 = arith.constant 1368 : index
    %swap3A_1122 = arith.constant 0 : index
    %swap3A_1123 = vector.load %arg2[%swap3A_1121, %swap3A_1122] : memref<1600x128xf32, #tpu.memory_space<vmem>>, vector<8x128xf32>
    tpu.vector_store %arg2[%swap3A_1121, %swap3A_1122], %slice3A_1120 {strides = array<i32>} : memref<1600x128xf32, #tpu.memory_space<vmem>>, vector<8x128xf32>,
    %exp3A_1124 = math.exp %slice3A_1120 : vector<8x128xf32>
    %add3A_1125 = arith.addf %add3A_1073, %exp3A_1124 : vector<8x128xf32>
    %slice3A_1126 = vector.extract_strided_slice %get3A_1 {offsets = [168, 512], sizes = [8, 128], strides = [1, 1]} : vector<200x1000xf32> to vector<8x128xf32>
    %swap3A_1127 = arith.constant 1376 : index
    %swap3A_1128 = arith.constant 0 : index
    %swap3A_1129 = vector.load %arg2[%swap3A_1127, %swap3A_1128] : memref<1600x128xf32, #tpu.memory_space<vmem>>, vector<8x128xf32>
    tpu.vector_store %arg2[%swap3A_1127, %swap3A_1128], %slice3A_1126 {strides = array<i32>} : memref<1600x128xf32, #tpu.memory_space<vmem>>, vector<8x128xf32>,
    %exp3A_1130 = math.exp %slice3A_1126 : vector<8x128xf32>
    %add3A_1131 = arith.addf %add3A_1079, %exp3A_1130 : vector<8x128xf32>
    %slice3A_1132 = vector.extract_strided_slice %get3A_1 {offsets = [168, 640], sizes = [8, 128], strides = [1, 1]} : vector<200x1000xf32> to vector<8x128xf32>
    %swap3A_1133 = arith.constant 1384 : index
    %swap3A_1134 = arith.constant 0 : index
    %swap3A_1135 = vector.load %arg2[%swap3A_1133, %swap3A_1134] : memref<1600x128xf32, #tpu.memory_space<vmem>>, vector<8x128xf32>
    tpu.vector_store %arg2[%swap3A_1133, %swap3A_1134], %slice3A_1132 {strides = array<i32>} : memref<1600x128xf32, #tpu.memory_space<vmem>>, vector<8x128xf32>,
    %exp3A_1136 = math.exp %slice3A_1132 : vector<8x128xf32>
    %add3A_1137 = arith.addf %add3A_1085, %exp3A_1136 : vector<8x128xf32>
    %slice3A_1138 = vector.extract_strided_slice %get3A_1 {offsets = [168, 768], sizes = [8, 128], strides = [1, 1]} : vector<200x1000xf32> to vector<8x128xf32>
    %swap3A_1139 = arith.constant 1392 : index
    %swap3A_1140 = arith.constant 0 : index
    %swap3A_1141 = vector.load %arg2[%swap3A_1139, %swap3A_1140] : memref<1600x128xf32, #tpu.memory_space<vmem>>, vector<8x128xf32>
    tpu.vector_store %arg2[%swap3A_1139, %swap3A_1140], %slice3A_1138 {strides = array<i32>} : memref<1600x128xf32, #tpu.memory_space<vmem>>, vector<8x128xf32>,
    %exp3A_1142 = math.exp %slice3A_1138 : vector<8x128xf32>
    %add3A_1143 = arith.addf %add3A_1091, %exp3A_1142 : vector<8x128xf32>
    %slice3A_1144 = vector.extract_strided_slice %get3A_1 {offsets = [168, 896], sizes = [8, 104], strides = [1, 1]} : vector<200x1000xf32> to vector<8x104xf32>
    %swap3A_1145 = arith.constant 1400 : index
    %swap3A_1146 = arith.constant 0 : index
    %swap3A_1147 = vector.load %arg2[%swap3A_1145, %swap3A_1146] : memref<1600x128xf32, #tpu.memory_space<vmem>>, vector<8x104xf32>
    tpu.vector_store %arg2[%swap3A_1145, %swap3A_1146], %slice3A_1144 {strides = array<i32>} : memref<1600x128xf32, #tpu.memory_space<vmem>>, vector<8x104xf32>,
    %exp3A_1148 = math.exp %slice3A_1144 : vector<8x104xf32>
    %jit3A_1149 = arith.constant 0 : i32
    %convert_element_type3A_1150 = arith.sitofp %jit3A_1149 : i32 to f32
    %pad3A_1151 = vector.broadcast %convert_element_type3A_1150 : f32 to vector<8x24xf32>
    %pad3A_1152 = tpu.concatenate %exp3A_1148, %pad3A_1151 in 1 : vector<8x104xf32>, vector<8x24xf32> -> vector<8x128xf32>
    %add3A_1153 = arith.addf %add3A_1101, %pad3A_1152 : vector<8x128xf32>
    %slice3A_1154 = vector.extract_strided_slice %get3A_1 {offsets = [176, 0], sizes = [8, 128], strides = [1, 1]} : vector<200x1000xf32> to vector<8x128xf32>
    %swap3A_1155 = arith.constant 1408 : index
    %swap3A_1156 = arith.constant 0 : index
    %swap3A_1157 = vector.load %arg2[%swap3A_1155, %swap3A_1156] : memref<1600x128xf32, #tpu.memory_space<vmem>>, vector<8x128xf32>
    tpu.vector_store %arg2[%swap3A_1155, %swap3A_1156], %slice3A_1154 {strides = array<i32>} : memref<1600x128xf32, #tpu.memory_space<vmem>>, vector<8x128xf32>,
    %exp3A_1158 = math.exp %slice3A_1154 : vector<8x128xf32>
    %add3A_1159 = arith.addf %add3A_1107, %exp3A_1158 : vector<8x128xf32>
    %slice3A_1160 = vector.extract_strided_slice %get3A_1 {offsets = [176, 128], sizes = [8, 128], strides = [1, 1]} : vector<200x1000xf32> to vector<8x128xf32>
    %swap3A_1161 = arith.constant 1416 : index
    %swap3A_1162 = arith.constant 0 : index
    %swap3A_1163 = vector.load %arg2[%swap3A_1161, %swap3A_1162] : memref<1600x128xf32, #tpu.memory_space<vmem>>, vector<8x128xf32>
    tpu.vector_store %arg2[%swap3A_1161, %swap3A_1162], %slice3A_1160 {strides = array<i32>} : memref<1600x128xf32, #tpu.memory_space<vmem>>, vector<8x128xf32>,
    %exp3A_1164 = math.exp %slice3A_1160 : vector<8x128xf32>
    %add3A_1165 = arith.addf %add3A_1113, %exp3A_1164 : vector<8x128xf32>
    %slice3A_1166 = vector.extract_strided_slice %get3A_1 {offsets = [176, 256], sizes = [8, 128], strides = [1, 1]} : vector<200x1000xf32> to vector<8x128xf32>
    %swap3A_1167 = arith.constant 1424 : index
    %swap3A_1168 = arith.constant 0 : index
    %swap3A_1169 = vector.load %arg2[%swap3A_1167, %swap3A_1168] : memref<1600x128xf32, #tpu.memory_space<vmem>>, vector<8x128xf32>
    tpu.vector_store %arg2[%swap3A_1167, %swap3A_1168], %slice3A_1166 {strides = array<i32>} : memref<1600x128xf32, #tpu.memory_space<vmem>>, vector<8x128xf32>,
    %exp3A_1170 = math.exp %slice3A_1166 : vector<8x128xf32>
    %add3A_1171 = arith.addf %add3A_1119, %exp3A_1170 : vector<8x128xf32>
    %slice3A_1172 = vector.extract_strided_slice %get3A_1 {offsets = [176, 384], sizes = [8, 128], strides = [1, 1]} : vector<200x1000xf32> to vector<8x128xf32>
    %swap3A_1173 = arith.constant 1432 : index
    %swap3A_1174 = arith.constant 0 : index
    %swap3A_1175 = vector.load %arg2[%swap3A_1173, %swap3A_1174] : memref<1600x128xf32, #tpu.memory_space<vmem>>, vector<8x128xf32>
    tpu.vector_store %arg2[%swap3A_1173, %swap3A_1174], %slice3A_1172 {strides = array<i32>} : memref<1600x128xf32, #tpu.memory_space<vmem>>, vector<8x128xf32>,
    %exp3A_1176 = math.exp %slice3A_1172 : vector<8x128xf32>
    %add3A_1177 = arith.addf %add3A_1125, %exp3A_1176 : vector<8x128xf32>
    %slice3A_1178 = vector.extract_strided_slice %get3A_1 {offsets = [176, 512], sizes = [8, 128], strides = [1, 1]} : vector<200x1000xf32> to vector<8x128xf32>
    %swap3A_1179 = arith.constant 1440 : index
    %swap3A_1180 = arith.constant 0 : index
    %swap3A_1181 = vector.load %arg2[%swap3A_1179, %swap3A_1180] : memref<1600x128xf32, #tpu.memory_space<vmem>>, vector<8x128xf32>
    tpu.vector_store %arg2[%swap3A_1179, %swap3A_1180], %slice3A_1178 {strides = array<i32>} : memref<1600x128xf32, #tpu.memory_space<vmem>>, vector<8x128xf32>,
    %exp3A_1182 = math.exp %slice3A_1178 : vector<8x128xf32>
    %add3A_1183 = arith.addf %add3A_1131, %exp3A_1182 : vector<8x128xf32>
    %slice3A_1184 = vector.extract_strided_slice %get3A_1 {offsets = [176, 640], sizes = [8, 128], strides = [1, 1]} : vector<200x1000xf32> to vector<8x128xf32>
    %swap3A_1185 = arith.constant 1448 : index
    %swap3A_1186 = arith.constant 0 : index
    %swap3A_1187 = vector.load %arg2[%swap3A_1185, %swap3A_1186] : memref<1600x128xf32, #tpu.memory_space<vmem>>, vector<8x128xf32>
    tpu.vector_store %arg2[%swap3A_1185, %swap3A_1186], %slice3A_1184 {strides = array<i32>} : memref<1600x128xf32, #tpu.memory_space<vmem>>, vector<8x128xf32>,
    %exp3A_1188 = math.exp %slice3A_1184 : vector<8x128xf32>
    %add3A_1189 = arith.addf %add3A_1137, %exp3A_1188 : vector<8x128xf32>
    %slice3A_1190 = vector.extract_strided_slice %get3A_1 {offsets = [176, 768], sizes = [8, 128], strides = [1, 1]} : vector<200x1000xf32> to vector<8x128xf32>
    %swap3A_1191 = arith.constant 1456 : index
    %swap3A_1192 = arith.constant 0 : index
    %swap3A_1193 = vector.load %arg2[%swap3A_1191, %swap3A_1192] : memref<1600x128xf32, #tpu.memory_space<vmem>>, vector<8x128xf32>
    tpu.vector_store %arg2[%swap3A_1191, %swap3A_1192], %slice3A_1190 {strides = array<i32>} : memref<1600x128xf32, #tpu.memory_space<vmem>>, vector<8x128xf32>,
    %exp3A_1194 = math.exp %slice3A_1190 : vector<8x128xf32>
    %add3A_1195 = arith.addf %add3A_1143, %exp3A_1194 : vector<8x128xf32>
    %slice3A_1196 = vector.extract_strided_slice %get3A_1 {offsets = [176, 896], sizes = [8, 104], strides = [1, 1]} : vector<200x1000xf32> to vector<8x104xf32>
    %swap3A_1197 = arith.constant 1464 : index
    %swap3A_1198 = arith.constant 0 : index
    %swap3A_1199 = vector.load %arg2[%swap3A_1197, %swap3A_1198] : memref<1600x128xf32, #tpu.memory_space<vmem>>, vector<8x104xf32>
    tpu.vector_store %arg2[%swap3A_1197, %swap3A_1198], %slice3A_1196 {strides = array<i32>} : memref<1600x128xf32, #tpu.memory_space<vmem>>, vector<8x104xf32>,
    %exp3A_1200 = math.exp %slice3A_1196 : vector<8x104xf32>
    %jit3A_1201 = arith.constant 0 : i32
    %convert_element_type3A_1202 = arith.sitofp %jit3A_1201 : i32 to f32
    %pad3A_1203 = vector.broadcast %convert_element_type3A_1202 : f32 to vector<8x24xf32>
    %pad3A_1204 = tpu.concatenate %exp3A_1200, %pad3A_1203 in 1 : vector<8x104xf32>, vector<8x24xf32> -> vector<8x128xf32>
    %add3A_1205 = arith.addf %add3A_1153, %pad3A_1204 : vector<8x128xf32>
    %slice3A_1206 = vector.extract_strided_slice %get3A_1 {offsets = [184, 0], sizes = [8, 128], strides = [1, 1]} : vector<200x1000xf32> to vector<8x128xf32>
    %swap3A_1207 = arith.constant 1472 : index
    %swap3A_1208 = arith.constant 0 : index
    %swap3A_1209 = vector.load %arg2[%swap3A_1207, %swap3A_1208] : memref<1600x128xf32, #tpu.memory_space<vmem>>, vector<8x128xf32>
    tpu.vector_store %arg2[%swap3A_1207, %swap3A_1208], %slice3A_1206 {strides = array<i32>} : memref<1600x128xf32, #tpu.memory_space<vmem>>, vector<8x128xf32>,
    %exp3A_1210 = math.exp %slice3A_1206 : vector<8x128xf32>
    %add3A_1211 = arith.addf %add3A_1159, %exp3A_1210 : vector<8x128xf32>
    %slice3A_1212 = vector.extract_strided_slice %get3A_1 {offsets = [184, 128], sizes = [8, 128], strides = [1, 1]} : vector<200x1000xf32> to vector<8x128xf32>
    %swap3A_1213 = arith.constant 1480 : index
    %swap3A_1214 = arith.constant 0 : index
    %swap3A_1215 = vector.load %arg2[%swap3A_1213, %swap3A_1214] : memref<1600x128xf32, #tpu.memory_space<vmem>>, vector<8x128xf32>
    tpu.vector_store %arg2[%swap3A_1213, %swap3A_1214], %slice3A_1212 {strides = array<i32>} : memref<1600x128xf32, #tpu.memory_space<vmem>>, vector<8x128xf32>,
    %exp3A_1216 = math.exp %slice3A_1212 : vector<8x128xf32>
    %add3A_1217 = arith.addf %add3A_1165, %exp3A_1216 : vector<8x128xf32>
    %slice3A_1218 = vector.extract_strided_slice %get3A_1 {offsets = [184, 256], sizes = [8, 128], strides = [1, 1]} : vector<200x1000xf32> to vector<8x128xf32>
    %swap3A_1219 = arith.constant 1488 : index
    %swap3A_1220 = arith.constant 0 : index
    %swap3A_1221 = vector.load %arg2[%swap3A_1219, %swap3A_1220] : memref<1600x128xf32, #tpu.memory_space<vmem>>, vector<8x128xf32>
    tpu.vector_store %arg2[%swap3A_1219, %swap3A_1220], %slice3A_1218 {strides = array<i32>} : memref<1600x128xf32, #tpu.memory_space<vmem>>, vector<8x128xf32>,
    %exp3A_1222 = math.exp %slice3A_1218 : vector<8x128xf32>
    %add3A_1223 = arith.addf %add3A_1171, %exp3A_1222 : vector<8x128xf32>
    %slice3A_1224 = vector.extract_strided_slice %get3A_1 {offsets = [184, 384], sizes = [8, 128], strides = [1, 1]} : vector<200x1000xf32> to vector<8x128xf32>
    %swap3A_1225 = arith.constant 1496 : index
    %swap3A_1226 = arith.constant 0 : index
    %swap3A_1227 = vector.load %arg2[%swap3A_1225, %swap3A_1226] : memref<1600x128xf32, #tpu.memory_space<vmem>>, vector<8x128xf32>
    tpu.vector_store %arg2[%swap3A_1225, %swap3A_1226], %slice3A_1224 {strides = array<i32>} : memref<1600x128xf32, #tpu.memory_space<vmem>>, vector<8x128xf32>,
    %exp3A_1228 = math.exp %slice3A_1224 : vector<8x128xf32>
    %add3A_1229 = arith.addf %add3A_1177, %exp3A_1228 : vector<8x128xf32>
    %slice3A_1230 = vector.extract_strided_slice %get3A_1 {offsets = [184, 512], sizes = [8, 128], strides = [1, 1]} : vector<200x1000xf32> to vector<8x128xf32>
    %swap3A_1231 = arith.constant 1504 : index
    %swap3A_1232 = arith.constant 0 : index
    %swap3A_1233 = vector.load %arg2[%swap3A_1231, %swap3A_1232] : memref<1600x128xf32, #tpu.memory_space<vmem>>, vector<8x128xf32>
    tpu.vector_store %arg2[%swap3A_1231, %swap3A_1232], %slice3A_1230 {strides = array<i32>} : memref<1600x128xf32, #tpu.memory_space<vmem>>, vector<8x128xf32>,
    %exp3A_1234 = math.exp %slice3A_1230 : vector<8x128xf32>
    %add3A_1235 = arith.addf %add3A_1183, %exp3A_1234 : vector<8x128xf32>
    %slice3A_1236 = vector.extract_strided_slice %get3A_1 {offsets = [184, 640], sizes = [8, 128], strides = [1, 1]} : vector<200x1000xf32> to vector<8x128xf32>
    %swap3A_1237 = arith.constant 1512 : index
    %swap3A_1238 = arith.constant 0 : index
    %swap3A_1239 = vector.load %arg2[%swap3A_1237, %swap3A_1238] : memref<1600x128xf32, #tpu.memory_space<vmem>>, vector<8x128xf32>
    tpu.vector_store %arg2[%swap3A_1237, %swap3A_1238], %slice3A_1236 {strides = array<i32>} : memref<1600x128xf32, #tpu.memory_space<vmem>>, vector<8x128xf32>,
    %exp3A_1240 = math.exp %slice3A_1236 : vector<8x128xf32>
    %add3A_1241 = arith.addf %add3A_1189, %exp3A_1240 : vector<8x128xf32>
    %slice3A_1242 = vector.extract_strided_slice %get3A_1 {offsets = [184, 768], sizes = [8, 128], strides = [1, 1]} : vector<200x1000xf32> to vector<8x128xf32>
    %swap3A_1243 = arith.constant 1520 : index
    %swap3A_1244 = arith.constant 0 : index
    %swap3A_1245 = vector.load %arg2[%swap3A_1243, %swap3A_1244] : memref<1600x128xf32, #tpu.memory_space<vmem>>, vector<8x128xf32>
    tpu.vector_store %arg2[%swap3A_1243, %swap3A_1244], %slice3A_1242 {strides = array<i32>} : memref<1600x128xf32, #tpu.memory_space<vmem>>, vector<8x128xf32>,
    %exp3A_1246 = math.exp %slice3A_1242 : vector<8x128xf32>
    %add3A_1247 = arith.addf %add3A_1195, %exp3A_1246 : vector<8x128xf32>
    %slice3A_1248 = vector.extract_strided_slice %get3A_1 {offsets = [184, 896], sizes = [8, 104], strides = [1, 1]} : vector<200x1000xf32> to vector<8x104xf32>
    %swap3A_1249 = arith.constant 1528 : index
    %swap3A_1250 = arith.constant 0 : index
    %swap3A_1251 = vector.load %arg2[%swap3A_1249, %swap3A_1250] : memref<1600x128xf32, #tpu.memory_space<vmem>>, vector<8x104xf32>
    tpu.vector_store %arg2[%swap3A_1249, %swap3A_1250], %slice3A_1248 {strides = array<i32>} : memref<1600x128xf32, #tpu.memory_space<vmem>>, vector<8x104xf32>,
    %exp3A_1252 = math.exp %slice3A_1248 : vector<8x104xf32>
    %jit3A_1253 = arith.constant 0 : i32
    %convert_element_type3A_1254 = arith.sitofp %jit3A_1253 : i32 to f32
    %pad3A_1255 = vector.broadcast %convert_element_type3A_1254 : f32 to vector<8x24xf32>
    %pad3A_1256 = tpu.concatenate %exp3A_1252, %pad3A_1255 in 1 : vector<8x104xf32>, vector<8x24xf32> -> vector<8x128xf32>
    %add3A_1257 = arith.addf %add3A_1205, %pad3A_1256 : vector<8x128xf32>
    %slice3A_1258 = vector.extract_strided_slice %get3A_1 {offsets = [192, 0], sizes = [8, 128], strides = [1, 1]} : vector<200x1000xf32> to vector<8x128xf32>
    %swap3A_1259 = arith.constant 1536 : index
    %swap3A_1260 = arith.constant 0 : index
    %swap3A_1261 = vector.load %arg2[%swap3A_1259, %swap3A_1260] : memref<1600x128xf32, #tpu.memory_space<vmem>>, vector<8x128xf32>
    tpu.vector_store %arg2[%swap3A_1259, %swap3A_1260], %slice3A_1258 {strides = array<i32>} : memref<1600x128xf32, #tpu.memory_space<vmem>>, vector<8x128xf32>,
    %exp3A_1262 = math.exp %slice3A_1258 : vector<8x128xf32>
    %add3A_1263 = arith.addf %add3A_1211, %exp3A_1262 : vector<8x128xf32>
    %slice3A_1264 = vector.extract_strided_slice %get3A_1 {offsets = [192, 128], sizes = [8, 128], strides = [1, 1]} : vector<200x1000xf32> to vector<8x128xf32>
    %swap3A_1265 = arith.constant 1544 : index
    %swap3A_1266 = arith.constant 0 : index
    %swap3A_1267 = vector.load %arg2[%swap3A_1265, %swap3A_1266] : memref<1600x128xf32, #tpu.memory_space<vmem>>, vector<8x128xf32>
    tpu.vector_store %arg2[%swap3A_1265, %swap3A_1266], %slice3A_1264 {strides = array<i32>} : memref<1600x128xf32, #tpu.memory_space<vmem>>, vector<8x128xf32>,
    %exp3A_1268 = math.exp %slice3A_1264 : vector<8x128xf32>
    %add3A_1269 = arith.addf %add3A_1217, %exp3A_1268 : vector<8x128xf32>
    %slice3A_1270 = vector.extract_strided_slice %get3A_1 {offsets = [192, 256], sizes = [8, 128], strides = [1, 1]} : vector<200x1000xf32> to vector<8x128xf32>
    %swap3A_1271 = arith.constant 1552 : index
    %swap3A_1272 = arith.constant 0 : index
    %swap3A_1273 = vector.load %arg2[%swap3A_1271, %swap3A_1272] : memref<1600x128xf32, #tpu.memory_space<vmem>>, vector<8x128xf32>
    tpu.vector_store %arg2[%swap3A_1271, %swap3A_1272], %slice3A_1270 {strides = array<i32>} : memref<1600x128xf32, #tpu.memory_space<vmem>>, vector<8x128xf32>,
    %exp3A_1274 = math.exp %slice3A_1270 : vector<8x128xf32>
    %add3A_1275 = arith.addf %add3A_1223, %exp3A_1274 : vector<8x128xf32>
    %slice3A_1276 = vector.extract_strided_slice %get3A_1 {offsets = [192, 384], sizes = [8, 128], strides = [1, 1]} : vector<200x1000xf32> to vector<8x128xf32>
    %swap3A_1277 = arith.constant 1560 : index
    %swap3A_1278 = arith.constant 0 : index
    %swap3A_1279 = vector.load %arg2[%swap3A_1277, %swap3A_1278] : memref<1600x128xf32, #tpu.memory_space<vmem>>, vector<8x128xf32>
    tpu.vector_store %arg2[%swap3A_1277, %swap3A_1278], %slice3A_1276 {strides = array<i32>} : memref<1600x128xf32, #tpu.memory_space<vmem>>, vector<8x128xf32>,
    %exp3A_1280 = math.exp %slice3A_1276 : vector<8x128xf32>
    %add3A_1281 = arith.addf %add3A_1229, %exp3A_1280 : vector<8x128xf32>
    %slice3A_1282 = vector.extract_strided_slice %get3A_1 {offsets = [192, 512], sizes = [8, 128], strides = [1, 1]} : vector<200x1000xf32> to vector<8x128xf32>
    %swap3A_1283 = arith.constant 1568 : index
    %swap3A_1284 = arith.constant 0 : index
    %swap3A_1285 = vector.load %arg2[%swap3A_1283, %swap3A_1284] : memref<1600x128xf32, #tpu.memory_space<vmem>>, vector<8x128xf32>
    tpu.vector_store %arg2[%swap3A_1283, %swap3A_1284], %slice3A_1282 {strides = array<i32>} : memref<1600x128xf32, #tpu.memory_space<vmem>>, vector<8x128xf32>,
    %exp3A_1286 = math.exp %slice3A_1282 : vector<8x128xf32>
    %add3A_1287 = arith.addf %add3A_1235, %exp3A_1286 : vector<8x128xf32>
    %slice3A_1288 = vector.extract_strided_slice %get3A_1 {offsets = [192, 640], sizes = [8, 128], strides = [1, 1]} : vector<200x1000xf32> to vector<8x128xf32>
    %swap3A_1289 = arith.constant 1576 : index
    %swap3A_1290 = arith.constant 0 : index
    %swap3A_1291 = vector.load %arg2[%swap3A_1289, %swap3A_1290] : memref<1600x128xf32, #tpu.memory_space<vmem>>, vector<8x128xf32>
    tpu.vector_store %arg2[%swap3A_1289, %swap3A_1290], %slice3A_1288 {strides = array<i32>} : memref<1600x128xf32, #tpu.memory_space<vmem>>, vector<8x128xf32>,
    %exp3A_1292 = math.exp %slice3A_1288 : vector<8x128xf32>
    %add3A_1293 = arith.addf %add3A_1241, %exp3A_1292 : vector<8x128xf32>
    %slice3A_1294 = vector.extract_strided_slice %get3A_1 {offsets = [192, 768], sizes = [8, 128], strides = [1, 1]} : vector<200x1000xf32> to vector<8x128xf32>
    %swap3A_1295 = arith.constant 1584 : index
    %swap3A_1296 = arith.constant 0 : index
    %swap3A_1297 = vector.load %arg2[%swap3A_1295, %swap3A_1296] : memref<1600x128xf32, #tpu.memory_space<vmem>>, vector<8x128xf32>
    tpu.vector_store %arg2[%swap3A_1295, %swap3A_1296], %slice3A_1294 {strides = array<i32>} : memref<1600x128xf32, #tpu.memory_space<vmem>>, vector<8x128xf32>,
    %exp3A_1298 = math.exp %slice3A_1294 : vector<8x128xf32>
    %add3A_1299 = arith.addf %add3A_1247, %exp3A_1298 : vector<8x128xf32>
    %slice3A_1300 = vector.extract_strided_slice %get3A_1 {offsets = [192, 896], sizes = [8, 104], strides = [1, 1]} : vector<200x1000xf32> to vector<8x104xf32>
    %swap3A_1301 = arith.constant 1592 : index
    %swap3A_1302 = arith.constant 0 : index
    %swap3A_1303 = vector.load %arg2[%swap3A_1301, %swap3A_1302] : memref<1600x128xf32, #tpu.memory_space<vmem>>, vector<8x104xf32>
    tpu.vector_store %arg2[%swap3A_1301, %swap3A_1302], %slice3A_1300 {strides = array<i32>} : memref<1600x128xf32, #tpu.memory_space<vmem>>, vector<8x104xf32>,
    %exp3A_1304 = math.exp %slice3A_1300 : vector<8x104xf32>
    %jit3A_1305 = arith.constant 0 : i32
    %convert_element_type3A_1306 = arith.sitofp %jit3A_1305 : i32 to f32
    %pad3A_1307 = vector.broadcast %convert_element_type3A_1306 : f32 to vector<8x24xf32>
    %pad3A_1308 = tpu.concatenate %exp3A_1304, %pad3A_1307 in 1 : vector<8x104xf32>, vector<8x24xf32> -> vector<8x128xf32>
    %add3A_1309 = arith.addf %add3A_1257, %pad3A_1308 : vector<8x128xf32>
    %eq3A = arith.constant 0 : i32
    %eq3A_1310 = arith.cmpi eq, %arg0, %eq3A : i32
    %convert_element_type3A_1311 = arith.extui %eq3A_1310 : i1 to i32
    %cond3A = arith.constant 0 : i32
    %cond3A_1312 = arith.cmpi ne, %convert_element_type3A_1311, %cond3A : i32
    scf.if %cond3A_1312 {
      %swap3A_1322 = arith.constant 0 : index
      %swap3A_1323 = arith.constant 0 : index
      %swap3A_1324 = vector.load %arg4[%swap3A_1322, %swap3A_1323] : memref<8x1024xf32, #tpu.memory_space<vmem>>, vector<8x128xf32>
      tpu.vector_store %arg4[%swap3A_1322, %swap3A_1323], %add3A_1263 {strides = array<i32>} : memref<8x1024xf32, #tpu.memory_space<vmem>>, vector<8x128xf32>,
      %swap3A_1325 = arith.constant 0 : index
      %swap3A_1326 = arith.constant 128 : index
      %swap3A_1327 = vector.load %arg4[%swap3A_1325, %swap3A_1326] : memref<8x1024xf32, #tpu.memory_space<vmem>>, vector<8x128xf32>
      tpu.vector_store %arg4[%swap3A_1325, %swap3A_1326], %add3A_1269 {strides = array<i32>} : memref<8x1024xf32, #tpu.memory_space<vmem>>, vector<8x128xf32>,
      %swap3A_1328 = arith.constant 0 : index
      %swap3A_1329 = arith.constant 256 : index
      %swap3A_1330 = vector.load %arg4[%swap3A_1328, %swap3A_1329] : memref<8x1024xf32, #tpu.memory_space<vmem>>, vector<8x128xf32>
      tpu.vector_store %arg4[%swap3A_1328, %swap3A_1329], %add3A_1275 {strides = array<i32>} : memref<8x1024xf32, #tpu.memory_space<vmem>>, vector<8x128xf32>,
      %swap3A_1331 = arith.constant 0 : index
      %swap3A_1332 = arith.constant 384 : index
      %swap3A_1333 = vector.load %arg4[%swap3A_1331, %swap3A_1332] : memref<8x1024xf32, #tpu.memory_space<vmem>>, vector<8x128xf32>
      tpu.vector_store %arg4[%swap3A_1331, %swap3A_1332], %add3A_1281 {strides = array<i32>} : memref<8x1024xf32, #tpu.memory_space<vmem>>, vector<8x128xf32>,
      %swap3A_1334 = arith.constant 0 : index
      %swap3A_1335 = arith.constant 512 : index
      %swap3A_1336 = vector.load %arg4[%swap3A_1334, %swap3A_1335] : memref<8x1024xf32, #tpu.memory_space<vmem>>, vector<8x128xf32>
      tpu.vector_store %arg4[%swap3A_1334, %swap3A_1335], %add3A_1287 {strides = array<i32>} : memref<8x1024xf32, #tpu.memory_space<vmem>>, vector<8x128xf32>,
      %swap3A_1337 = arith.constant 0 : index
      %swap3A_1338 = arith.constant 640 : index
      %swap3A_1339 = vector.load %arg4[%swap3A_1337, %swap3A_1338] : memref<8x1024xf32, #tpu.memory_space<vmem>>, vector<8x128xf32>
      tpu.vector_store %arg4[%swap3A_1337, %swap3A_1338], %add3A_1293 {strides = array<i32>} : memref<8x1024xf32, #tpu.memory_space<vmem>>, vector<8x128xf32>,
      %swap3A_1340 = arith.constant 0 : index
      %swap3A_1341 = arith.constant 768 : index
      %swap3A_1342 = vector.load %arg4[%swap3A_1340, %swap3A_1341] : memref<8x1024xf32, #tpu.memory_space<vmem>>, vector<8x128xf32>
      tpu.vector_store %arg4[%swap3A_1340, %swap3A_1341], %add3A_1299 {strides = array<i32>} : memref<8x1024xf32, #tpu.memory_space<vmem>>, vector<8x128xf32>,
      %swap3A_1343 = arith.constant 0 : index
      %swap3A_1344 = arith.constant 896 : index
      %swap3A_1345 = vector.load %arg4[%swap3A_1343, %swap3A_1344] : memref<8x1024xf32, #tpu.memory_space<vmem>>, vector<8x128xf32>
      tpu.vector_store %arg4[%swap3A_1343, %swap3A_1344], %add3A_1309 {strides = array<i32>} : memref<8x1024xf32, #tpu.memory_space<vmem>>, vector<8x128xf32>,
    } else {
    }
    %ne3A = arith.constant 0 : i32
    %ne3A_1313 = arith.cmpi ne, %arg0, %ne3A : i32
    %convert_element_type3A_1314 = arith.extui %ne3A_1313 : i1 to i32
    %cond3A_1315 = arith.constant 0 : i32
    %cond3A_1316 = arith.cmpi ne, %convert_element_type3A_1314, %cond3A_1315 : i32
    scf.if %cond3A_1316 {
      %get3A_1322 = arith.constant 0 : index
      %get3A_1323 = arith.constant 0 : index
      %get3A_1324 = vector.load %arg4[%get3A_1322, %get3A_1323] : memref<8x1024xf32, #tpu.memory_space<vmem>>, vector<8x128xf32>
      %add3A_1325 = arith.addf %get3A_1324, %add3A_1263 : vector<8x128xf32>
      %swap3A_1326 = arith.constant 0 : index
      %swap3A_1327 = arith.constant 0 : index
      %swap3A_1328 = vector.load %arg4[%swap3A_1326, %swap3A_1327] : memref<8x1024xf32, #tpu.memory_space<vmem>>, vector<8x128xf32>
      tpu.vector_store %arg4[%swap3A_1326, %swap3A_1327], %add3A_1325 {strides = array<i32>} : memref<8x1024xf32, #tpu.memory_space<vmem>>, vector<8x128xf32>,
      %get3A_1329 = arith.constant 0 : index
      %get3A_1330 = arith.constant 128 : index
      %get3A_1331 = vector.load %arg4[%get3A_1329, %get3A_1330] : memref<8x1024xf32, #tpu.memory_space<vmem>>, vector<8x128xf32>
      %add3A_1332 = arith.addf %get3A_1331, %add3A_1269 : vector<8x128xf32>
      %swap3A_1333 = arith.constant 0 : index
      %swap3A_1334 = arith.constant 128 : index
      %swap3A_1335 = vector.load %arg4[%swap3A_1333, %swap3A_1334] : memref<8x1024xf32, #tpu.memory_space<vmem>>, vector<8x128xf32>
      tpu.vector_store %arg4[%swap3A_1333, %swap3A_1334], %add3A_1332 {strides = array<i32>} : memref<8x1024xf32, #tpu.memory_space<vmem>>, vector<8x128xf32>,
      %get3A_1336 = arith.constant 0 : index
      %get3A_1337 = arith.constant 256 : index
      %get3A_1338 = vector.load %arg4[%get3A_1336, %get3A_1337] : memref<8x1024xf32, #tpu.memory_space<vmem>>, vector<8x128xf32>
      %add3A_1339 = arith.addf %get3A_1338, %add3A_1275 : vector<8x128xf32>
      %swap3A_1340 = arith.constant 0 : index
      %swap3A_1341 = arith.constant 256 : index
      %swap3A_1342 = vector.load %arg4[%swap3A_1340, %swap3A_1341] : memref<8x1024xf32, #tpu.memory_space<vmem>>, vector<8x128xf32>
      tpu.vector_store %arg4[%swap3A_1340, %swap3A_1341], %add3A_1339 {strides = array<i32>} : memref<8x1024xf32, #tpu.memory_space<vmem>>, vector<8x128xf32>,
      %get3A_1343 = arith.constant 0 : index
      %get3A_1344 = arith.constant 384 : index
      %get3A_1345 = vector.load %arg4[%get3A_1343, %get3A_1344] : memref<8x1024xf32, #tpu.memory_space<vmem>>, vector<8x128xf32>
      %add3A_1346 = arith.addf %get3A_1345, %add3A_1281 : vector<8x128xf32>
      %swap3A_1347 = arith.constant 0 : index
      %swap3A_1348 = arith.constant 384 : index
      %swap3A_1349 = vector.load %arg4[%swap3A_1347, %swap3A_1348] : memref<8x1024xf32, #tpu.memory_space<vmem>>, vector<8x128xf32>
      tpu.vector_store %arg4[%swap3A_1347, %swap3A_1348], %add3A_1346 {strides = array<i32>} : memref<8x1024xf32, #tpu.memory_space<vmem>>, vector<8x128xf32>,
      %get3A_1350 = arith.constant 0 : index
      %get3A_1351 = arith.constant 512 : index
      %get3A_1352 = vector.load %arg4[%get3A_1350, %get3A_1351] : memref<8x1024xf32, #tpu.memory_space<vmem>>, vector<8x128xf32>
      %add3A_1353 = arith.addf %get3A_1352, %add3A_1287 : vector<8x128xf32>
      %swap3A_1354 = arith.constant 0 : index
      %swap3A_1355 = arith.constant 512 : index
      %swap3A_1356 = vector.load %arg4[%swap3A_1354, %swap3A_1355] : memref<8x1024xf32, #tpu.memory_space<vmem>>, vector<8x128xf32>
      tpu.vector_store %arg4[%swap3A_1354, %swap3A_1355], %add3A_1353 {strides = array<i32>} : memref<8x1024xf32, #tpu.memory_space<vmem>>, vector<8x128xf32>,
      %get3A_1357 = arith.constant 0 : index
      %get3A_1358 = arith.constant 640 : index
      %get3A_1359 = vector.load %arg4[%get3A_1357, %get3A_1358] : memref<8x1024xf32, #tpu.memory_space<vmem>>, vector<8x128xf32>
      %add3A_1360 = arith.addf %get3A_1359, %add3A_1293 : vector<8x128xf32>
      %swap3A_1361 = arith.constant 0 : index
      %swap3A_1362 = arith.constant 640 : index
      %swap3A_1363 = vector.load %arg4[%swap3A_1361, %swap3A_1362] : memref<8x1024xf32, #tpu.memory_space<vmem>>, vector<8x128xf32>
      tpu.vector_store %arg4[%swap3A_1361, %swap3A_1362], %add3A_1360 {strides = array<i32>} : memref<8x1024xf32, #tpu.memory_space<vmem>>, vector<8x128xf32>,
      %get3A_1364 = arith.constant 0 : index
      %get3A_1365 = arith.constant 768 : index
      %get3A_1366 = vector.load %arg4[%get3A_1364, %get3A_1365] : memref<8x1024xf32, #tpu.memory_space<vmem>>, vector<8x128xf32>
      %add3A_1367 = arith.addf %get3A_1366, %add3A_1299 : vector<8x128xf32>
      %swap3A_1368 = arith.constant 0 : index
      %swap3A_1369 = arith.constant 768 : index
      %swap3A_1370 = vector.load %arg4[%swap3A_1368, %swap3A_1369] : memref<8x1024xf32, #tpu.memory_space<vmem>>, vector<8x128xf32>
      tpu.vector_store %arg4[%swap3A_1368, %swap3A_1369], %add3A_1367 {strides = array<i32>} : memref<8x1024xf32, #tpu.memory_space<vmem>>, vector<8x128xf32>,
      %get3A_1371 = arith.constant 0 : index
      %get3A_1372 = arith.constant 896 : index
      %get3A_1373 = vector.load %arg4[%get3A_1371, %get3A_1372] : memref<8x1024xf32, #tpu.memory_space<vmem>>, vector<8x128xf32>
      %add3A_1374 = arith.addf %get3A_1373, %add3A_1309 : vector<8x128xf32>
      %swap3A_1375 = arith.constant 0 : index
      %swap3A_1376 = arith.constant 896 : index
      %swap3A_1377 = vector.load %arg4[%swap3A_1375, %swap3A_1376] : memref<8x1024xf32, #tpu.memory_space<vmem>>, vector<8x128xf32>
      tpu.vector_store %arg4[%swap3A_1375, %swap3A_1376], %add3A_1374 {strides = array<i32>} : memref<8x1024xf32, #tpu.memory_space<vmem>>, vector<8x128xf32>,
    } else {
    }
    %eq3A_1317 = arith.constant 4 : i32
    %eq3A_1318 = arith.cmpi eq, %arg0, %eq3A_1317 : i32
    %convert_element_type3A_1319 = arith.extui %eq3A_1318 : i1 to i32
    %cond3A_1320 = arith.constant 0 : i32
    %cond3A_1321 = arith.cmpi ne, %convert_element_type3A_1319, %cond3A_1320 : i32
    scf.if %cond3A_1321 {
      %get3A_1322 = arith.constant 0 : index
      %get3A_1323 = arith.constant 0 : index
      %get3A_1324 = vector.load %arg4[%get3A_1322, %get3A_1323] : memref<8x1024xf32, #tpu.memory_space<vmem>>, vector<8x1024xf32>
      %reduce_sum3A = vector.shape_cast %get3A_1324 : vector<8x1024xf32> to vector<1x8x1024xf32>
      %reduce_sum3A_1325 = arith.constant dense<0.000000e+00> : vector<1xf32>
      %reduce_sum3A_1326 = vector.multi_reduction <add>, %reduce_sum3A, %reduce_sum3A_1325 [1, 2] : vector<1x8x1024xf32> to vector<1xf32>
      %reduce_sum3A_1327 = vector.shape_cast %reduce_sum3A_1326 : vector<1xf32> to vector<1x1x1xf32>
      %reduce_sum3A_1328 = vector.extract %reduce_sum3A_1327[0, 0, 0] : f32 from vector<1x1x1xf32>
      %log3A = math.log %reduce_sum3A_1328 : f32
      %broadcast_in_dim3A_1329 = vector.broadcast %log3A : f32 to vector<1x128xf32>
      %swap3A_1330 = arith.constant 0 : index
      %swap3A_1331 = arith.constant 0 : index
      %swap3A_1332 = vector.load %arg3[%swap3A_1330, %swap3A_1331] : memref<1x128xf32, #tpu.memory_space<vmem>>, vector<1x128xf32>
      tpu.vector_store %arg3[%swap3A_1330, %swap3A_1331], %broadcast_in_dim3A_1329 {strides = array<i32>} : memref<1x128xf32, #tpu.memory_space<vmem>>, vector<1x128xf32>,
    } else {
    }
    return
  }
  func.func @transform_0(%arg0: i32) -> (i32, i32) {
    %c0_i32 = arith.constant 0 : i32
    %c0_i32_0 = arith.constant 0 : i32
    return %arg0, %c0_i32 : i32, i32
  }
  func.func @transform_1(%arg0: i32) -> (i32, i32) {
    %c0_i32 = arith.constant 0 : i32
    %c0_i32_0 = arith.constant 0 : i32
    return %arg0, %c0_i32 : i32, i32
  }
  func.func @transform_2(%arg0: i32) -> (i32, i32) {
    %c0_i32 = arith.constant 0 : i32
    %c0_i32_0 = arith.constant 0 : i32
    %c0_i32_1 = arith.constant 0 : i32
    return %c0_i32, %c0_i32_0 : i32, i32
  }
}

</mosaic_0001>

<sc_bundles>
// kernel: kernel.4.cloned.1.call-start
scs
__scs_entry_jumppad:
0x0: {  	(pc) =	sbr.rel $0x88, $3  }
0x1: {  	(tag) =	ssettag $0x0;
	lr =	simm.s32 $0x1  }
0x2: {  	[smem:$0x3F9E] =	sst lr;
	_ =	strace $0xD0000000  }
0x3: {  	_ = 	snop  }
0x4: {  	_ = 	snop  }
0x5: {  	_ = 	snop  }
0x6: {  	_ = 	snop  }
0x7: {  	_ = 	snop  }
__scs_overlays_trampoline_lowered:
0x8: {  	[smem:$0x3FAD] =	sst s0  }
0x9: {  	[smem:$0x3FAE] =	sst s1  }
0xa: {  	[smem:$0x3FAF] =	sst s2  }
0xb: {  	[smem:$0x3FB0] =	sst s3  }
0xc: {  	[smem:$0x3FB1] =	sst s4  }
0xd: {  	[smem:$0x3FB2] =	sst s5  }
0xe: {  	[smem:$0x3FB3] =	sst s6  }
0xf: {  	[smem:$0x3FB4] =	sst s7  }
0x10: {  	[smem:$0x3FB5] =	sst s8  }
0x11: {  	[smem:$0x3FB6] =	sst s9;
	s0 =	simm.s32 @!p0 $0x0  }
0x12: {  	s1 =	sld [smem:$0x3F9C];
	s0 =	simm.s32 @p0 $0x1  }
0x13: {  	[smem:$0x3FB7] =	sst s0;
	s0 =	simm.s32 @!p1 $0x0  }
0x14: {  	s2 =	sld [smem:$0x3F9B];
	s0 =	simm.s32 @p1 $0x1  }
0x15: {  	[smem:$0x3FB8] =	sst s0;
	s0 =	simm.s32 @!p2 $0x0  }
0x16: {  	s3 =	sld [smem:$0x3FDB];
	s0 =	simm.s32 @p2 $0x1  }
0x17: {  	s4 =	simm.s32 $0x1BF5;
	[smem:$0x3FBA] =	sst s0  }
0x18: {  	s0 =	sld [smem:$0x3F9D];
	_ =	swait.ge [sflag:s4], $0x0  }
0x19: {  	s7 =	sld [smem:$0x3F9E]  }
0x1a: {  	s8 =	sadd.s32 $0xFFFFE003, lr  }
0x1b: {  	s9 =	sadd.s32 $0xFFFFFEF7, lr;
	s5 =	simm.s32 $0xFFFFFFFF;
	p2 =	slt.u32 s8, $0xFFFFF086  }
0x1c: {  	p1 =	slt.u32 s9, $0xF7A;
	s5 =	simm.s32 @!p2 $0x0  }
0x1d: {  	s5 =	simm.s32 @p1 $0x1;
	p0 =	seq.s32 s7, s2  }
0x1e: {  	s7 =	smul.u32 @!p0 $0xF7A, s2;
	p2 =	seq.s32 @!p0 s5, $0x0  }
0x1f: {  	s9 =	smul.u32 $0xF7A, s1;
	s8 =	simm.s32 @!p0 $0x1BF5;
	p2 =	por !p2, p0  }
0x20: {  	[sflag:s8] =	ssyncset.s32 @!p0 $0xFFFFF086;
	s6 =	sadd.s32 @!p0 s3, s7;
	s7 =	simm.s32 @!p0 $0x108  }
0x21: {  	s3 =	sadd.s32 s3, s9;
	s6 =	sadd.s32 @!p0 $0x88, s6;
	s7 =	simm.s32 @p2 $0x1082  }
0x22: {  	[simem:s7], [sflag:s8] =	dma.local @!p0 [hbm:s6], $0xF7A  }
0x23: {  	s9 =	sor.u32 $0xD0000000, s2;
	s6 =	simm.s32 $0x108;
	_ =	swait.ge @!p0 [sflag:s8], $0x0  }
0x24: {  	s3 =	sadd.s32 $0x88, s3;
	s6 =	simm.s32 @!p1 $0x1082;
	[sflag:s4] =	ssyncset.s32 $0xFFFFF086  }
0x25: {  	[simem:s6], [sflag:s4] =	dma.local [hbm:s3], $0xF7A  }
0x26: {  	[smem:$0x3F9E] =	sst s1;
	(tag) =	ssettag s2;
	_ =	strace s9  }
0x27: {  	s1 =	sld [smem:$0x3FAE]  }
0x28: {  	s2 =	sld [smem:$0x3FAF]  }
0x29: {  	s4 =	sld [smem:$0x3FB1]  }
0x2a: {  	p0 =	seq.s32 s5, $0x0;
	s5 =	sld [smem:$0x3FB2]  }
0x2b: {  	s6 =	sld [smem:$0x3FB3]  }
0x2c: {  	s7 =	sld [smem:$0x3FB4]  }
0x2d: {  	s3 =	simm.s32 $0x108;
	s8 =	sld [smem:$0x3FB5]  }
0x2e: {  	s3 =	simm.s32 @!p0 $0x1082;
	s9 =	sld [smem:$0x3FB6]  }
0x2f: {  	lr =	sadd.s32 s0, s3;
	s0 =	sld [smem:$0x3FAD]  }
0x30: {  	s3 =	sld [smem:$0x3FB0]  }
0x31: {  	[smem:$0x3FB9] =	sst s10  }
0x32: {  	s10 =	sld [smem:$0x3FB7];
	_ =	sdelay $0x3  }
0x33: {  	p0 =	seq.s32 s10, $0x1;
	s10 =	sld [smem:$0x3FB9];
	_ =	sdelay $0x3  }
0x34: {  	[smem:$0x3FB9] =	sst s10  }
0x35: {  	s10 =	sld [smem:$0x3FB8];
	_ =	sdelay $0x3  }
0x36: {  	p1 =	seq.s32 s10, $0x1;
	s10 =	sld [smem:$0x3FB9];
	_ =	sdelay $0x3  }
0x37: {  	[smem:$0x3FB9] =	sst s10  }
0x38: {  	s10 =	sld [smem:$0x3FBA]  }
0x39: {  	_ = 	snop;
	(pc) =	sbr.ind lr, $3  }
0x3a: {  	_ = 	snop  }
0x3b: {  	_ = 	snop  }
0x3c: {  	p2 =	seq.s32 s10, $0x1;
	s10 =	sld [smem:$0x3FB9]  }
0x3d: {  	_ =	shalt  }
0x3e: {  	_ =	shalt  }
0x3f: {  	_ =	shalt  }
0x40: {  	_ =	shalt  }
0x41: {  	_ =	shalt  }
0x42: {  	_ =	shalt  }
0x43: {  	_ =	shalt  }
0x44: {  	_ =	shalt  }
0x45: {  	_ =	shalt  }
0x46: {  	_ =	shalt  }
0x47: {  	_ =	shalt  }
0x48: {  	_ =	shalt  }
0x49: {  	_ =	shalt  }
0x4a: {  	_ =	shalt  }
0x4b: {  	_ =	shalt  }
0x4c: {  	_ =	shalt  }
0x4d: {  	_ =	shalt  }
0x4e: {  	_ =	shalt  }
0x4f: {  	_ =	shalt  }
0x50: {  	_ =	shalt  }
0x51: {  	_ =	shalt  }
0x52: {  	_ =	shalt  }
0x53: {  	_ =	shalt  }
0x54: {  	_ =	shalt  }
0x55: {  	_ =	shalt  }
0x56: {  	_ =	shalt  }
0x57: {  	_ =	shalt  }
0x58: {  	_ =	shalt  }
0x59: {  	_ =	shalt  }
0x5a: {  	_ =	shalt  }
0x5b: {  	_ =	shalt  }
0x5c: {  	_ =	shalt  }
0x5d: {  	_ =	shalt  }
0x5e: {  	_ =	shalt  }
0x5f: {  	_ =	shalt  }
0x60: {  	_ =	shalt  }
0x61: {  	_ =	shalt  }
0x62: {  	_ =	shalt  }
0x63: {  	_ =	shalt  }
0x64: {  	_ =	shalt  }
0x65: {  	_ =	shalt  }
0x66: {  	_ =	shalt  }
0x67: {  	_ =	shalt  }
0x68: {  	_ =	shalt  }
0x69: {  	_ =	shalt  }
0x6a: {  	_ =	shalt  }
0x6b: {  	_ =	shalt  }
0x6c: {  	_ =	shalt  }
0x6d: {  	_ =	shalt  }
0x6e: {  	_ =	shalt  }
0x6f: {  	_ =	shalt  }
0x70: {  	_ =	shalt  }
0x71: {  	_ =	shalt  }
0x72: {  	_ =	shalt  }
0x73: {  	_ =	shalt  }
0x74: {  	_ =	shalt  }
0x75: {  	_ =	shalt  }
0x76: {  	_ =	shalt  }
0x77: {  	_ =	shalt  }
0x78: {  	_ =	shalt  }
0x79: {  	_ =	shalt  }
0x7a: {  	_ =	shalt  }
0x7b: {  	_ =	shalt  }
0x7c: {  	_ =	shalt  }
0x7d: {  	_ =	shalt  }
0x7e: {  	_ =	shalt  }
0x7f: {  	_ =	shalt  }
0x80: {  	_ =	shalt  }
0x81: {  	_ =	shalt  }
0x82: {  	_ =	shalt  }
0x83: {  	_ =	shalt  }
0x84: {  	_ =	shalt  }
0x85: {  	_ =	shalt  }
0x86: {  	_ =	shalt  }
0x87: {  	_ =	shalt  }
.Lfunc_end0:
.L_simem_size_0:
called_computation_lowered:
.L_overlay_start_0:
0x88: {  	s2 =	sld [smem:$0x3FD9]  }
0x89: {  	s3 =	sld [smem:$0x3FFE];
	_ =	sdelay $0x1  }
0x8a: {  	s1 =	srdreg.scid  }
0x8b: {  	s0 =	sand.u32 $0x1, s1  }
0x8c: {  	s17 =	sshll.u32 s0, $0xA;
	s2 =	sadd.s32 s3, s2  }
0x8d: {  	s2 =	sadd.s32 s2, s17  }
0x8e: {  	[smem:$0x3FC5] =	sst s2  }
0x8f: {  	_ = 	snop  }
0x90: {  	s2 =	sld [smem:$0x3FC9]  }
0x91: {  	s18 =	sld [smem:$0x3FC8]  }
0x92: {  	s4 =	sld [smem:$0x3FD0];
	(tm) =	ssettm $0x1  }
0x93: {  	s5 =	sld [smem:$0x3FFB];
	_ =	sdelay $0x3  }
0x94: {  	_ =	strace s5  }
0x95: {  	s5 =	sld [smem:$0x3FFC];
	_ =	sdelay $0x3  }
0x96: {  	_ =	strace s5  }
0x97: {  	s5 =	sld [smem:$0x3FFD];
	_ =	sdelay $0x3  }
0x98: {  	_ =	strace s5  }
0x99: {  	_ =	strace $0x8FFFFFFF  }
0x9a: {  	s19 =	sld [smem:$0x3FDB];
	_ =	sdelay $0x1  }
0x9b: {  	s6 =	simm.s32 $_scs_section_size  }
0x9c: {  	s7 =	simm.s32 $_size__tile_overlayer_lowered;
	s8 =	simm.s32 $_tile_overlayer_lowered  }
0x9d: {  	s22 =	simm.s32 $0x1BFF;
	s21 =	sshll.u32 s8, $0x1;
	s5 =	sadd.s32 s6, s19  }
0x9e: {  	s9 =	simm.s32 $0x0;
	s20 =	sshll.u32 s7, $0x1;
	s7 =	sadd.s32 s21, s5  }
0x9f: {  	[timem:s9], [sflag:s22] =	dma.local [hbm:s7], s20  }
0xa0: {  	_ =	swait.ge [sflag:s22], s20  }
0xa1: {  	s6 =	ssub.s32 $0x0, s20;
	[sflag:s22] =	ssyncset.done $0x0  }
0xa2: {  	[sflag:s22] =	ssyncadd.s32 s6;
	_ =	sdelay $0x1  }
0xa3: {  	s23 =	simm.s32 $0x1B8B  }
0xa4: {  	_ =	swait.ge [sflag:s23], $0x1  }
0xa5: {  	[sflag:s23] =	ssyncset.done $0x0  }
0xa6: {  	s25 =	simm.s32 $0x1B8E;
	s24 =	sld [smem:$0x3FFE];
	[sflag:s23] =	ssyncadd.s32 $0xFFFFFFFF  }
0xa7: {  	s26 =	simm.s32 $execute0_lowered;
	[smem:$0x3FD2] =	sst s25  }
0xa8: {  	s7 =	sshll.u32 s26, $0x1;
	_ =	strace $0x80000046;
	[dreg:$0x1] =	wrdreg $0xFFFFFFFF  }
0xa9: {  	s28 =	simm.s32 $_size_execute0_lowered;
	s5 =	sadd.s32 s5, s7;
	[dreg:$0x0] =	wrdreg $0x0  }
0xaa: {  	s7 =	sshll.u32 s28, $0x1;
	[dreg:$0x2] =	wrdreg s5  }
0xab: {  	[dreg:$0x3] =	wrdreg s7  }
0xac: {  	[dreg:$0x4] =	wrdreg $0xC0  }
0xad: {  	_ =	task [dreg:s9], $0x5FFFF  }
0xae: {  	[dreg:$0x1] =	wrdreg $0xFFFFFFFF  }
0xaf: {  	[dreg:$0x0] =	wrdreg $0x60  }
0xb0: {  	[dreg:$0x2] =	wrdreg s2  }
0xb1: {  	[dreg:$0x3] =	wrdreg s18  }
0xb2: {  	[dreg:$0x4] =	wrdreg s24  }
0xb3: {  	[dreg:$0x5] =	wrdreg s4  }
0xb4: {  	[dreg:$0x6] =	wrdreg $0x9  }
0xb5: {  	_ =	task.clear_ibuf [dreg:s9], $0x7FFFF;
	_ =	strace $0x90000046  }
0xb6: {  	s29 =	simm.s32 $0x9;
	_ =	strace $0x80000048  }
0xb7: {  	_ =	swait.ge [sflag:s29], $0x1  }
0xb8: {  	[sflag:s29] =	ssyncadd.s32 $0xFFFFFFFF  }
0xb9: {  	_ =	strace $0x90000048  }
0xba: {  	_ =	sfence  }
0xbb: {  	s30 =	sld [smem:$0x0];
	_ =	sdelay $0x2  }
0xbc: {  	s31 =	sshll.u32 s1, $0xD;
	s1 =	sshrl.u32 s1, $0x2  }
0xbd: {  	s3 =	sand.u32 $0x4000, s31;
	s1 =	sadd.s32 s1, s30  }
0xbe: {  	s0 =	sor.u32 s3, s0;
	s1 =	sshll.u32 s1, $0x11  }
0xbf: {  	s0 =	sor.u32 s1, s0  }
0xc0: {  	s0 =	sadd.s32 $0x8F2B, s0  }
0xc1: {  	[sflag:s0] =	ssyncadd.remote.s32 $0x1  }
0xc2: {  	_ =	sfence.sel $0xFFFF  }
0xc3: {  	[dreg:$0x0] =	wrdreg $0xFFFFFFFF;
	(pc) =	sbr.abs _section_cstart, $3  }
0xc4: {  	[dreg:$0x1] =	wrdreg $0xFFFFFFFF  }
0xc5: {  	_ =	task.clear_ibuf [dreg:s9], $0x2FFFF;
	_ =	strace $0x9FFFFFFF  }
0xc6: {  	(tm) =	ssettm $0x7FFFFFFF  }
0xc7: {  	_ =	shalt  }
tec
execute0_lowered:
.L_overlay_start_1:
0x0: {  	(tag) =	ssettag $0x1  }
0x1: {  	s5 =	rddreg [dreg:$0x0]  }
0x2: {  	s6 =	rddreg [dreg:$0x1]  }
0x3: {  	s4 =	rddreg [dreg:$0x2]  }
0x4: {  	s7 =	rddreg [dreg:$0x3]  }
0x5: {  	s0 =	rddreg [dreg:$0x4];
	s1 =	simm.s32 $0x0  }
0x6: {  	s8 =	srdreg.scid;
	s2 =	stileid.u32;
	s12 =	simm.s32 $0x400  }
0x7: {  	s13 =	simm.s32 $0x600;
	s14 =	simm.s32 $0x480;
	s15 =	simm.s32 $0x680  }
0x8: {  	s16 =	simm.s32 $0x500;
	s17 =	simm.s32 $0x700;
	s18 =	simm.s32 $0x580  }
0x9: {  	s19 =	simm.s32 $0x780;
	s20 =	simm.s32 $0x800;
	s21 =	simm.s32 $0x2  }
0xa: {  	[smem:$0x7FF] =	sst s1;
	s3 =	sadd.s32 $0xC00, s4;
	s8 =	sand.u32 $0x1, s8  }
0xb: {  	s10 =	sshll.u32 s2, $0x7;
	s4 =	sadd.s32 $0x20000, s4;
	s9 =	ssub.s32 $0x2, s8  }
0xc: {  	_ =	strace $0x80000047;
	s8 =	sshll.u32 s8, $0x6;
	s11 =	sshrl.u32 s9, $0x1  }
0xd: {  	s8 =	sor.u32 s8, s10;
	s10 =	simm.s32 $0x1;
	s9 =	ssub.s32 s9, s11  }
0xe: {  	s5 =	sadd.s32 s5, s8;
	s6 =	sadd.s32 s6, s8;
	s7 =	sadd.s32 s7, s8  }
0xf: {  	s11 =	simm.s32 $0x80;
	s8 =	smax.u32 s9, $0x1;
	s9 =	simm.s32 $0x200  }
.LBB2_1:
0x10: {  	[tilespmem:s1], [sflag:$0x1] =	stream.linear.gather [hbm4b:s5+s1], $0x200, $0x38;
	[tilespmem:$0x880] =	vst v63  }
0x11: {  	_ = 	snop  }
0x12: {  	[tilespmem:s9], [sflag:$0x1] =	stream.linear.gather [hbm4b:s6+s1], $0x200, $0x38;
	[tilespmem:$0x880] =	vst v63  }
0x13: {  	_ =	swait.ge [sflag:s10], $0x200  }
0x14: {  	[sflag:s10] =	ssyncset.done $0x0  }
0x15: {  	[sflag:s10] =	ssyncadd.s32 $0xFFFFFE00  }
0x16: {  	_ =	swait.ge [sflag:s10], $0x200  }
0x17: {  	[sflag:s10] =	ssyncset.done $0x0  }
0x18: {  	[sflag:s10] =	ssyncadd.s32 $0xFFFFFE00  }
0x19: {  	v0 =	vld [tilespmem:$0x0]  }
0x1a: {  	v1 =	vld [tilespmem:$0x200]  }
0x1b: {  	v2 =	vld [tilespmem:$0x10]  }
0x1c: {  	v3 =	vld [tilespmem:$0x210]  }
0x1d: {  	v6 =	vld [tilespmem:$0x20]  }
0x1e: {  	v7 =	vld [tilespmem:$0x220]  }
0x1f: {  	v8 =	vld [tilespmem:$0x30]  }
0x20: {  	v19 =	vld [tilespmem:$0x230]  }
0x21: {  	v10 =	vld [tilespmem:$0x40]  }
0x22: {  	v21 =	vld [tilespmem:$0x240]  }
0x23: {  	v27 =	vld [tilespmem:$0x50]  }
0x24: {  	v11 =	vld [tilespmem:$0x250];
	v4 =	vshll.u32 v0, $0xA  }
0x25: {  	v33 =	vld [tilespmem:$0x60];
	v5 =	vshll.u32 v1, $0x3;
	v0 =	vshll.u32 v0, $0x7;
	v17 =	vshll.u32 v2, $0xA  }
0x26: {  	v35 =	vld [tilespmem:$0x260];
	v18 =	vshll.u32 v3, $0x3;
	v2 =	vshll.u32 v2, $0x7;
	v1 =	vand.u32 $0x7F, v1  }
0x27: {  	v13 =	vld [tilespmem:$0x70];
	v20 =	vshll.u32 v6, $0xA;
	v9 =	vshll.u32 v7, $0x3;
	v6 =	vshll.u32 v6, $0x7  }
0x28: {  	v37 =	vld [tilespmem:$0x270];
	v3 =	vand.u32 $0x7F, v3;
	v24 =	vand.u32 $0x7F, v7;
	v25 =	vshll.u32 v8, $0xA  }
0x29: {  	v26 =	vshll.u32 v19, $0x3;
	v8 =	vshll.u32 v8, $0x7;
	v30 =	vshll.u32 v10, $0xA  }
0x2a: {  	v31 =	vshll.u32 v21, $0x3;
	v32 =	vshll.u32 v10, $0x7;
	v36 =	vshll.u32 v27, $0xA  }
0x2b: {  	v12 =	vshll.u32 v11, $0x3;
	v7 =	vshll.u32 v27, $0x7;
	v39 =	vand.u32 $0x7F, v11  }
0x2c: {  	v40 =	vshll.u32 v33, $0xA;
	v41 =	vshll.u32 v35, $0x3;
	v44 =	vshll.u32 v33, $0x7  }
0x2d: {  	v47 =	vshll.u32 v13, $0xA;
	v48 =	vshll.u32 v37, $0x3;
	v50 =	vshll.u32 v13, $0x7  }
0x2e: {  	v51 =	vand.u32 $0x7F, v35;
	v4 =	vand.u32 $0xFFFFE000, v4;
	v5 =	vand.u32 $0xFFFFFC00, v5  }
0x2f: {  	v0 =	vand.u32 $0x380, v0;
	v2 =	vand.u32 $0x380, v2;
	v9 =	vand.u32 $0xFFFFFC00, v9  }
0x30: {  	v6 =	vand.u32 $0x380, v6;
	v29 =	vand.u32 $0x380, v8;
	v34 =	vand.u32 $0x380, v32  }
0x31: {  	v12 =	vand.u32 $0xFFFFFC00, v12;
	v7 =	vand.u32 $0x380, v7;
	v42 =	vand.u32 $0xFFFFE000, v40  }
0x32: {  	v43 =	vand.u32 $0xFFFFFC00, v41;
	v46 =	vand.u32 $0x380, v44;
	v4 =	vadd.s32 v4, v5  }
0x33: {  	v5 =	vand.u32 $0xFFFFFC00, v18;
	v0 =	vor.u32 v0, v4;
	v4 =	vand.u32 $0xFFFFE000, v17  }
0x34: {  	v49 =	vand.u32 $0xFFFFFC00, v48;
	v52 =	vand.u32 $0x380, v50;
	v4 =	vadd.s32 v4, v5  }
0x35: {  	v0 =	vor.u32 v1, v0;
	v2 =	vor.u32 v2, v4;
	v4 =	vand.u32 $0xFFFFE000, v20  }
0x36: {  	v5 =	vand.u32 $0x7F, v19;
	[tilespmem:$0x400] =	vst v0;
	v0 =	vadd.s32 v42, v43;
	v4 =	vadd.s32 v4, v9  }
0x37: {  	v22 =	vor.u32 v3, v2;
	v9 =	vand.u32 $0x7F, v21;
	v0 =	vor.u32 v46, v0  }
0x38: {  	v23 =	vor.u32 v6, v4;
	v4 =	vand.u32 $0xFFFFE000, v25;
	v6 =	vand.u32 $0xFFFFFC00, v26  }
0x39: {  	v0 =	vor.u32 v51, v0;
	v2 =	vor.u32 v24, v23;
	v28 =	vadd.s32 v4, v6  }
0x3a: {  	[tilespmem:$0x410] =	vst v22;
	v4 =	vand.u32 $0xFFFFE000, v30;
	v6 =	vand.u32 $0xFFFFFC00, v31;
	v3 =	vor.u32 v29, v28  }
0x3b: {  	v4 =	vadd.s32 v4, v6;
	v6 =	vand.u32 $0xFFFFE000, v36;
	[tilespmem:$0x420] =	vst v2;
	v2 =	vand.u32 $0xFFFFE000, v47  }
0x3c: {  	[tilespmem:$0x460] =	vst v0;
	v4 =	vor.u32 v34, v4;
	v6 =	vadd.s32 v6, v12;
	v3 =	vor.u32 v5, v3  }
0x3d: {  	v2 =	vadd.s32 v2, v49;
	v4 =	vor.u32 v9, v4;
	v38 =	vor.u32 v7, v6;
	[tilespmem:$0x430] =	vst v3  }
0x3e: {  	v54 =	vand.u32 $0x7F, v37;
	v53 =	vor.u32 v52, v2;
	v45 =	vor.u32 v39, v38;
	[tilespmem:$0x440] =	vst v4  }
0x3f: {  	v55 =	vor.u32 v54, v53;
	[tilespmem:$0x450] =	vst v45  }
0x40: {  	[tilespmem:$0x470] =	vst v55  }
0x41: {  	[tilespmem:s13], [sflag:$0x1] =	stream.indirect.gather [hbm4b:s3+s11], $0x1, s12, s11, $0xb8;
	[tilespmem:$0x880] =	vst v63  }
0x42: {  	v56 =	vld [tilespmem:$0x80]  }
0x43: {  	v57 =	vld [tilespmem:$0x280]  }
0x44: {  	v58 =	vld [tilespmem:$0x90]  }
0x45: {  	v59 =	vld [tilespmem:$0x290]  }
0x46: {  	v62 =	vld [tilespmem:$0xA0]  }
0x47: {  	v63 =	vld [tilespmem:$0x2A0]  }
0x48: {  	v13 =	vld [tilespmem:$0xB0]  }
0x49: {  	v14 =	vld [tilespmem:$0x2B0]  }
0x4a: {  	v17 =	vld [tilespmem:$0xC0]  }
0x4b: {  	v18 =	vld [tilespmem:$0x2C0]  }
0x4c: {  	v24 =	vld [tilespmem:$0xD0]  }
0x4d: {  	v25 =	vld [tilespmem:$0x2D0];
	v60 =	vshll.u32 v56, $0xA  }
0x4e: {  	v31 =	vld [tilespmem:$0xE0];
	v61 =	vshll.u32 v57, $0x3;
	v0 =	vshll.u32 v56, $0x7;
	v11 =	vshll.u32 v58, $0xA  }
0x4f: {  	v33 =	vld [tilespmem:$0x2E0];
	v12 =	vshll.u32 v59, $0x3;
	v2 =	vshll.u32 v58, $0x7;
	v1 =	vand.u32 $0x7F, v57  }
0x50: {  	v36 =	vld [tilespmem:$0xF0];
	v15 =	vshll.u32 v62, $0xA;
	v16 =	vshll.u32 v63, $0x3;
	v6 =	vshll.u32 v62, $0x7  }
0x51: {  	v37 =	vld [tilespmem:$0x2F0];
	v3 =	vand.u32 $0x7F, v59;
	v21 =	vand.u32 $0x7F, v63;
	v22 =	vshll.u32 v13, $0xA  }
0x52: {  	v23 =	vshll.u32 v14, $0x3;
	v8 =	vshll.u32 v13, $0x7;
	v28 =	vshll.u32 v17, $0xA  }
0x53: {  	v29 =	vshll.u32 v18, $0x3;
	v30 =	vshll.u32 v17, $0x7;
	v34 =	vshll.u32 v24, $0xA  }
0x54: {  	v35 =	vshll.u32 v25, $0x3;
	v7 =	vshll.u32 v24, $0x7;
	v39 =	vand.u32 $0x7F, v25  }
0x55: {  	v40 =	vshll.u32 v31, $0xA;
	v41 =	vshll.u32 v33, $0x3;
	v44 =	vshll.u32 v31, $0x7  }
0x56: {  	v47 =	vshll.u32 v36, $0xA;
	v48 =	vshll.u32 v37, $0x3;
	v50 =	vshll.u32 v36, $0x7  }
0x57: {  	v51 =	vand.u32 $0x7F, v33;
	v4 =	vand.u32 $0xFFFFE000, v60;
	v5 =	vand.u32 $0xFFFFFC00, v61  }
0x58: {  	v0 =	vand.u32 $0x380, v0;
	v2 =	vand.u32 $0x380, v2;
	v9 =	vand.u32 $0xFFFFFC00, v16  }
0x59: {  	v6 =	vand.u32 $0x380, v6;
	v27 =	vand.u32 $0x380, v8;
	v32 =	vand.u32 $0x380, v30  }
0x5a: {  	v7 =	vand.u32 $0x380, v7;
	v42 =	vand.u32 $0xFFFFE000, v40;
	v43 =	vand.u32 $0xFFFFFC00, v41  }
0x5b: {  	v46 =	vand.u32 $0x380, v44;
	v49 =	vand.u32 $0xFFFFFC00, v48;
	v4 =	vadd.s32 v4, v5  }
0x5c: {  	v5 =	vand.u32 $0xFFFFFC00, v12;
	v0 =	vor.u32 v0, v4;
	v4 =	vand.u32 $0xFFFFE000, v11  }
0x5d: {  	v52 =	vand.u32 $0x380, v50;
	v12 =	vand.u32 $0xFFFFFC00, v35;
	v4 =	vadd.s32 v4, v5  }
0x5e: {  	v0 =	vor.u32 v1, v0;
	v2 =	vor.u32 v2, v4;
	v4 =	vand.u32 $0xFFFFE000, v15  }
0x5f: {  	v5 =	vand.u32 $0x7F, v14;
	[tilespmem:$0x480] =	vst v0;
	v0 =	vadd.s32 v42, v43;
	v4 =	vadd.s32 v4, v9  }
0x60: {  	v19 =	vor.u32 v3, v2;
	v9 =	vand.u32 $0x7F, v18;
	v0 =	vor.u32 v46, v0  }
0x61: {  	v20 =	vor.u32 v6, v4;
	v4 =	vand.u32 $0xFFFFE000, v22;
	v6 =	vand.u32 $0xFFFFFC00, v23  }
0x62: {  	v0 =	vor.u32 v51, v0;
	v2 =	vor.u32 v21, v20;
	v26 =	vadd.s32 v4, v6  }
0x63: {  	[tilespmem:$0x490] =	vst v19;
	v4 =	vand.u32 $0xFFFFE000, v28;
	v6 =	vand.u32 $0xFFFFFC00, v29;
	v3 =	vor.u32 v27, v26  }
0x64: {  	v4 =	vadd.s32 v4, v6;
	v6 =	vand.u32 $0xFFFFE000, v34;
	[tilespmem:$0x4A0] =	vst v2;
	v2 =	vand.u32 $0xFFFFE000, v47  }
0x65: {  	[tilespmem:$0x4E0] =	vst v0;
	v4 =	vor.u32 v32, v4;
	v6 =	vadd.s32 v6, v12;
	v3 =	vor.u32 v5, v3  }
0x66: {  	v2 =	vadd.s32 v2, v49;
	v4 =	vor.u32 v9, v4;
	v38 =	vor.u32 v7, v6;
	[tilespmem:$0x4B0] =	vst v3  }
0x67: {  	v54 =	vand.u32 $0x7F, v37;
	v53 =	vor.u32 v52, v2;
	v45 =	vor.u32 v39, v38;
	[tilespmem:$0x4C0] =	vst v4  }
0x68: {  	v55 =	vor.u32 v54, v53;
	[tilespmem:$0x4D0] =	vst v45  }
0x69: {  	[tilespmem:$0x4F0] =	vst v55  }
0x6a: {  	[tilespmem:s15], [sflag:$0x1] =	stream.indirect.gather [hbm4b:s3+s11], $0x1, s14, s11, $0xb8;
	[tilespmem:$0x880] =	vst v63  }
0x6b: {  	v56 =	vld [tilespmem:$0x100]  }
0x6c: {  	v57 =	vld [tilespmem:$0x300]  }
0x6d: {  	v58 =	vld [tilespmem:$0x110]  }
0x6e: {  	v59 =	vld [tilespmem:$0x310]  }
0x6f: {  	v62 =	vld [tilespmem:$0x120]  }
0x70: {  	v63 =	vld [tilespmem:$0x320]  }
0x71: {  	v14 =	vld [tilespmem:$0x130]  }
0x72: {  	v15 =	vld [tilespmem:$0x330]  }
0x73: {  	v18 =	vld [tilespmem:$0x140]  }
0x74: {  	v19 =	vld [tilespmem:$0x340]  }
0x75: {  	v25 =	vld [tilespmem:$0x150]  }
0x76: {  	v26 =	vld [tilespmem:$0x350];
	v60 =	vshll.u32 v56, $0xA  }
0x77: {  	v32 =	vld [tilespmem:$0x160];
	v61 =	vshll.u32 v57, $0x3;
	v0 =	vshll.u32 v56, $0x7;
	v12 =	vshll.u32 v58, $0xA  }
0x78: {  	v34 =	vld [tilespmem:$0x360];
	v13 =	vshll.u32 v59, $0x3;
	v2 =	vshll.u32 v58, $0x7;
	v1 =	vand.u32 $0x7F, v57  }
0x79: {  	v37 =	vld [tilespmem:$0x170];
	v16 =	vshll.u32 v62, $0xA;
	v17 =	vshll.u32 v63, $0x3;
	v6 =	vshll.u32 v62, $0x7  }
0x7a: {  	v38 =	vld [tilespmem:$0x370];
	v3 =	vand.u32 $0x7F, v59;
	v22 =	vand.u32 $0x7F, v63;
	v23 =	vshll.u32 v14, $0xA  }
0x7b: {  	v24 =	vshll.u32 v15, $0x3;
	v8 =	vshll.u32 v14, $0x7;
	v29 =	vshll.u32 v18, $0xA  }
0x7c: {  	v30 =	vshll.u32 v19, $0x3;
	v31 =	vshll.u32 v18, $0x7;
	v35 =	vshll.u32 v25, $0xA  }
0x7d: {  	v36 =	vshll.u32 v26, $0x3;
	v7 =	vshll.u32 v25, $0x7;
	v40 =	vand.u32 $0x7F, v26  }
0x7e: {  	v41 =	vshll.u32 v32, $0xA;
	v42 =	vshll.u32 v34, $0x3;
	v45 =	vshll.u32 v32, $0x7  }
0x7f: {  	v48 =	vshll.u32 v37, $0xA;
	v49 =	vshll.u32 v38, $0x3;
	v51 =	vshll.u32 v37, $0x7  }
0x80: {  	v52 =	vand.u32 $0x7F, v34;
	v4 =	vand.u32 $0xFFFFE000, v60;
	v5 =	vand.u32 $0xFFFFFC00, v61  }
0x81: {  	v0 =	vand.u32 $0x380, v0;
	v2 =	vand.u32 $0x380, v2;
	v9 =	vand.u32 $0xFFFFFC00, v17  }
0x82: {  	v6 =	vand.u32 $0x380, v6;
	v28 =	vand.u32 $0x380, v8;
	v33 =	vand.u32 $0x380, v31  }
0x83: {  	v7 =	vand.u32 $0x380, v7;
	v43 =	vand.u32 $0xFFFFE000, v41;
	v44 =	vand.u32 $0xFFFFFC00, v42  }
0x84: {  	v47 =	vand.u32 $0x380, v45;
	v50 =	vand.u32 $0xFFFFFC00, v49;
	v4 =	vadd.s32 v4, v5  }
0x85: {  	v5 =	vand.u32 $0xFFFFFC00, v13;
	v0 =	vor.u32 v0, v4;
	v4 =	vand.u32 $0xFFFFE000, v12  }
0x86: {  	v53 =	vand.u32 $0x380, v51;
	v12 =	vand.u32 $0xFFFFFC00, v36;
	v4 =	vadd.s32 v4, v5  }
0x87: {  	v0 =	vor.u32 v1, v0;
	v2 =	vor.u32 v2, v4;
	v4 =	vand.u32 $0xFFFFE000, v16  }
0x88: {  	v5 =	vand.u32 $0x7F, v15;
	[tilespmem:$0x500] =	vst v0;
	v0 =	vadd.s32 v43, v44;
	v4 =	vadd.s32 v4, v9  }
0x89: {  	v20 =	vor.u32 v3, v2;
	v9 =	vand.u32 $0x7F, v19;
	v0 =	vor.u32 v47, v0  }
0x8a: {  	v21 =	vor.u32 v6, v4;
	v4 =	vand.u32 $0xFFFFE000, v23;
	v6 =	vand.u32 $0xFFFFFC00, v24  }
0x8b: {  	v0 =	vor.u32 v52, v0;
	v2 =	vor.u32 v22, v21;
	v27 =	vadd.s32 v4, v6  }
0x8c: {  	[tilespmem:$0x510] =	vst v20;
	v4 =	vand.u32 $0xFFFFE000, v29;
	v6 =	vand.u32 $0xFFFFFC00, v30;
	v3 =	vor.u32 v28, v27  }
0x8d: {  	v4 =	vadd.s32 v4, v6;
	v6 =	vand.u32 $0xFFFFE000, v35;
	[tilespmem:$0x520] =	vst v2;
	v2 =	vand.u32 $0xFFFFE000, v48  }
0x8e: {  	[tilespmem:$0x560] =	vst v0;
	v4 =	vor.u32 v33, v4;
	v6 =	vadd.s32 v6, v12;
	v3 =	vor.u32 v5, v3  }
0x8f: {  	v2 =	vadd.s32 v2, v50;
	v4 =	vor.u32 v9, v4;
	v39 =	vor.u32 v7, v6;
	[tilespmem:$0x530] =	vst v3  }
0x90: {  	v55 =	vand.u32 $0x7F, v38;
	v54 =	vor.u32 v53, v2;
	v46 =	vor.u32 v40, v39;
	[tilespmem:$0x540] =	vst v4  }
0x91: {  	v56 =	vor.u32 v55, v54;
	[tilespmem:$0x550] =	vst v46  }
0x92: {  	[tilespmem:$0x570] =	vst v56  }
0x93: {  	[tilespmem:s17], [sflag:$0x1] =	stream.indirect.gather [hbm4b:s3+s11], $0x1, s16, s11, $0xb8;
	[tilespmem:$0x880] =	vst v63  }
0x94: {  	v57 =	vld [tilespmem:$0x180]  }
0x95: {  	v58 =	vld [tilespmem:$0x380]  }
0x96: {  	v59 =	vld [tilespmem:$0x190]  }
0x97: {  	v60 =	vld [tilespmem:$0x390]  }
0x98: {  	v63 =	vld [tilespmem:$0x1A0]  }
0x99: {  	v12 =	vld [tilespmem:$0x3A0]  }
0x9a: {  	v15 =	vld [tilespmem:$0x1B0]  }
0x9b: {  	v16 =	vld [tilespmem:$0x3B0]  }
0x9c: {  	v19 =	vld [tilespmem:$0x1C0]  }
0x9d: {  	v20 =	vld [tilespmem:$0x3C0]  }
0x9e: {  	v26 =	vld [tilespmem:$0x1D0]  }
0x9f: {  	v27 =	vld [tilespmem:$0x3D0];
	v61 =	vshll.u32 v57, $0xA  }
0xa0: {  	v33 =	vld [tilespmem:$0x1E0];
	v62 =	vshll.u32 v58, $0x3;
	v0 =	vshll.u32 v57, $0x7;
	v13 =	vshll.u32 v59, $0xA  }
0xa1: {  	v35 =	vld [tilespmem:$0x3E0];
	v14 =	vshll.u32 v60, $0x3;
	v2 =	vshll.u32 v59, $0x7;
	v1 =	vand.u32 $0x7F, v58  }
0xa2: {  	v38 =	vld [tilespmem:$0x1F0];
	v17 =	vshll.u32 v63, $0xA;
	v18 =	vshll.u32 v12, $0x3;
	v6 =	vshll.u32 v63, $0x7  }
0xa3: {  	v39 =	vld [tilespmem:$0x3F0];
	v3 =	vand.u32 $0x7F, v60;
	v23 =	vand.u32 $0x7F, v12;
	v24 =	vshll.u32 v15, $0xA  }
0xa4: {  	v25 =	vshll.u32 v16, $0x3;
	v8 =	vshll.u32 v15, $0x7;
	v30 =	vshll.u32 v19, $0xA  }
0xa5: {  	v31 =	vshll.u32 v20, $0x3;
	v32 =	vshll.u32 v19, $0x7;
	v36 =	vshll.u32 v26, $0xA  }
0xa6: {  	v37 =	vshll.u32 v27, $0x3;
	v7 =	vshll.u32 v26, $0x7;
	v41 =	vand.u32 $0x7F, v27  }
0xa7: {  	v42 =	vshll.u32 v33, $0xA;
	v43 =	vshll.u32 v35, $0x3;
	v46 =	vshll.u32 v33, $0x7  }
0xa8: {  	v49 =	vshll.u32 v38, $0xA;
	v50 =	vshll.u32 v39, $0x3;
	v52 =	vshll.u32 v38, $0x7  }
0xa9: {  	v53 =	vand.u32 $0x7F, v35;
	v4 =	vand.u32 $0xFFFFE000, v61;
	v5 =	vand.u32 $0xFFFFFC00, v62  }
0xaa: {  	v0 =	vand.u32 $0x380, v0;
	v2 =	vand.u32 $0x380, v2;
	v9 =	vand.u32 $0xFFFFFC00, v18  }
0xab: {  	v6 =	vand.u32 $0x380, v6;
	v29 =	vand.u32 $0x380, v8;
	v34 =	vand.u32 $0x380, v32  }
0xac: {  	v12 =	vand.u32 $0xFFFFFC00, v37;
	v7 =	vand.u32 $0x380, v7;
	v44 =	vand.u32 $0xFFFFE000, v42  }
0xad: {  	v45 =	vand.u32 $0xFFFFFC00, v43;
	v48 =	vand.u32 $0x380, v46;
	v4 =	vadd.s32 v4, v5  }
0xae: {  	v5 =	vand.u32 $0xFFFFFC00, v14;
	v0 =	vor.u32 v0, v4;
	v4 =	vand.u32 $0xFFFFE000, v13  }
0xaf: {  	v51 =	vand.u32 $0xFFFFFC00, v50;
	v54 =	vand.u32 $0x380, v52;
	v4 =	vadd.s32 v4, v5  }
0xb0: {  	v0 =	vor.u32 v1, v0;
	v2 =	vor.u32 v2, v4;
	v4 =	vand.u32 $0xFFFFE000, v17  }
0xb1: {  	v5 =	vand.u32 $0x7F, v16;
	[tilespmem:$0x580] =	vst v0;
	v0 =	vadd.s32 v44, v45;
	v4 =	vadd.s32 v4, v9  }
0xb2: {  	v21 =	vor.u32 v3, v2;
	v9 =	vand.u32 $0x7F, v20;
	v0 =	vor.u32 v48, v0  }
0xb3: {  	v22 =	vor.u32 v6, v4;
	v4 =	vand.u32 $0xFFFFE000, v24;
	v6 =	vand.u32 $0xFFFFFC00, v25  }
0xb4: {  	v0 =	vor.u32 v53, v0;
	v2 =	vor.u32 v23, v22;
	v28 =	vadd.s32 v4, v6  }
0xb5: {  	[tilespmem:$0x590] =	vst v21;
	v4 =	vand.u32 $0xFFFFE000, v30;
	v6 =	vand.u32 $0xFFFFFC00, v31;
	v3 =	vor.u32 v29, v28  }
0xb6: {  	v4 =	vadd.s32 v4, v6;
	v6 =	vand.u32 $0xFFFFE000, v36;
	[tilespmem:$0x5A0] =	vst v2;
	v2 =	vand.u32 $0xFFFFE000, v49  }
0xb7: {  	[tilespmem:$0x5E0] =	vst v0;
	v4 =	vor.u32 v34, v4;
	v6 =	vadd.s32 v6, v12;
	v3 =	vor.u32 v5, v3  }
0xb8: {  	v2 =	vadd.s32 v2, v51;
	v4 =	vor.u32 v9, v4;
	v40 =	vor.u32 v7, v6;
	[tilespmem:$0x5B0] =	vst v3  }
0xb9: {  	v56 =	vand.u32 $0x7F, v39;
	v55 =	vor.u32 v54, v2;
	v47 =	vor.u32 v41, v40;
	[tilespmem:$0x5C0] =	vst v4  }
0xba: {  	v57 =	vor.u32 v56, v55;
	[tilespmem:$0x5D0] =	vst v47  }
0xbb: {  	[tilespmem:$0x5F0] =	vst v57  }
0xbc: {  	[tilespmem:s19], [sflag:$0x1] =	stream.indirect.gather [hbm4b:s3+s11], $0x1, s18, s11, $0xb8;
	[tilespmem:$0x880] =	vst v63  }
0xbd: {  	_ = 	snop  }
0xbe: {  	[tilespmem:s20], [sflag:$0x2] =	stream.linear.gather [hbm4b:s4+s1], $0x80, $0x38;
	[tilespmem:$0x880] =	vst v63  }
0xbf: {  	_ =	swait.ge [sflag:s21], $0x80  }
0xc0: {  	[sflag:s21] =	ssyncset.done $0x0  }
0xc1: {  	[sflag:s21] =	ssyncadd.s32 $0xFFFFFF80  }
0xc2: {  	_ =	swait.ge [sflag:s10], $0x80  }
0xc3: {  	[sflag:s10] =	ssyncset.done $0x0  }
0xc4: {  	[sflag:s10] =	ssyncadd.s32 $0xFFFFFF80  }
0xc5: {  	_ =	swait.ge [sflag:s10], $0x80  }
0xc6: {  	[sflag:s10] =	ssyncset.done $0x0  }
0xc7: {  	[sflag:s10] =	ssyncadd.s32 $0xFFFFFF80  }
0xc8: {  	_ =	swait.ge [sflag:s10], $0x80  }
0xc9: {  	[sflag:s10] =	ssyncset.done $0x0  }
0xca: {  	[sflag:s10] =	ssyncadd.s32 $0xFFFFFF80  }
0xcb: {  	_ =	swait.ge [sflag:s10], $0x80  }
0xcc: {  	[sflag:s10] =	ssyncset.done $0x0  }
0xcd: {  	[sflag:s10] =	ssyncadd.s32 $0xFFFFFF80  }
0xce: {  	v0 =	vld [tilespmem:$0x800]  }
0xcf: {  	v58 =	vld [tilespmem:$0x600]  }
0xd0: {  	v59 =	vld [tilespmem:$0x610]  }
0xd1: {  	v60 =	vld [tilespmem:$0x620]  }
0xd2: {  	v61 =	vld [tilespmem:$0x630]  }
0xd3: {  	v62 =	vld [tilespmem:$0x640]  }
0xd4: {  	v63 =	vld [tilespmem:$0x650];
	v1 =	vsub.f32 v58, v0  }
0xd5: {  	v9 =	vld [tilespmem:$0x660];
	v2 =	vsub.f32 v59, v0  }
0xd6: {  	v11 =	vld [tilespmem:$0x670];
	v10 =	vsub.f32 v60, v0;
	[tilespmem:$0x600] =	vst v1  }
0xd7: {  	v13 =	vld [tilespmem:$0x680];
	v12 =	vsub.f32 v61, v0;
	[tilespmem:$0x610] =	vst v2  }
0xd8: {  	v15 =	vld [tilespmem:$0x690];
	v14 =	vsub.f32 v62, v0;
	[tilespmem:$0x620] =	vst v10  }
0xd9: {  	v17 =	vld [tilespmem:$0x6A0];
	v16 =	vsub.f32 v63, v0;
	[tilespmem:$0x630] =	vst v12  }
0xda: {  	v19 =	vld [tilespmem:$0x6B0];
	v18 =	vsub.f32 v9, v0;
	[tilespmem:$0x640] =	vst v14  }
0xdb: {  	v21 =	vld [tilespmem:$0x6C0];
	v20 =	vsub.f32 v11, v0;
	[tilespmem:$0x650] =	vst v16  }
0xdc: {  	v23 =	vld [tilespmem:$0x6D0];
	v22 =	vsub.f32 v13, v0;
	[tilespmem:$0x660] =	vst v18  }
0xdd: {  	v25 =	vld [tilespmem:$0x6E0];
	v24 =	vsub.f32 v15, v0;
	[tilespmem:$0x670] =	vst v20  }
0xde: {  	v27 =	vld [tilespmem:$0x6F0];
	v26 =	vsub.f32 v17, v0;
	[tilespmem:$0x680] =	vst v22  }
0xdf: {  	v29 =	vld [tilespmem:$0x700];
	v28 =	vsub.f32 v19, v0;
	[tilespmem:$0x690] =	vst v24  }
0xe0: {  	v31 =	vld [tilespmem:$0x710];
	v30 =	vsub.f32 v21, v0;
	[tilespmem:$0x6A0] =	vst v26  }
0xe1: {  	v33 =	vld [tilespmem:$0x720];
	v32 =	vsub.f32 v23, v0;
	[tilespmem:$0x6B0] =	vst v28  }
0xe2: {  	v35 =	vld [tilespmem:$0x730];
	v34 =	vsub.f32 v25, v0;
	[tilespmem:$0x6C0] =	vst v30  }
0xe3: {  	v37 =	vld [tilespmem:$0x740];
	v36 =	vsub.f32 v27, v0;
	[tilespmem:$0x6D0] =	vst v32  }
0xe4: {  	v39 =	vld [tilespmem:$0x750];
	v38 =	vsub.f32 v29, v0;
	[tilespmem:$0x6E0] =	vst v34  }
0xe5: {  	v41 =	vld [tilespmem:$0x760];
	v40 =	vsub.f32 v31, v0;
	[tilespmem:$0x6F0] =	vst v36  }
0xe6: {  	v43 =	vld [tilespmem:$0x770];
	v42 =	vsub.f32 v33, v0;
	[tilespmem:$0x700] =	vst v38  }
0xe7: {  	v45 =	vld [tilespmem:$0x780];
	v44 =	vsub.f32 v35, v0;
	[tilespmem:$0x710] =	vst v40  }
0xe8: {  	v47 =	vld [tilespmem:$0x790];
	v46 =	vsub.f32 v37, v0;
	[tilespmem:$0x720] =	vst v42  }
0xe9: {  	v49 =	vld [tilespmem:$0x7A0];
	v48 =	vsub.f32 v39, v0;
	[tilespmem:$0x730] =	vst v44  }
0xea: {  	v51 =	vld [tilespmem:$0x7B0];
	v50 =	vsub.f32 v41, v0;
	[tilespmem:$0x740] =	vst v46  }
0xeb: {  	v53 =	vld [tilespmem:$0x7C0];
	v52 =	vsub.f32 v43, v0;
	[tilespmem:$0x750] =	vst v48  }
0xec: {  	v55 =	vld [tilespmem:$0x7D0];
	v54 =	vsub.f32 v45, v0;
	[tilespmem:$0x760] =	vst v50  }
0xed: {  	v57 =	vld [tilespmem:$0x7E0];
	v56 =	vsub.f32 v47, v0;
	[tilespmem:$0x770] =	vst v52  }
0xee: {  	v58 =	vsub.f32 v49, v0;
	v59 =	vld [tilespmem:$0x7F0];
	[tilespmem:$0x780] =	vst v54  }
0xef: {  	v60 =	vsub.f32 v51, v0;
	[tilespmem:$0x790] =	vst v56  }
0xf0: {  	v61 =	vsub.f32 v53, v0;
	[tilespmem:$0x7A0] =	vst v58  }
0xf1: {  	v62 =	vsub.f32 v55, v0;
	[tilespmem:$0x7B0] =	vst v60  }
0xf2: {  	v63 =	vsub.f32 v57, v0;
	[tilespmem:$0x7C0] =	vst v61  }
0xf3: {  	[tilespmem:$0x7D0] =	vst v62;
	v0 =	vsub.f32 v59, v0  }
0xf4: {  	p0 =	sne.s32 s8, $0x1;
	[tilespmem:$0x7E0] =	vst v63  }
.Ltmp0:
0xf5: {  	[tilespmem:$0x7F0] =	vst v0;
	(pc) =	sbr.rel @p0 .LBB2_1-.Ltmp0, $4  }
0xf6: {  	[hbm4b:s7+s1] =	stream.linear.scatter [tilespmem:s13], [sflag:$0x2], $0x200, $0x38;
	[tilespmem:$0x880] =	vst v63  }
0xf7: {  	_ =	swait.ge [sflag:s21], $0x200  }
0xf8: {  	[sflag:s21] =	ssyncset.done $0x0  }
0xf9: {  	s8 =	sadd.s32 $0xFFFFFFFF, s8;
	[sflag:s21] =	ssyncadd.s32 $0xFFFFFE00  }
0xfa: {  	_ =	sfence.sel $0x180000  }
0xfb: {  	[bflag:$0x0] =	sbarrier.arrive $0xFFFF  }
0xfc: {  	p0 =	sne.s32 s2, $0x0;
	_ =	strace $0x90000047  }
0xfd: {  	s0 =	sadd.s32 @!p0 $0x100000, s0;
	[bflag:$0x2] =	sbarrier.arrive $0xFFFF  }
0xfe: {  	[sflag:s0] =	ssyncadd.tile.s32 @!p0 $0x1;
	_ =	shalt  }
.Lfunc_end2:
_tile_overlayer_lowered:
.L_overlay_start_2:
0xff: {  	(tag) =	ssettag $0x2  }
0x100: {  	s0 =	rddreg [dreg:$0x0];
	s2 =	stileid.u32  }
0x101: {  	s1 =	rddreg [dreg:$0x1];
	p0 =	sne.s32 s2, $0x0  }
0x102: {  	s3 =	rddreg [dreg:$0x2];
	[bflag:$0x3] =	sbarrier.arrive $0xFFFF;
	s2 =	simm.s32 @!p0 $0x1C02  }
0x103: {  	[timem:s3], [sflag:s2] =	dma.local @!p0 [hbm:s0], s1  }
0x104: {  	s0 =	simm.s32 @!p0 $0x2  }
0x105: {  	_ =	swait.ge @!p0 [sflag:s0], s1  }
0x106: {  	s1 =	ssub.s32 @!p0 $0x0, s1;
	[sflag:s0] =	ssyncset.done @!p0 $0x0  }
0x107: {  	[sflag:s0] =	ssyncadd.s32 @!p0 s1  }
0x108: {  	[bflag:$0x3] =	sbarrier.arrive $0xFFFF  }
0x109: {  	_ =	shalt  }

</sc_bundles>
